<compile_context>
chip_gen: v7x
topology: tpu7x:2x2x1
jax: 0.10.2.dev20260603
libtpu: 0.0.44.dev20260713+nightly
codegen_flags: <defaults>
</compile_context>

<pallas_src>
import functools

import jax
import jax.numpy as jnp
from jax import lax
from jax.experimental import pallas as pl
from jax.experimental.pallas import tpu as pltpu
from jax.experimental.pallas import tpu_sc as plsc

N = 4096
G = 128
K = 16
D = 28
DP = 32
RBF = 8
RC = 5.0
ZMAX = 100
RB = 128
NBLK = N // RB
RBR = 256
CW = 256
NBLKR = N // RBR
EB = 2048
KDP = K * DP
ERB = 512
BIG = 1e10
NW = 32
CH = (N * K) // NW // 128


def _topk_kernel(scal_ref, posr_ref, post_ref, batr_ref, batt_ref, z_ref,
                 emb_ref, bd2_ref, bid_ref, nodes_ref, cache_ref):
    i = pl.program_id(0)
    ws_blk = scal_ref[0, i]
    nch = scal_ref[1, i]

    rowid = i * RBR + lax.broadcasted_iota(jnp.int32, (1, RBR), 1)
    br = batt_ref[:, pl.ds(i * RBR, RBR)]
    prw = post_ref[:, pl.ds(i * RBR, RBR)]

    def cand_d2(c):
        off = (ws_blk + c) * CW
        pc = posr_ref[pl.ds(off, CW), :]
        d2 = ((pc[:, 0:1] - prw[0:1, :]) ** 2
              + (pc[:, 1:2] - prw[1:2, :]) ** 2
              + (pc[:, 2:3] - prw[2:3, :]) ** 2)
        bc = batr_ref[pl.ds(off, CW), :]
        gcol = off + lax.broadcasted_iota(jnp.int32, (CW, 1), 0)
        mask = (bc == br) & (gcol != rowid)
        return jnp.where(mask, d2, BIG), off

    bd2_ref[...] = jnp.full((K, RBR), BIG, jnp.float32)
    IBIG = jnp.int32(2**30)

    def chunk_body(c, carry):
        cand, _ = cand_d2(c)
        cache_ref[pl.ds(c * CW, CW), :] = cand
        comb = jnp.concatenate([bd2_ref[...], cand], axis=0)
        ms = []
        for k in range(K):
            m = jnp.min(comb, axis=0, keepdims=True)
            ms.append(m)
            comb = jnp.where(comb == m, BIG, comb)
        bd2_ref[...] = jnp.concatenate(ms, axis=0)
        return carry

    lax.fori_loop(0, nch, chunk_body, 0)

    nid_ref = bid_ref
    nid_ref[...] = jnp.full((K, RBR), IBIG, jnp.int32)
    bd = bd2_ref[...]

    def id_body(c, carry):
        cand = cache_ref[pl.ds(c * CW, CW), :]
        off = (ws_blk + c) * CW
        gcs = off + lax.broadcasted_iota(jnp.int32, (CW, 1), 0)
        ids = []
        for k in range(K):
            mk = cand == bd[k:k + 1, :]
            ids.append(jnp.min(jnp.where(mk, gcs, IBIG), axis=0,
                               keepdims=True))
        idcat = jnp.concatenate(ids, axis=0)
        nid_ref[...] = jnp.minimum(nid_ref[...], idcat)
        return carry

    lax.fori_loop(0, nch, id_body, 0)
    bid_ref[...] = jnp.clip(nid_ref[...], 0, N - 1)

    zoh = (z_ref[...] == lax.broadcasted_iota(jnp.int32, (1, 128), 1)
           ).astype(jnp.float32)
    nodes_ref[...] = jnp.dot(zoh, emb_ref[...],
                             precision=lax.Precision.HIGHEST,
                             preferred_element_type=jnp.float32)


def _geom_kernel(d2_ref, dist_ref, g_ref):
    d2 = d2_ref[...]
    dist = jnp.sqrt(d2 + 1e-12)
    dc = jnp.minimum(dist, RC)
    fc = 0.5 * (jnp.cos(jnp.pi * dc / RC) + 1.0)
    valid = (d2 < 1e9).astype(jnp.float32)
    dist_ref[...] = dist
    g_ref[...] = fc * valid


def _edge_kernel(dist_ref, g_ref, e4_ref, e1_ref, b1_ref, e2_ref, e3_ref,
                 out_ref):
    dw = jnp.dot(dist_ref[...], e4_ref[...],
                 precision=lax.Precision.HIGHEST,
                 preferred_element_type=jnp.float32)
    cen = (RC / (RBF - 1)) * (
        lax.broadcasted_iota(jnp.int32, (1, K * RBF), 1) & (RBF - 1)
    ).astype(jnp.float32)
    rbf = jnp.exp(-10.0 * (dw - cen) ** 2)
    h = jax.nn.silu(jnp.dot(rbf, e1_ref[...],
                            preferred_element_type=jnp.float32) + b1_ref[...])
    we = jnp.dot(h, e2_ref[...], preferred_element_type=jnp.float32)
    gw = jnp.dot(g_ref[...], e3_ref[...],
                 precision=lax.Precision.HIGHEST,
                 preferred_element_type=jnp.float32)
    out_ref[...] = we * gw


def _interact_kernel(nbr_ref, wfc_ref, h_ref, s_ref, ws_ref, wm_ref, out_ref):
    prod = nbr_ref[...] * wfc_ref[...]
    msg = jnp.dot(prod, s_ref[...],
                  precision=lax.Precision.HIGHEST,
                  preferred_element_type=jnp.float32)
    h = h_ref[...]
    out_ref[...] = jax.nn.silu(
        jnp.dot(h, ws_ref[...], preferred_element_type=jnp.float32)
        + jnp.dot(msg, wm_ref[...], preferred_element_type=jnp.float32))


def _final_kernel(nbr_ref, wfc_ref, h_ref, s_ref, ws_ref, wm_ref, w1_ref,
                  w2_ref, z_ref, shift_ref, batr_ref, out_ref):
    i = pl.program_id(0)
    prod = nbr_ref[...] * wfc_ref[...]
    msg = jnp.dot(prod, s_ref[...],
                  precision=lax.Precision.HIGHEST,
                  preferred_element_type=jnp.float32)
    h = h_ref[...]
    h2 = jax.nn.silu(
        jnp.dot(h, ws_ref[...], preferred_element_type=jnp.float32)
        + jnp.dot(msg, wm_ref[...], preferred_element_type=jnp.float32))
    t = jax.nn.silu(jnp.dot(h2, w1_ref[...],
                            preferred_element_type=jnp.float32))
    ae = jnp.dot(t, w2_ref[...], preferred_element_type=jnp.float32)
    zoh = (z_ref[...] == lax.broadcasted_iota(jnp.int32, (1, 128), 1)
           ).astype(jnp.float32)
    ae = ae + jnp.dot(zoh, shift_ref[...], precision=lax.Precision.HIGHEST,
                      preferred_element_type=jnp.float32)
    boh = (batr_ref[...] == lax.broadcasted_iota(jnp.int32, (1, G), 1)
           ).astype(jnp.float32)
    contrib = jnp.sum(boh * ae, axis=0, keepdims=True)

    @pl.when(i == 0)
    def _():
        out_ref[...] = jnp.zeros((1, G), jnp.float32)

    out_ref[...] += contrib


def _sc_gather(table, idx3):
    mesh = plsc.VectorSubcoreMesh(core_axis_name="c", subcore_axis_name="s")

    @functools.partial(
        pl.kernel,
        out_type=jax.ShapeDtypeStruct((NW * CH * 128, DP), jnp.float32),
        mesh=mesh,
        compiler_params=pltpu.CompilerParams(use_tc_tiling_on_sc=False),
        scratch_types=[
            pltpu.VMEM((CH, 128), jnp.int32),
            pltpu.VMEM((CH * 128, DP), jnp.float32),
            pltpu.SemaphoreType.DMA,
        ],
    )
    def gk(table_hbm, idx_hbm, out_hbm, idx_v, rows_v, sem):
        w = lax.axis_index("s") * 2 + lax.axis_index("c")
        pltpu.sync_copy(idx_hbm.at[w], idx_v)
        copies = [
            pltpu.async_copy(table_hbm.at[idx_v.at[j]],
                             rows_v.at[pl.ds(j * 128, 128)], sem)
            for j in range(CH)
        ]
        for c in copies:
            c.wait()
        pltpu.sync_copy(rows_v, out_hbm.at[pl.ds(w * CH * 128, CH * 128)])

    return gk(table, idx3)


def kernel(z, pos, batch, emb, W_rbf1, b_rbf1, W_rbf2, W_self, W_msg, W1, W2,
           shift):
    pos = pos.astype(jnp.float32)
    posT = pos.T
    batch = batch.astype(jnp.int32)
    batr = batch.reshape(N, 1)
    batt = batch.reshape(1, N)
    z2 = z.astype(jnp.int32).reshape(N, 1)

    emb_p = jnp.zeros((128, DP), jnp.float32).at[:ZMAX, :D].set(emb)
    w2rbf_p = jnp.zeros((32, DP), jnp.float32).at[:, :D].set(W_rbf2)
    wself_p = jnp.zeros((DP, DP), jnp.float32).at[:D, :D].set(W_self)
    wmsg_p = jnp.zeros((DP, DP), jnp.float32).at[:D, :D].set(W_msg)
    w1_p = jnp.zeros((DP, 32), jnp.float32).at[:D, :].set(W1)
    shift_p = jnp.zeros((128, 1), jnp.float32).at[:ZMAX, :].set(shift)
    b1 = b_rbf1.reshape(1, 32)

    gids = jnp.arange(G, dtype=jnp.int32)
    starts = jnp.searchsorted(batch, gids, side="left").astype(jnp.int32)
    ends = jnp.searchsorted(batch, gids, side="right").astype(jnp.int32)
    bfirst = batch.reshape(NBLKR, RBR)[:, 0]
    blast = batch.reshape(NBLKR, RBR)[:, -1]
    ws_blk = starts[bfirst] // CW
    nch = (ends[blast] - 1) // CW - ws_blk + 1
    scal = jnp.stack([ws_blk, nch]).astype(jnp.int32)

    full = lambda shape: pl.BlockSpec(shape, lambda i, s: (0, 0))
    rowblk = lambda shape: pl.BlockSpec(shape, lambda i, s: (i, 0))

    colblk = lambda shape: pl.BlockSpec(shape, lambda i, s: (0, i))
    bd2t, bidt, nodes = pl.pallas_call(
        _topk_kernel,
        grid_spec=pltpu.PrefetchScalarGridSpec(
            num_scalar_prefetch=1,
            grid=(NBLKR,),
            in_specs=[
                full((N, 3)),
                full((3, N)),
                full((N, 1)),
                full((1, N)),
                rowblk((RBR, 1)),
                full((128, DP)),
            ],
            out_specs=[
                colblk((K, RBR)),
                colblk((K, RBR)),
                rowblk((RBR, DP)),
            ],
            scratch_shapes=[pltpu.VMEM((N, RBR), jnp.float32)],
        ),
        out_shape=[
            jax.ShapeDtypeStruct((K, N), jnp.float32),
            jax.ShapeDtypeStruct((K, N), jnp.int32),
            jax.ShapeDtypeStruct((N, DP), jnp.float32),
        ],
    )(scal, pos, posT, batr, batt, z2, emb_p)

    bd2 = bd2t.T
    bid = bidt.T
    distk, gk = pl.pallas_call(
        _geom_kernel,
        in_specs=[pl.BlockSpec((N, K), lambda: (0, 0))],
        out_specs=[pl.BlockSpec((N, K), lambda: (0, 0)),
                   pl.BlockSpec((N, K), lambda: (0, 0))],
        out_shape=[jax.ShapeDtypeStruct((N, K), jnp.float32),
                   jax.ShapeDtypeStruct((N, K), jnp.float32)],
    )(bd2)

    eye16 = jnp.eye(K, dtype=jnp.float32)
    e4 = jnp.kron(eye16, jnp.ones((1, RBF), jnp.float32))
    e1 = jnp.kron(eye16, W_rbf1)
    b1t = jnp.tile(b_rbf1, K).reshape(1, KDP)
    e2 = jnp.kron(eye16, w2rbf_p)
    e3 = jnp.kron(eye16, jnp.ones((1, DP), jnp.float32))
    smat = jnp.kron(jnp.ones((K, 1), jnp.float32),
                    jnp.eye(DP, dtype=jnp.float32))

    wfc = pl.pallas_call(
        _edge_kernel,
        grid=(N // ERB,),
        in_specs=[
            pl.BlockSpec((ERB, K), lambda i: (i, 0)),
            pl.BlockSpec((ERB, K), lambda i: (i, 0)),
            pl.BlockSpec((K, K * RBF), lambda i: (0, 0)),
            pl.BlockSpec((K * RBF, KDP), lambda i: (0, 0)),
            pl.BlockSpec((1, KDP), lambda i: (0, 0)),
            pl.BlockSpec((KDP, KDP), lambda i: (0, 0)),
            pl.BlockSpec((K, KDP), lambda i: (0, 0)),
        ],
        out_specs=pl.BlockSpec((ERB, KDP), lambda i: (i, 0)),
        out_shape=jax.ShapeDtypeStruct((N, KDP), jnp.float32),
    )(distk, gk, e4, e1, b1t, e2, e3)

    idx3 = bid.reshape(NW, CH, 128)

    def interact(h, final):
        nbr = _sc_gather(h, idx3).reshape(N, KDP)
        if not final:
            return pl.pallas_call(
                _interact_kernel,
                grid=(NBLK,),
                in_specs=[
                    pl.BlockSpec((RB, KDP), lambda i: (i, 0)),
                    pl.BlockSpec((RB, KDP), lambda i: (i, 0)),
                    pl.BlockSpec((RB, DP), lambda i: (i, 0)),
                    pl.BlockSpec((KDP, DP), lambda i: (0, 0)),
                    pl.BlockSpec((DP, DP), lambda i: (0, 0)),
                    pl.BlockSpec((DP, DP), lambda i: (0, 0)),
                ],
                out_specs=pl.BlockSpec((RB, DP), lambda i: (i, 0)),
                out_shape=jax.ShapeDtypeStruct((N, DP), jnp.float32),
            )(nbr, wfc, h, smat, wself_p, wmsg_p)
        return pl.pallas_call(
            _final_kernel,
            grid=(NBLK,),
            in_specs=[
                pl.BlockSpec((RB, KDP), lambda i: (i, 0)),
                pl.BlockSpec((RB, KDP), lambda i: (i, 0)),
                pl.BlockSpec((RB, DP), lambda i: (i, 0)),
                pl.BlockSpec((KDP, DP), lambda i: (0, 0)),
                pl.BlockSpec((DP, DP), lambda i: (0, 0)),
                pl.BlockSpec((DP, DP), lambda i: (0, 0)),
                pl.BlockSpec((DP, 32), lambda i: (0, 0)),
                pl.BlockSpec((32, 1), lambda i: (0, 0)),
                pl.BlockSpec((RB, 1), lambda i: (i, 0)),
                pl.BlockSpec((128, 1), lambda i: (0, 0)),
                pl.BlockSpec((RB, 1), lambda i: (i, 0)),
            ],
            out_specs=pl.BlockSpec((1, G), lambda i: (0, 0)),
            out_shape=jax.ShapeDtypeStruct((1, G), jnp.float32),
        )(nbr, wfc, h, smat, wself_p, wmsg_p, w1_p, W2, z2, shift_p, batr)

    h1 = interact(nodes, final=False)
    eng = interact(h1, final=True)
    return eng.reshape(G, 1)

# --- scband reference (transcript-rebuilt; emitter-appended) ---
"""Pipeline reference for scband-nequ-ip-31885837205753 (READ-ONLY COPY).

The authoritative reference and input builder live on the scoring server;
editing this copy changes nothing except your own understanding.
"""

import jax, jax.numpy as jnp
import numpy as np

N = 4096
G = 128
K = 16
D = 28  # l0dim+l1dim+l2dim = 16+8+4
RBF = 8
RC = 5.0
ZMAX = 100


def setup_inputs(seed: int = 0) -> dict:
    key = jax.random.key(seed)
    ks = jax.random.split(key, 12)
    z = jax.random.randint(ks[0], (N,), 0, ZMAX)
    pos = jax.random.normal(ks[1], (N, 3), dtype=jnp.float32)
    batch = jnp.sort(jax.random.randint(ks[2], (N,), 0, G))
    emb = jax.random.normal(ks[3], (ZMAX, D), dtype=jnp.float32) * 0.1
    W_rbf1 = jax.random.normal(ks[4], (RBF, 32), dtype=jnp.float32) * 0.3
    b_rbf1 = jnp.zeros((32,), dtype=jnp.float32)
    W_rbf2 = jax.random.normal(ks[5], (32, D), dtype=jnp.float32) * 0.3
    W_self = jax.random.normal(ks[6], (D, D), dtype=jnp.float32) * 0.2
    W_msg = jax.random.normal(ks[7], (D, D), dtype=jnp.float32) * 0.2
    W1 = jax.random.normal(ks[8], (D, 32), dtype=jnp.float32) * 0.3
    W2 = jax.random.normal(ks[9], (32, 1), dtype=jnp.float32) * 0.3
    shift = jax.random.normal(ks[10], (ZMAX, 1), dtype=jnp.float32) * 0.1
    return {"z": z, "pos": pos, "batch": batch, "emb": emb,
            "W_rbf1": W_rbf1, "b_rbf1": b_rbf1, "W_rbf2": W_rbf2,
            "W_self": W_self, "W_msg": W_msg, "W1": W1, "W2": W2,
            "shift": shift}


def reference(z, pos, batch, emb, W_rbf1, b_rbf1, W_rbf2, W_self, W_msg, W1, W2, shift):
    centers = jnp.linspace(0.0, RC, RBF)
    gamma = 10.0
    # AtomEmbedding: per-species learned features
    nodes = jnp.take(emb, z, axis=0)  # [N, D]
    # Build kNN radius-style graph restricted to same molecule (batch id)
    d2 = jnp.sum((pos[:, None, :] - pos[None, :, :]) ** 2, axis=-1)  # [N, N]
    same = batch[:, None] == batch[None, :]
    eye = jnp.eye(N, dtype=bool)
    d2m = jnp.where(same & (~eye), d2, 1e10)
    neg, idx = jax.lax.top_k(-jax.lax.stop_gradient(d2m), K)  # idx: [N, K]
    valid = ((-neg) < 1e9).astype(jnp.float32)  # [N, K]
    # differentiable edge geometry via gather
    nbr_pos = jnp.take(pos, idx, axis=0)  # [N, K, 3]
    dvec = nbr_pos - pos[:, None, :]
    dist = jnp.sqrt(jnp.sum(dvec ** 2, axis=-1) + 1e-12)  # [N, K]
    fc = 0.5 * (jnp.cos(jnp.pi * jnp.minimum(dist, RC) / RC) + 1.0) * valid  # cosine cutoff
    rbf = jnp.exp(-gamma * (dist[..., None] - centers) ** 2)  # [N, K, RBF]
    w_edge = jax.nn.silu(rbf @ W_rbf1 + b_rbf1) @ W_rbf2  # [N, K, D]

    def interact(h):
        nbr = jnp.take(h, idx, axis=0)  # [N, K, D] gather neighbor features
        msg = jnp.sum(w_edge * nbr * fc[..., None], axis=1)  # [N, D]
        return jax.nn.silu(h @ W_self + msg @ W_msg)

    # same InteractionBlock applied twice (shared weights, as in the torch module)
    h1 = interact(nodes)
    h2 = interact(h1)
    # OutputBlock: per-atom energy with species shift
    atom_e = jax.nn.silu(h2 @ W1) @ W2 + jnp.take(shift, z, axis=0)  # [N, 1]
    # global_add_pool over molecules
    energy = jax.ops.segment_sum(atom_e, batch, num_segments=G)  # [G, 1]
    return energy

if __name__ == "__main__":
    import jax
    _d = setup_inputs()
    print(jax.jit(kernel)(*tuple(_d.values())))

</pallas_src>

<mosaic_0001>
#map = affine_map<(d0, d1) -> (0, 0)>
#map1 = affine_map<(d0, d1) -> (0, 0, 0)>
module attributes {stable_mosaic.version = 14 : i64} {
  func.func @gk(%arg0: i32, %arg1: i32, %arg2: memref<4096x32xf32, #tpu.memory_space<hbm>>, %arg3: memref<32x16x128xi32, #tpu.memory_space<hbm>>, %arg4: memref<65536x32xf32, #tpu.memory_space<hbm>>, %arg5: memref<16x128xi32, #tpu.memory_space<vmem>>, %arg6: memref<2048x32xf32, #tpu.memory_space<vmem>>, %arg7: memref<!tpu.dma_semaphore, #tpu.memory_space<semaphore_mem>>) attributes {dimension_semantics = [#tpu.dimension_semantics<core_parallel>, #tpu.dimension_semantics<subcore_parallel>], iteration_bounds = array<i64: 2, 16>, scalar_prefetch = 0 : i64, scratch_operands = 3 : i64, tpu.core_type = #tpu.core_type<sc_vector_subcore>, window_params = [{transform_indices = #map}, {transform_indices = #map1}, {transform_indices = #map}]} {
    %mul3A = arith.constant 2 : i32
    %mul3A_0 = arith.muli %arg1, %mul3A : i32
    %add3A = arith.addi %mul3A_0, %arg0 : i32
    "tpu.region"() ({
      %run_scoped3A = tpu.sem_alloc : memref<!tpu.dma_semaphore, #tpu.memory_space<semaphore_mem>>
      %dma_start3A_323 = arith.constant 0 : i32
      %dma_start3A_324 = arith.constant 0 : i32
      %dma_start3A_325 = tpu.memref_slice %arg3[%add3A, %dma_start3A_323, %dma_start3A_324] : memref<32x16x128xi32, #tpu.memory_space<hbm>> -> memref<1x16x128xi32, #tpu.memory_space<hbm>>
      %dma_start3A_326 = tpu.memref_squeeze %dma_start3A_325 : memref<1x16x128xi32, #tpu.memory_space<hbm>> -> memref<16x128xi32, #tpu.memory_space<hbm>>
      %dma_start3A_327 = arith.constant 0 : i32
      %dma_start3A_328 = arith.constant 0 : i32
      %dma_start3A_329 = tpu.memref_slice %arg3[%add3A, %dma_start3A_327, %dma_start3A_328] : memref<32x16x128xi32, #tpu.memory_space<hbm>> -> memref<1x16x128xi32, #tpu.memory_space<hbm>>
      %dma_start3A_330 = tpu.memref_squeeze %dma_start3A_329 : memref<1x16x128xi32, #tpu.memory_space<hbm>> -> memref<16x128xi32, #tpu.memory_space<hbm>>
      tpu.enqueue_dma source(%dma_start3A_330 : memref<16x128xi32, #tpu.memory_space<hbm>>) target(%arg5 : memref<16x128xi32, #tpu.memory_space<vmem>>) target_semaphore(%run_scoped3A : memref<!tpu.dma_semaphore, #tpu.memory_space<semaphore_mem>>)
      %dma_wait3A_331 = arith.constant 0 : i32
      %dma_wait3A_332 = arith.constant 0 : i32
      %dma_wait3A_333 = tpu.memref_slice %arg3[%add3A, %dma_wait3A_331, %dma_wait3A_332] : memref<32x16x128xi32, #tpu.memory_space<hbm>> -> memref<1x16x128xi32, #tpu.memory_space<hbm>>
      %dma_wait3A_334 = tpu.memref_squeeze %dma_wait3A_333 : memref<1x16x128xi32, #tpu.memory_space<hbm>> -> memref<16x128xi32, #tpu.memory_space<hbm>>
      %dma_wait3A_335 = arith.constant 0 : i32
      %dma_wait3A_336 = arith.constant 0 : i32
      %dma_wait3A_337 = tpu.memref_slice %arg3[%add3A, %dma_wait3A_335, %dma_wait3A_336] : memref<32x16x128xi32, #tpu.memory_space<hbm>> -> memref<1x16x128xi32, #tpu.memory_space<hbm>>
      %dma_wait3A_338 = tpu.memref_squeeze %dma_wait3A_337 : memref<1x16x128xi32, #tpu.memory_space<hbm>> -> memref<16x128xi32, #tpu.memory_space<hbm>>
      tpu.wait_dma2 semaphore(%run_scoped3A : memref<!tpu.dma_semaphore, #tpu.memory_space<semaphore_mem>>) src(%dma_wait3A_338 : memref<16x128xi32, #tpu.memory_space<hbm>>) dst(%arg5 : memref<16x128xi32, #tpu.memory_space<vmem>>)
      tpu.yield
    }) : () -> ()
    %dma_start3A = arith.constant 0 : i32
    %dma_start3A_1 = arith.constant 0 : i32
    %dma_start3A_2 = arith.constant 0 : i32
    %dma_start3A_3 = tpu.memref_slice %arg6[%dma_start3A_1, %dma_start3A_2] : memref<2048x32xf32, #tpu.memory_space<vmem>> -> memref<128x32xf32, #tpu.memory_space<vmem>>
    %dma_start3A_4 = arith.constant 0 : i32
    %dma_start3A_5 = tpu.memref_slice %arg5[%dma_start3A, %dma_start3A_4] : memref<16x128xi32, #tpu.memory_space<vmem>> -> memref<1x128xi32, #tpu.memory_space<vmem>>
    %dma_start3A_6 = tpu.memref_squeeze %dma_start3A_5 : memref<1x128xi32, #tpu.memory_space<vmem>> -> memref<128xi32, #tpu.memory_space<vmem>>
    %dma_start3A_7 = arith.constant 0 : i32
    %dma_start3A_8 = arith.constant 0 : i32
    %dma_start3A_9 = tpu.memref_slice %arg2[%dma_start3A_7, %dma_start3A_8] : memref<4096x32xf32, #tpu.memory_space<hbm>> -> memref<4096x32xf32, #tpu.memory_space<hbm>>
    tpu.enqueue_indirect_dma source(%dma_start3A_9 : memref<4096x32xf32, #tpu.memory_space<hbm>>) target(%dma_start3A_3 : memref<128x32xf32, #tpu.memory_space<vmem>>) offsets(%dma_start3A_6 : memref<128xi32, #tpu.memory_space<vmem>>) semaphore(%arg7 : memref<!tpu.dma_semaphore, #tpu.memory_space<semaphore_mem>>)
    %dma_start3A_10 = arith.constant 1 : i32
    %dma_start3A_11 = arith.constant 128 : i32
    %dma_start3A_12 = arith.constant 0 : i32
    %dma_start3A_13 = tpu.memref_slice %arg6[%dma_start3A_11, %dma_start3A_12] : memref<2048x32xf32, #tpu.memory_space<vmem>> -> memref<128x32xf32, #tpu.memory_space<vmem>>
    %dma_start3A_14 = arith.constant 0 : i32
    %dma_start3A_15 = tpu.memref_slice %arg5[%dma_start3A_10, %dma_start3A_14] : memref<16x128xi32, #tpu.memory_space<vmem>> -> memref<1x128xi32, #tpu.memory_space<vmem>>
    %dma_start3A_16 = tpu.memref_squeeze %dma_start3A_15 : memref<1x128xi32, #tpu.memory_space<vmem>> -> memref<128xi32, #tpu.memory_space<vmem>>
    %dma_start3A_17 = arith.constant 0 : i32
    %dma_start3A_18 = arith.constant 0 : i32
    %dma_start3A_19 = tpu.memref_slice %arg2[%dma_start3A_17, %dma_start3A_18] : memref<4096x32xf32, #tpu.memory_space<hbm>> -> memref<4096x32xf32, #tpu.memory_space<hbm>>
    tpu.enqueue_indirect_dma source(%dma_start3A_19 : memref<4096x32xf32, #tpu.memory_space<hbm>>) target(%dma_start3A_13 : memref<128x32xf32, #tpu.memory_space<vmem>>) offsets(%dma_start3A_16 : memref<128xi32, #tpu.memory_space<vmem>>) semaphore(%arg7 : memref<!tpu.dma_semaphore, #tpu.memory_space<semaphore_mem>>)
    %dma_start3A_20 = arith.constant 2 : i32
    %dma_start3A_21 = arith.constant 256 : i32
    %dma_start3A_22 = arith.constant 0 : i32
    %dma_start3A_23 = tpu.memref_slice %arg6[%dma_start3A_21, %dma_start3A_22] : memref<2048x32xf32, #tpu.memory_space<vmem>> -> memref<128x32xf32, #tpu.memory_space<vmem>>
    %dma_start3A_24 = arith.constant 0 : i32
    %dma_start3A_25 = tpu.memref_slice %arg5[%dma_start3A_20, %dma_start3A_24] : memref<16x128xi32, #tpu.memory_space<vmem>> -> memref<1x128xi32, #tpu.memory_space<vmem>>
    %dma_start3A_26 = tpu.memref_squeeze %dma_start3A_25 : memref<1x128xi32, #tpu.memory_space<vmem>> -> memref<128xi32, #tpu.memory_space<vmem>>
    %dma_start3A_27 = arith.constant 0 : i32
    %dma_start3A_28 = arith.constant 0 : i32
    %dma_start3A_29 = tpu.memref_slice %arg2[%dma_start3A_27, %dma_start3A_28] : memref<4096x32xf32, #tpu.memory_space<hbm>> -> memref<4096x32xf32, #tpu.memory_space<hbm>>
    tpu.enqueue_indirect_dma source(%dma_start3A_29 : memref<4096x32xf32, #tpu.memory_space<hbm>>) target(%dma_start3A_23 : memref<128x32xf32, #tpu.memory_space<vmem>>) offsets(%dma_start3A_26 : memref<128xi32, #tpu.memory_space<vmem>>) semaphore(%arg7 : memref<!tpu.dma_semaphore, #tpu.memory_space<semaphore_mem>>)
    %dma_start3A_30 = arith.constant 3 : i32
    %dma_start3A_31 = arith.constant 384 : i32
    %dma_start3A_32 = arith.constant 0 : i32
    %dma_start3A_33 = tpu.memref_slice %arg6[%dma_start3A_31, %dma_start3A_32] : memref<2048x32xf32, #tpu.memory_space<vmem>> -> memref<128x32xf32, #tpu.memory_space<vmem>>
    %dma_start3A_34 = arith.constant 0 : i32
    %dma_start3A_35 = tpu.memref_slice %arg5[%dma_start3A_30, %dma_start3A_34] : memref<16x128xi32, #tpu.memory_space<vmem>> -> memref<1x128xi32, #tpu.memory_space<vmem>>
    %dma_start3A_36 = tpu.memref_squeeze %dma_start3A_35 : memref<1x128xi32, #tpu.memory_space<vmem>> -> memref<128xi32, #tpu.memory_space<vmem>>
    %dma_start3A_37 = arith.constant 0 : i32
    %dma_start3A_38 = arith.constant 0 : i32
    %dma_start3A_39 = tpu.memref_slice %arg2[%dma_start3A_37, %dma_start3A_38] : memref<4096x32xf32, #tpu.memory_space<hbm>> -> memref<4096x32xf32, #tpu.memory_space<hbm>>
    tpu.enqueue_indirect_dma source(%dma_start3A_39 : memref<4096x32xf32, #tpu.memory_space<hbm>>) target(%dma_start3A_33 : memref<128x32xf32, #tpu.memory_space<vmem>>) offsets(%dma_start3A_36 : memref<128xi32, #tpu.memory_space<vmem>>) semaphore(%arg7 : memref<!tpu.dma_semaphore, #tpu.memory_space<semaphore_mem>>)
    %dma_start3A_40 = arith.constant 4 : i32
    %dma_start3A_41 = arith.constant 512 : i32
    %dma_start3A_42 = arith.constant 0 : i32
    %dma_start3A_43 = tpu.memref_slice %arg6[%dma_start3A_41, %dma_start3A_42] : memref<2048x32xf32, #tpu.memory_space<vmem>> -> memref<128x32xf32, #tpu.memory_space<vmem>>
    %dma_start3A_44 = arith.constant 0 : i32
    %dma_start3A_45 = tpu.memref_slice %arg5[%dma_start3A_40, %dma_start3A_44] : memref<16x128xi32, #tpu.memory_space<vmem>> -> memref<1x128xi32, #tpu.memory_space<vmem>>
    %dma_start3A_46 = tpu.memref_squeeze %dma_start3A_45 : memref<1x128xi32, #tpu.memory_space<vmem>> -> memref<128xi32, #tpu.memory_space<vmem>>
    %dma_start3A_47 = arith.constant 0 : i32
    %dma_start3A_48 = arith.constant 0 : i32
    %dma_start3A_49 = tpu.memref_slice %arg2[%dma_start3A_47, %dma_start3A_48] : memref<4096x32xf32, #tpu.memory_space<hbm>> -> memref<4096x32xf32, #tpu.memory_space<hbm>>
    tpu.enqueue_indirect_dma source(%dma_start3A_49 : memref<4096x32xf32, #tpu.memory_space<hbm>>) target(%dma_start3A_43 : memref<128x32xf32, #tpu.memory_space<vmem>>) offsets(%dma_start3A_46 : memref<128xi32, #tpu.memory_space<vmem>>) semaphore(%arg7 : memref<!tpu.dma_semaphore, #tpu.memory_space<semaphore_mem>>)
    %dma_start3A_50 = arith.constant 5 : i32
    %dma_start3A_51 = arith.constant 640 : i32
    %dma_start3A_52 = arith.constant 0 : i32
    %dma_start3A_53 = tpu.memref_slice %arg6[%dma_start3A_51, %dma_start3A_52] : memref<2048x32xf32, #tpu.memory_space<vmem>> -> memref<128x32xf32, #tpu.memory_space<vmem>>
    %dma_start3A_54 = arith.constant 0 : i32
    %dma_start3A_55 = tpu.memref_slice %arg5[%dma_start3A_50, %dma_start3A_54] : memref<16x128xi32, #tpu.memory_space<vmem>> -> memref<1x128xi32, #tpu.memory_space<vmem>>
    %dma_start3A_56 = tpu.memref_squeeze %dma_start3A_55 : memref<1x128xi32, #tpu.memory_space<vmem>> -> memref<128xi32, #tpu.memory_space<vmem>>
    %dma_start3A_57 = arith.constant 0 : i32
    %dma_start3A_58 = arith.constant 0 : i32
    %dma_start3A_59 = tpu.memref_slice %arg2[%dma_start3A_57, %dma_start3A_58] : memref<4096x32xf32, #tpu.memory_space<hbm>> -> memref<4096x32xf32, #tpu.memory_space<hbm>>
    tpu.enqueue_indirect_dma source(%dma_start3A_59 : memref<4096x32xf32, #tpu.memory_space<hbm>>) target(%dma_start3A_53 : memref<128x32xf32, #tpu.memory_space<vmem>>) offsets(%dma_start3A_56 : memref<128xi32, #tpu.memory_space<vmem>>) semaphore(%arg7 : memref<!tpu.dma_semaphore, #tpu.memory_space<semaphore_mem>>)
    %dma_start3A_60 = arith.constant 6 : i32
    %dma_start3A_61 = arith.constant 768 : i32
    %dma_start3A_62 = arith.constant 0 : i32
    %dma_start3A_63 = tpu.memref_slice %arg6[%dma_start3A_61, %dma_start3A_62] : memref<2048x32xf32, #tpu.memory_space<vmem>> -> memref<128x32xf32, #tpu.memory_space<vmem>>
    %dma_start3A_64 = arith.constant 0 : i32
    %dma_start3A_65 = tpu.memref_slice %arg5[%dma_start3A_60, %dma_start3A_64] : memref<16x128xi32, #tpu.memory_space<vmem>> -> memref<1x128xi32, #tpu.memory_space<vmem>>
    %dma_start3A_66 = tpu.memref_squeeze %dma_start3A_65 : memref<1x128xi32, #tpu.memory_space<vmem>> -> memref<128xi32, #tpu.memory_space<vmem>>
    %dma_start3A_67 = arith.constant 0 : i32
    %dma_start3A_68 = arith.constant 0 : i32
    %dma_start3A_69 = tpu.memref_slice %arg2[%dma_start3A_67, %dma_start3A_68] : memref<4096x32xf32, #tpu.memory_space<hbm>> -> memref<4096x32xf32, #tpu.memory_space<hbm>>
    tpu.enqueue_indirect_dma source(%dma_start3A_69 : memref<4096x32xf32, #tpu.memory_space<hbm>>) target(%dma_start3A_63 : memref<128x32xf32, #tpu.memory_space<vmem>>) offsets(%dma_start3A_66 : memref<128xi32, #tpu.memory_space<vmem>>) semaphore(%arg7 : memref<!tpu.dma_semaphore, #tpu.memory_space<semaphore_mem>>)
    %dma_start3A_70 = arith.constant 7 : i32
    %dma_start3A_71 = arith.constant 896 : i32
    %dma_start3A_72 = arith.constant 0 : i32
    %dma_start3A_73 = tpu.memref_slice %arg6[%dma_start3A_71, %dma_start3A_72] : memref<2048x32xf32, #tpu.memory_space<vmem>> -> memref<128x32xf32, #tpu.memory_space<vmem>>
    %dma_start3A_74 = arith.constant 0 : i32
    %dma_start3A_75 = tpu.memref_slice %arg5[%dma_start3A_70, %dma_start3A_74] : memref<16x128xi32, #tpu.memory_space<vmem>> -> memref<1x128xi32, #tpu.memory_space<vmem>>
    %dma_start3A_76 = tpu.memref_squeeze %dma_start3A_75 : memref<1x128xi32, #tpu.memory_space<vmem>> -> memref<128xi32, #tpu.memory_space<vmem>>
    %dma_start3A_77 = arith.constant 0 : i32
    %dma_start3A_78 = arith.constant 0 : i32
    %dma_start3A_79 = tpu.memref_slice %arg2[%dma_start3A_77, %dma_start3A_78] : memref<4096x32xf32, #tpu.memory_space<hbm>> -> memref<4096x32xf32, #tpu.memory_space<hbm>>
    tpu.enqueue_indirect_dma source(%dma_start3A_79 : memref<4096x32xf32, #tpu.memory_space<hbm>>) target(%dma_start3A_73 : memref<128x32xf32, #tpu.memory_space<vmem>>) offsets(%dma_start3A_76 : memref<128xi32, #tpu.memory_space<vmem>>) semaphore(%arg7 : memref<!tpu.dma_semaphore, #tpu.memory_space<semaphore_mem>>)
    %dma_start3A_80 = arith.constant 8 : i32
    %dma_start3A_81 = arith.constant 1024 : i32
    %dma_start3A_82 = arith.constant 0 : i32
    %dma_start3A_83 = tpu.memref_slice %arg6[%dma_start3A_81, %dma_start3A_82] : memref<2048x32xf32, #tpu.memory_space<vmem>> -> memref<128x32xf32, #tpu.memory_space<vmem>>
    %dma_start3A_84 = arith.constant 0 : i32
    %dma_start3A_85 = tpu.memref_slice %arg5[%dma_start3A_80, %dma_start3A_84] : memref<16x128xi32, #tpu.memory_space<vmem>> -> memref<1x128xi32, #tpu.memory_space<vmem>>
    %dma_start3A_86 = tpu.memref_squeeze %dma_start3A_85 : memref<1x128xi32, #tpu.memory_space<vmem>> -> memref<128xi32, #tpu.memory_space<vmem>>
    %dma_start3A_87 = arith.constant 0 : i32
    %dma_start3A_88 = arith.constant 0 : i32
    %dma_start3A_89 = tpu.memref_slice %arg2[%dma_start3A_87, %dma_start3A_88] : memref<4096x32xf32, #tpu.memory_space<hbm>> -> memref<4096x32xf32, #tpu.memory_space<hbm>>
    tpu.enqueue_indirect_dma source(%dma_start3A_89 : memref<4096x32xf32, #tpu.memory_space<hbm>>) target(%dma_start3A_83 : memref<128x32xf32, #tpu.memory_space<vmem>>) offsets(%dma_start3A_86 : memref<128xi32, #tpu.memory_space<vmem>>) semaphore(%arg7 : memref<!tpu.dma_semaphore, #tpu.memory_space<semaphore_mem>>)
    %dma_start3A_90 = arith.constant 9 : i32
    %dma_start3A_91 = arith.constant 1152 : i32
    %dma_start3A_92 = arith.constant 0 : i32
    %dma_start3A_93 = tpu.memref_slice %arg6[%dma_start3A_91, %dma_start3A_92] : memref<2048x32xf32, #tpu.memory_space<vmem>> -> memref<128x32xf32, #tpu.memory_space<vmem>>
    %dma_start3A_94 = arith.constant 0 : i32
    %dma_start3A_95 = tpu.memref_slice %arg5[%dma_start3A_90, %dma_start3A_94] : memref<16x128xi32, #tpu.memory_space<vmem>> -> memref<1x128xi32, #tpu.memory_space<vmem>>
    %dma_start3A_96 = tpu.memref_squeeze %dma_start3A_95 : memref<1x128xi32, #tpu.memory_space<vmem>> -> memref<128xi32, #tpu.memory_space<vmem>>
    %dma_start3A_97 = arith.constant 0 : i32
    %dma_start3A_98 = arith.constant 0 : i32
    %dma_start3A_99 = tpu.memref_slice %arg2[%dma_start3A_97, %dma_start3A_98] : memref<4096x32xf32, #tpu.memory_space<hbm>> -> memref<4096x32xf32, #tpu.memory_space<hbm>>
    tpu.enqueue_indirect_dma source(%dma_start3A_99 : memref<4096x32xf32, #tpu.memory_space<hbm>>) target(%dma_start3A_93 : memref<128x32xf32, #tpu.memory_space<vmem>>) offsets(%dma_start3A_96 : memref<128xi32, #tpu.memory_space<vmem>>) semaphore(%arg7 : memref<!tpu.dma_semaphore, #tpu.memory_space<semaphore_mem>>)
    %dma_start3A_100 = arith.constant 10 : i32
    %dma_start3A_101 = arith.constant 1280 : i32
    %dma_start3A_102 = arith.constant 0 : i32
    %dma_start3A_103 = tpu.memref_slice %arg6[%dma_start3A_101, %dma_start3A_102] : memref<2048x32xf32, #tpu.memory_space<vmem>> -> memref<128x32xf32, #tpu.memory_space<vmem>>
    %dma_start3A_104 = arith.constant 0 : i32
    %dma_start3A_105 = tpu.memref_slice %arg5[%dma_start3A_100, %dma_start3A_104] : memref<16x128xi32, #tpu.memory_space<vmem>> -> memref<1x128xi32, #tpu.memory_space<vmem>>
    %dma_start3A_106 = tpu.memref_squeeze %dma_start3A_105 : memref<1x128xi32, #tpu.memory_space<vmem>> -> memref<128xi32, #tpu.memory_space<vmem>>
    %dma_start3A_107 = arith.constant 0 : i32
    %dma_start3A_108 = arith.constant 0 : i32
    %dma_start3A_109 = tpu.memref_slice %arg2[%dma_start3A_107, %dma_start3A_108] : memref<4096x32xf32, #tpu.memory_space<hbm>> -> memref<4096x32xf32, #tpu.memory_space<hbm>>
    tpu.enqueue_indirect_dma source(%dma_start3A_109 : memref<4096x32xf32, #tpu.memory_space<hbm>>) target(%dma_start3A_103 : memref<128x32xf32, #tpu.memory_space<vmem>>) offsets(%dma_start3A_106 : memref<128xi32, #tpu.memory_space<vmem>>) semaphore(%arg7 : memref<!tpu.dma_semaphore, #tpu.memory_space<semaphore_mem>>)
    %dma_start3A_110 = arith.constant 11 : i32
    %dma_start3A_111 = arith.constant 1408 : i32
    %dma_start3A_112 = arith.constant 0 : i32
    %dma_start3A_113 = tpu.memref_slice %arg6[%dma_start3A_111, %dma_start3A_112] : memref<2048x32xf32, #tpu.memory_space<vmem>> -> memref<128x32xf32, #tpu.memory_space<vmem>>
    %dma_start3A_114 = arith.constant 0 : i32
    %dma_start3A_115 = tpu.memref_slice %arg5[%dma_start3A_110, %dma_start3A_114] : memref<16x128xi32, #tpu.memory_space<vmem>> -> memref<1x128xi32, #tpu.memory_space<vmem>>
    %dma_start3A_116 = tpu.memref_squeeze %dma_start3A_115 : memref<1x128xi32, #tpu.memory_space<vmem>> -> memref<128xi32, #tpu.memory_space<vmem>>
    %dma_start3A_117 = arith.constant 0 : i32
    %dma_start3A_118 = arith.constant 0 : i32
    %dma_start3A_119 = tpu.memref_slice %arg2[%dma_start3A_117, %dma_start3A_118] : memref<4096x32xf32, #tpu.memory_space<hbm>> -> memref<4096x32xf32, #tpu.memory_space<hbm>>
    tpu.enqueue_indirect_dma source(%dma_start3A_119 : memref<4096x32xf32, #tpu.memory_space<hbm>>) target(%dma_start3A_113 : memref<128x32xf32, #tpu.memory_space<vmem>>) offsets(%dma_start3A_116 : memref<128xi32, #tpu.memory_space<vmem>>) semaphore(%arg7 : memref<!tpu.dma_semaphore, #tpu.memory_space<semaphore_mem>>)
    %dma_start3A_120 = arith.constant 12 : i32
    %dma_start3A_121 = arith.constant 1536 : i32
    %dma_start3A_122 = arith.constant 0 : i32
    %dma_start3A_123 = tpu.memref_slice %arg6[%dma_start3A_121, %dma_start3A_122] : memref<2048x32xf32, #tpu.memory_space<vmem>> -> memref<128x32xf32, #tpu.memory_space<vmem>>
    %dma_start3A_124 = arith.constant 0 : i32
    %dma_start3A_125 = tpu.memref_slice %arg5[%dma_start3A_120, %dma_start3A_124] : memref<16x128xi32, #tpu.memory_space<vmem>> -> memref<1x128xi32, #tpu.memory_space<vmem>>
    %dma_start3A_126 = tpu.memref_squeeze %dma_start3A_125 : memref<1x128xi32, #tpu.memory_space<vmem>> -> memref<128xi32, #tpu.memory_space<vmem>>
    %dma_start3A_127 = arith.constant 0 : i32
    %dma_start3A_128 = arith.constant 0 : i32
    %dma_start3A_129 = tpu.memref_slice %arg2[%dma_start3A_127, %dma_start3A_128] : memref<4096x32xf32, #tpu.memory_space<hbm>> -> memref<4096x32xf32, #tpu.memory_space<hbm>>
    tpu.enqueue_indirect_dma source(%dma_start3A_129 : memref<4096x32xf32, #tpu.memory_space<hbm>>) target(%dma_start3A_123 : memref<128x32xf32, #tpu.memory_space<vmem>>) offsets(%dma_start3A_126 : memref<128xi32, #tpu.memory_space<vmem>>) semaphore(%arg7 : memref<!tpu.dma_semaphore, #tpu.memory_space<semaphore_mem>>)
    %dma_start3A_130 = arith.constant 13 : i32
    %dma_start3A_131 = arith.constant 1664 : i32
    %dma_start3A_132 = arith.constant 0 : i32
    %dma_start3A_133 = tpu.memref_slice %arg6[%dma_start3A_131, %dma_start3A_132] : memref<2048x32xf32, #tpu.memory_space<vmem>> -> memref<128x32xf32, #tpu.memory_space<vmem>>
    %dma_start3A_134 = arith.constant 0 : i32
    %dma_start3A_135 = tpu.memref_slice %arg5[%dma_start3A_130, %dma_start3A_134] : memref<16x128xi32, #tpu.memory_space<vmem>> -> memref<1x128xi32, #tpu.memory_space<vmem>>
    %dma_start3A_136 = tpu.memref_squeeze %dma_start3A_135 : memref<1x128xi32, #tpu.memory_space<vmem>> -> memref<128xi32, #tpu.memory_space<vmem>>
    %dma_start3A_137 = arith.constant 0 : i32
    %dma_start3A_138 = arith.constant 0 : i32
    %dma_start3A_139 = tpu.memref_slice %arg2[%dma_start3A_137, %dma_start3A_138] : memref<4096x32xf32, #tpu.memory_space<hbm>> -> memref<4096x32xf32, #tpu.memory_space<hbm>>
    tpu.enqueue_indirect_dma source(%dma_start3A_139 : memref<4096x32xf32, #tpu.memory_space<hbm>>) target(%dma_start3A_133 : memref<128x32xf32, #tpu.memory_space<vmem>>) offsets(%dma_start3A_136 : memref<128xi32, #tpu.memory_space<vmem>>) semaphore(%arg7 : memref<!tpu.dma_semaphore, #tpu.memory_space<semaphore_mem>>)
    %dma_start3A_140 = arith.constant 14 : i32
    %dma_start3A_141 = arith.constant 1792 : i32
    %dma_start3A_142 = arith.constant 0 : i32
    %dma_start3A_143 = tpu.memref_slice %arg6[%dma_start3A_141, %dma_start3A_142] : memref<2048x32xf32, #tpu.memory_space<vmem>> -> memref<128x32xf32, #tpu.memory_space<vmem>>
    %dma_start3A_144 = arith.constant 0 : i32
    %dma_start3A_145 = tpu.memref_slice %arg5[%dma_start3A_140, %dma_start3A_144] : memref<16x128xi32, #tpu.memory_space<vmem>> -> memref<1x128xi32, #tpu.memory_space<vmem>>
    %dma_start3A_146 = tpu.memref_squeeze %dma_start3A_145 : memref<1x128xi32, #tpu.memory_space<vmem>> -> memref<128xi32, #tpu.memory_space<vmem>>
    %dma_start3A_147 = arith.constant 0 : i32
    %dma_start3A_148 = arith.constant 0 : i32
    %dma_start3A_149 = tpu.memref_slice %arg2[%dma_start3A_147, %dma_start3A_148] : memref<4096x32xf32, #tpu.memory_space<hbm>> -> memref<4096x32xf32, #tpu.memory_space<hbm>>
    tpu.enqueue_indirect_dma source(%dma_start3A_149 : memref<4096x32xf32, #tpu.memory_space<hbm>>) target(%dma_start3A_143 : memref<128x32xf32, #tpu.memory_space<vmem>>) offsets(%dma_start3A_146 : memref<128xi32, #tpu.memory_space<vmem>>) semaphore(%arg7 : memref<!tpu.dma_semaphore, #tpu.memory_space<semaphore_mem>>)
    %dma_start3A_150 = arith.constant 15 : i32
    %dma_start3A_151 = arith.constant 1920 : i32
    %dma_start3A_152 = arith.constant 0 : i32
    %dma_start3A_153 = tpu.memref_slice %arg6[%dma_start3A_151, %dma_start3A_152] : memref<2048x32xf32, #tpu.memory_space<vmem>> -> memref<128x32xf32, #tpu.memory_space<vmem>>
    %dma_start3A_154 = arith.constant 0 : i32
    %dma_start3A_155 = tpu.memref_slice %arg5[%dma_start3A_150, %dma_start3A_154] : memref<16x128xi32, #tpu.memory_space<vmem>> -> memref<1x128xi32, #tpu.memory_space<vmem>>
    %dma_start3A_156 = tpu.memref_squeeze %dma_start3A_155 : memref<1x128xi32, #tpu.memory_space<vmem>> -> memref<128xi32, #tpu.memory_space<vmem>>
    %dma_start3A_157 = arith.constant 0 : i32
    %dma_start3A_158 = arith.constant 0 : i32
    %dma_start3A_159 = tpu.memref_slice %arg2[%dma_start3A_157, %dma_start3A_158] : memref<4096x32xf32, #tpu.memory_space<hbm>> -> memref<4096x32xf32, #tpu.memory_space<hbm>>
    tpu.enqueue_indirect_dma source(%dma_start3A_159 : memref<4096x32xf32, #tpu.memory_space<hbm>>) target(%dma_start3A_153 : memref<128x32xf32, #tpu.memory_space<vmem>>) offsets(%dma_start3A_156 : memref<128xi32, #tpu.memory_space<vmem>>) semaphore(%arg7 : memref<!tpu.dma_semaphore, #tpu.memory_space<semaphore_mem>>)
    %dma_wait3A = arith.constant 0 : i32
    %dma_wait3A_160 = arith.constant 0 : i32
    %dma_wait3A_161 = arith.constant 0 : i32
    %dma_wait3A_162 = tpu.memref_slice %arg6[%dma_wait3A_160, %dma_wait3A_161] : memref<2048x32xf32, #tpu.memory_space<vmem>> -> memref<128x32xf32, #tpu.memory_space<vmem>>
    %dma_wait3A_163 = arith.constant 0 : i32
    %dma_wait3A_164 = tpu.memref_slice %arg5[%dma_wait3A, %dma_wait3A_163] : memref<16x128xi32, #tpu.memory_space<vmem>> -> memref<1x128xi32, #tpu.memory_space<vmem>>
    %dma_wait3A_165 = tpu.memref_squeeze %dma_wait3A_164 : memref<1x128xi32, #tpu.memory_space<vmem>> -> memref<128xi32, #tpu.memory_space<vmem>>
    %dma_wait3A_166 = arith.constant 0 : i32
    %dma_wait3A_167 = arith.constant 0 : i32
    %dma_wait3A_168 = tpu.memref_slice %arg2[%dma_wait3A_166, %dma_wait3A_167] : memref<4096x32xf32, #tpu.memory_space<hbm>> -> memref<4096x32xf32, #tpu.memory_space<hbm>>
    tpu.wait_indirect_dma semaphore(%arg7 : memref<!tpu.dma_semaphore, #tpu.memory_space<semaphore_mem>>) src(%dma_wait3A_168 : memref<4096x32xf32, #tpu.memory_space<hbm>>) dst(%dma_wait3A_162 : memref<128x32xf32, #tpu.memory_space<vmem>>)
    %dma_wait3A_169 = arith.constant 1 : i32
    %dma_wait3A_170 = arith.constant 128 : i32
    %dma_wait3A_171 = arith.constant 0 : i32
    %dma_wait3A_172 = tpu.memref_slice %arg6[%dma_wait3A_170, %dma_wait3A_171] : memref<2048x32xf32, #tpu.memory_space<vmem>> -> memref<128x32xf32, #tpu.memory_space<vmem>>
    %dma_wait3A_173 = arith.constant 0 : i32
    %dma_wait3A_174 = tpu.memref_slice %arg5[%dma_wait3A_169, %dma_wait3A_173] : memref<16x128xi32, #tpu.memory_space<vmem>> -> memref<1x128xi32, #tpu.memory_space<vmem>>
    %dma_wait3A_175 = tpu.memref_squeeze %dma_wait3A_174 : memref<1x128xi32, #tpu.memory_space<vmem>> -> memref<128xi32, #tpu.memory_space<vmem>>
    %dma_wait3A_176 = arith.constant 0 : i32
    %dma_wait3A_177 = arith.constant 0 : i32
    %dma_wait3A_178 = tpu.memref_slice %arg2[%dma_wait3A_176, %dma_wait3A_177] : memref<4096x32xf32, #tpu.memory_space<hbm>> -> memref<4096x32xf32, #tpu.memory_space<hbm>>
    tpu.wait_indirect_dma semaphore(%arg7 : memref<!tpu.dma_semaphore, #tpu.memory_space<semaphore_mem>>) src(%dma_wait3A_178 : memref<4096x32xf32, #tpu.memory_space<hbm>>) dst(%dma_wait3A_172 : memref<128x32xf32, #tpu.memory_space<vmem>>)
    %dma_wait3A_179 = arith.constant 2 : i32
    %dma_wait3A_180 = arith.constant 256 : i32
    %dma_wait3A_181 = arith.constant 0 : i32
    %dma_wait3A_182 = tpu.memref_slice %arg6[%dma_wait3A_180, %dma_wait3A_181] : memref<2048x32xf32, #tpu.memory_space<vmem>> -> memref<128x32xf32, #tpu.memory_space<vmem>>
    %dma_wait3A_183 = arith.constant 0 : i32
    %dma_wait3A_184 = tpu.memref_slice %arg5[%dma_wait3A_179, %dma_wait3A_183] : memref<16x128xi32, #tpu.memory_space<vmem>> -> memref<1x128xi32, #tpu.memory_space<vmem>>
    %dma_wait3A_185 = tpu.memref_squeeze %dma_wait3A_184 : memref<1x128xi32, #tpu.memory_space<vmem>> -> memref<128xi32, #tpu.memory_space<vmem>>
    %dma_wait3A_186 = arith.constant 0 : i32
    %dma_wait3A_187 = arith.constant 0 : i32
    %dma_wait3A_188 = tpu.memref_slice %arg2[%dma_wait3A_186, %dma_wait3A_187] : memref<4096x32xf32, #tpu.memory_space<hbm>> -> memref<4096x32xf32, #tpu.memory_space<hbm>>
    tpu.wait_indirect_dma semaphore(%arg7 : memref<!tpu.dma_semaphore, #tpu.memory_space<semaphore_mem>>) src(%dma_wait3A_188 : memref<4096x32xf32, #tpu.memory_space<hbm>>) dst(%dma_wait3A_182 : memref<128x32xf32, #tpu.memory_space<vmem>>)
    %dma_wait3A_189 = arith.constant 3 : i32
    %dma_wait3A_190 = arith.constant 384 : i32
    %dma_wait3A_191 = arith.constant 0 : i32
    %dma_wait3A_192 = tpu.memref_slice %arg6[%dma_wait3A_190, %dma_wait3A_191] : memref<2048x32xf32, #tpu.memory_space<vmem>> -> memref<128x32xf32, #tpu.memory_space<vmem>>
    %dma_wait3A_193 = arith.constant 0 : i32
    %dma_wait3A_194 = tpu.memref_slice %arg5[%dma_wait3A_189, %dma_wait3A_193] : memref<16x128xi32, #tpu.memory_space<vmem>> -> memref<1x128xi32, #tpu.memory_space<vmem>>
    %dma_wait3A_195 = tpu.memref_squeeze %dma_wait3A_194 : memref<1x128xi32, #tpu.memory_space<vmem>> -> memref<128xi32, #tpu.memory_space<vmem>>
    %dma_wait3A_196 = arith.constant 0 : i32
    %dma_wait3A_197 = arith.constant 0 : i32
    %dma_wait3A_198 = tpu.memref_slice %arg2[%dma_wait3A_196, %dma_wait3A_197] : memref<4096x32xf32, #tpu.memory_space<hbm>> -> memref<4096x32xf32, #tpu.memory_space<hbm>>
    tpu.wait_indirect_dma semaphore(%arg7 : memref<!tpu.dma_semaphore, #tpu.memory_space<semaphore_mem>>) src(%dma_wait3A_198 : memref<4096x32xf32, #tpu.memory_space<hbm>>) dst(%dma_wait3A_192 : memref<128x32xf32, #tpu.memory_space<vmem>>)
    %dma_wait3A_199 = arith.constant 4 : i32
    %dma_wait3A_200 = arith.constant 512 : i32
    %dma_wait3A_201 = arith.constant 0 : i32
    %dma_wait3A_202 = tpu.memref_slice %arg6[%dma_wait3A_200, %dma_wait3A_201] : memref<2048x32xf32, #tpu.memory_space<vmem>> -> memref<128x32xf32, #tpu.memory_space<vmem>>
    %dma_wait3A_203 = arith.constant 0 : i32
    %dma_wait3A_204 = tpu.memref_slice %arg5[%dma_wait3A_199, %dma_wait3A_203] : memref<16x128xi32, #tpu.memory_space<vmem>> -> memref<1x128xi32, #tpu.memory_space<vmem>>
    %dma_wait3A_205 = tpu.memref_squeeze %dma_wait3A_204 : memref<1x128xi32, #tpu.memory_space<vmem>> -> memref<128xi32, #tpu.memory_space<vmem>>
    %dma_wait3A_206 = arith.constant 0 : i32
    %dma_wait3A_207 = arith.constant 0 : i32
    %dma_wait3A_208 = tpu.memref_slice %arg2[%dma_wait3A_206, %dma_wait3A_207] : memref<4096x32xf32, #tpu.memory_space<hbm>> -> memref<4096x32xf32, #tpu.memory_space<hbm>>
    tpu.wait_indirect_dma semaphore(%arg7 : memref<!tpu.dma_semaphore, #tpu.memory_space<semaphore_mem>>) src(%dma_wait3A_208 : memref<4096x32xf32, #tpu.memory_space<hbm>>) dst(%dma_wait3A_202 : memref<128x32xf32, #tpu.memory_space<vmem>>)
    %dma_wait3A_209 = arith.constant 5 : i32
    %dma_wait3A_210 = arith.constant 640 : i32
    %dma_wait3A_211 = arith.constant 0 : i32
    %dma_wait3A_212 = tpu.memref_slice %arg6[%dma_wait3A_210, %dma_wait3A_211] : memref<2048x32xf32, #tpu.memory_space<vmem>> -> memref<128x32xf32, #tpu.memory_space<vmem>>
    %dma_wait3A_213 = arith.constant 0 : i32
    %dma_wait3A_214 = tpu.memref_slice %arg5[%dma_wait3A_209, %dma_wait3A_213] : memref<16x128xi32, #tpu.memory_space<vmem>> -> memref<1x128xi32, #tpu.memory_space<vmem>>
    %dma_wait3A_215 = tpu.memref_squeeze %dma_wait3A_214 : memref<1x128xi32, #tpu.memory_space<vmem>> -> memref<128xi32, #tpu.memory_space<vmem>>
    %dma_wait3A_216 = arith.constant 0 : i32
    %dma_wait3A_217 = arith.constant 0 : i32
    %dma_wait3A_218 = tpu.memref_slice %arg2[%dma_wait3A_216, %dma_wait3A_217] : memref<4096x32xf32, #tpu.memory_space<hbm>> -> memref<4096x32xf32, #tpu.memory_space<hbm>>
    tpu.wait_indirect_dma semaphore(%arg7 : memref<!tpu.dma_semaphore, #tpu.memory_space<semaphore_mem>>) src(%dma_wait3A_218 : memref<4096x32xf32, #tpu.memory_space<hbm>>) dst(%dma_wait3A_212 : memref<128x32xf32, #tpu.memory_space<vmem>>)
    %dma_wait3A_219 = arith.constant 6 : i32
    %dma_wait3A_220 = arith.constant 768 : i32
    %dma_wait3A_221 = arith.constant 0 : i32
    %dma_wait3A_222 = tpu.memref_slice %arg6[%dma_wait3A_220, %dma_wait3A_221] : memref<2048x32xf32, #tpu.memory_space<vmem>> -> memref<128x32xf32, #tpu.memory_space<vmem>>
    %dma_wait3A_223 = arith.constant 0 : i32
    %dma_wait3A_224 = tpu.memref_slice %arg5[%dma_wait3A_219, %dma_wait3A_223] : memref<16x128xi32, #tpu.memory_space<vmem>> -> memref<1x128xi32, #tpu.memory_space<vmem>>
    %dma_wait3A_225 = tpu.memref_squeeze %dma_wait3A_224 : memref<1x128xi32, #tpu.memory_space<vmem>> -> memref<128xi32, #tpu.memory_space<vmem>>
    %dma_wait3A_226 = arith.constant 0 : i32
    %dma_wait3A_227 = arith.constant 0 : i32
    %dma_wait3A_228 = tpu.memref_slice %arg2[%dma_wait3A_226, %dma_wait3A_227] : memref<4096x32xf32, #tpu.memory_space<hbm>> -> memref<4096x32xf32, #tpu.memory_space<hbm>>
    tpu.wait_indirect_dma semaphore(%arg7 : memref<!tpu.dma_semaphore, #tpu.memory_space<semaphore_mem>>) src(%dma_wait3A_228 : memref<4096x32xf32, #tpu.memory_space<hbm>>) dst(%dma_wait3A_222 : memref<128x32xf32, #tpu.memory_space<vmem>>)
    %dma_wait3A_229 = arith.constant 7 : i32
    %dma_wait3A_230 = arith.constant 896 : i32
    %dma_wait3A_231 = arith.constant 0 : i32
    %dma_wait3A_232 = tpu.memref_slice %arg6[%dma_wait3A_230, %dma_wait3A_231] : memref<2048x32xf32, #tpu.memory_space<vmem>> -> memref<128x32xf32, #tpu.memory_space<vmem>>
    %dma_wait3A_233 = arith.constant 0 : i32
    %dma_wait3A_234 = tpu.memref_slice %arg5[%dma_wait3A_229, %dma_wait3A_233] : memref<16x128xi32, #tpu.memory_space<vmem>> -> memref<1x128xi32, #tpu.memory_space<vmem>>
    %dma_wait3A_235 = tpu.memref_squeeze %dma_wait3A_234 : memref<1x128xi32, #tpu.memory_space<vmem>> -> memref<128xi32, #tpu.memory_space<vmem>>
    %dma_wait3A_236 = arith.constant 0 : i32
    %dma_wait3A_237 = arith.constant 0 : i32
    %dma_wait3A_238 = tpu.memref_slice %arg2[%dma_wait3A_236, %dma_wait3A_237] : memref<4096x32xf32, #tpu.memory_space<hbm>> -> memref<4096x32xf32, #tpu.memory_space<hbm>>
    tpu.wait_indirect_dma semaphore(%arg7 : memref<!tpu.dma_semaphore, #tpu.memory_space<semaphore_mem>>) src(%dma_wait3A_238 : memref<4096x32xf32, #tpu.memory_space<hbm>>) dst(%dma_wait3A_232 : memref<128x32xf32, #tpu.memory_space<vmem>>)
    %dma_wait3A_239 = arith.constant 8 : i32
    %dma_wait3A_240 = arith.constant 1024 : i32
    %dma_wait3A_241 = arith.constant 0 : i32
    %dma_wait3A_242 = tpu.memref_slice %arg6[%dma_wait3A_240, %dma_wait3A_241] : memref<2048x32xf32, #tpu.memory_space<vmem>> -> memref<128x32xf32, #tpu.memory_space<vmem>>
    %dma_wait3A_243 = arith.constant 0 : i32
    %dma_wait3A_244 = tpu.memref_slice %arg5[%dma_wait3A_239, %dma_wait3A_243] : memref<16x128xi32, #tpu.memory_space<vmem>> -> memref<1x128xi32, #tpu.memory_space<vmem>>
    %dma_wait3A_245 = tpu.memref_squeeze %dma_wait3A_244 : memref<1x128xi32, #tpu.memory_space<vmem>> -> memref<128xi32, #tpu.memory_space<vmem>>
    %dma_wait3A_246 = arith.constant 0 : i32
    %dma_wait3A_247 = arith.constant 0 : i32
    %dma_wait3A_248 = tpu.memref_slice %arg2[%dma_wait3A_246, %dma_wait3A_247] : memref<4096x32xf32, #tpu.memory_space<hbm>> -> memref<4096x32xf32, #tpu.memory_space<hbm>>
    tpu.wait_indirect_dma semaphore(%arg7 : memref<!tpu.dma_semaphore, #tpu.memory_space<semaphore_mem>>) src(%dma_wait3A_248 : memref<4096x32xf32, #tpu.memory_space<hbm>>) dst(%dma_wait3A_242 : memref<128x32xf32, #tpu.memory_space<vmem>>)
    %dma_wait3A_249 = arith.constant 9 : i32
    %dma_wait3A_250 = arith.constant 1152 : i32
    %dma_wait3A_251 = arith.constant 0 : i32
    %dma_wait3A_252 = tpu.memref_slice %arg6[%dma_wait3A_250, %dma_wait3A_251] : memref<2048x32xf32, #tpu.memory_space<vmem>> -> memref<128x32xf32, #tpu.memory_space<vmem>>
    %dma_wait3A_253 = arith.constant 0 : i32
    %dma_wait3A_254 = tpu.memref_slice %arg5[%dma_wait3A_249, %dma_wait3A_253] : memref<16x128xi32, #tpu.memory_space<vmem>> -> memref<1x128xi32, #tpu.memory_space<vmem>>
    %dma_wait3A_255 = tpu.memref_squeeze %dma_wait3A_254 : memref<1x128xi32, #tpu.memory_space<vmem>> -> memref<128xi32, #tpu.memory_space<vmem>>
    %dma_wait3A_256 = arith.constant 0 : i32
    %dma_wait3A_257 = arith.constant 0 : i32
    %dma_wait3A_258 = tpu.memref_slice %arg2[%dma_wait3A_256, %dma_wait3A_257] : memref<4096x32xf32, #tpu.memory_space<hbm>> -> memref<4096x32xf32, #tpu.memory_space<hbm>>
    tpu.wait_indirect_dma semaphore(%arg7 : memref<!tpu.dma_semaphore, #tpu.memory_space<semaphore_mem>>) src(%dma_wait3A_258 : memref<4096x32xf32, #tpu.memory_space<hbm>>) dst(%dma_wait3A_252 : memref<128x32xf32, #tpu.memory_space<vmem>>)
    %dma_wait3A_259 = arith.constant 10 : i32
    %dma_wait3A_260 = arith.constant 1280 : i32
    %dma_wait3A_261 = arith.constant 0 : i32
    %dma_wait3A_262 = tpu.memref_slice %arg6[%dma_wait3A_260, %dma_wait3A_261] : memref<2048x32xf32, #tpu.memory_space<vmem>> -> memref<128x32xf32, #tpu.memory_space<vmem>>
    %dma_wait3A_263 = arith.constant 0 : i32
    %dma_wait3A_264 = tpu.memref_slice %arg5[%dma_wait3A_259, %dma_wait3A_263] : memref<16x128xi32, #tpu.memory_space<vmem>> -> memref<1x128xi32, #tpu.memory_space<vmem>>
    %dma_wait3A_265 = tpu.memref_squeeze %dma_wait3A_264 : memref<1x128xi32, #tpu.memory_space<vmem>> -> memref<128xi32, #tpu.memory_space<vmem>>
    %dma_wait3A_266 = arith.constant 0 : i32
    %dma_wait3A_267 = arith.constant 0 : i32
    %dma_wait3A_268 = tpu.memref_slice %arg2[%dma_wait3A_266, %dma_wait3A_267] : memref<4096x32xf32, #tpu.memory_space<hbm>> -> memref<4096x32xf32, #tpu.memory_space<hbm>>
    tpu.wait_indirect_dma semaphore(%arg7 : memref<!tpu.dma_semaphore, #tpu.memory_space<semaphore_mem>>) src(%dma_wait3A_268 : memref<4096x32xf32, #tpu.memory_space<hbm>>) dst(%dma_wait3A_262 : memref<128x32xf32, #tpu.memory_space<vmem>>)
    %dma_wait3A_269 = arith.constant 11 : i32
    %dma_wait3A_270 = arith.constant 1408 : i32
    %dma_wait3A_271 = arith.constant 0 : i32
    %dma_wait3A_272 = tpu.memref_slice %arg6[%dma_wait3A_270, %dma_wait3A_271] : memref<2048x32xf32, #tpu.memory_space<vmem>> -> memref<128x32xf32, #tpu.memory_space<vmem>>
    %dma_wait3A_273 = arith.constant 0 : i32
    %dma_wait3A_274 = tpu.memref_slice %arg5[%dma_wait3A_269, %dma_wait3A_273] : memref<16x128xi32, #tpu.memory_space<vmem>> -> memref<1x128xi32, #tpu.memory_space<vmem>>
    %dma_wait3A_275 = tpu.memref_squeeze %dma_wait3A_274 : memref<1x128xi32, #tpu.memory_space<vmem>> -> memref<128xi32, #tpu.memory_space<vmem>>
    %dma_wait3A_276 = arith.constant 0 : i32
    %dma_wait3A_277 = arith.constant 0 : i32
    %dma_wait3A_278 = tpu.memref_slice %arg2[%dma_wait3A_276, %dma_wait3A_277] : memref<4096x32xf32, #tpu.memory_space<hbm>> -> memref<4096x32xf32, #tpu.memory_space<hbm>>
    tpu.wait_indirect_dma semaphore(%arg7 : memref<!tpu.dma_semaphore, #tpu.memory_space<semaphore_mem>>) src(%dma_wait3A_278 : memref<4096x32xf32, #tpu.memory_space<hbm>>) dst(%dma_wait3A_272 : memref<128x32xf32, #tpu.memory_space<vmem>>)
    %dma_wait3A_279 = arith.constant 12 : i32
    %dma_wait3A_280 = arith.constant 1536 : i32
    %dma_wait3A_281 = arith.constant 0 : i32
    %dma_wait3A_282 = tpu.memref_slice %arg6[%dma_wait3A_280, %dma_wait3A_281] : memref<2048x32xf32, #tpu.memory_space<vmem>> -> memref<128x32xf32, #tpu.memory_space<vmem>>
    %dma_wait3A_283 = arith.constant 0 : i32
    %dma_wait3A_284 = tpu.memref_slice %arg5[%dma_wait3A_279, %dma_wait3A_283] : memref<16x128xi32, #tpu.memory_space<vmem>> -> memref<1x128xi32, #tpu.memory_space<vmem>>
    %dma_wait3A_285 = tpu.memref_squeeze %dma_wait3A_284 : memref<1x128xi32, #tpu.memory_space<vmem>> -> memref<128xi32, #tpu.memory_space<vmem>>
    %dma_wait3A_286 = arith.constant 0 : i32
    %dma_wait3A_287 = arith.constant 0 : i32
    %dma_wait3A_288 = tpu.memref_slice %arg2[%dma_wait3A_286, %dma_wait3A_287] : memref<4096x32xf32, #tpu.memory_space<hbm>> -> memref<4096x32xf32, #tpu.memory_space<hbm>>
    tpu.wait_indirect_dma semaphore(%arg7 : memref<!tpu.dma_semaphore, #tpu.memory_space<semaphore_mem>>) src(%dma_wait3A_288 : memref<4096x32xf32, #tpu.memory_space<hbm>>) dst(%dma_wait3A_282 : memref<128x32xf32, #tpu.memory_space<vmem>>)
    %dma_wait3A_289 = arith.constant 13 : i32
    %dma_wait3A_290 = arith.constant 1664 : i32
    %dma_wait3A_291 = arith.constant 0 : i32
    %dma_wait3A_292 = tpu.memref_slice %arg6[%dma_wait3A_290, %dma_wait3A_291] : memref<2048x32xf32, #tpu.memory_space<vmem>> -> memref<128x32xf32, #tpu.memory_space<vmem>>
    %dma_wait3A_293 = arith.constant 0 : i32
    %dma_wait3A_294 = tpu.memref_slice %arg5[%dma_wait3A_289, %dma_wait3A_293] : memref<16x128xi32, #tpu.memory_space<vmem>> -> memref<1x128xi32, #tpu.memory_space<vmem>>
    %dma_wait3A_295 = tpu.memref_squeeze %dma_wait3A_294 : memref<1x128xi32, #tpu.memory_space<vmem>> -> memref<128xi32, #tpu.memory_space<vmem>>
    %dma_wait3A_296 = arith.constant 0 : i32
    %dma_wait3A_297 = arith.constant 0 : i32
    %dma_wait3A_298 = tpu.memref_slice %arg2[%dma_wait3A_296, %dma_wait3A_297] : memref<4096x32xf32, #tpu.memory_space<hbm>> -> memref<4096x32xf32, #tpu.memory_space<hbm>>
    tpu.wait_indirect_dma semaphore(%arg7 : memref<!tpu.dma_semaphore, #tpu.memory_space<semaphore_mem>>) src(%dma_wait3A_298 : memref<4096x32xf32, #tpu.memory_space<hbm>>) dst(%dma_wait3A_292 : memref<128x32xf32, #tpu.memory_space<vmem>>)
    %dma_wait3A_299 = arith.constant 14 : i32
    %dma_wait3A_300 = arith.constant 1792 : i32
    %dma_wait3A_301 = arith.constant 0 : i32
    %dma_wait3A_302 = tpu.memref_slice %arg6[%dma_wait3A_300, %dma_wait3A_301] : memref<2048x32xf32, #tpu.memory_space<vmem>> -> memref<128x32xf32, #tpu.memory_space<vmem>>
    %dma_wait3A_303 = arith.constant 0 : i32
    %dma_wait3A_304 = tpu.memref_slice %arg5[%dma_wait3A_299, %dma_wait3A_303] : memref<16x128xi32, #tpu.memory_space<vmem>> -> memref<1x128xi32, #tpu.memory_space<vmem>>
    %dma_wait3A_305 = tpu.memref_squeeze %dma_wait3A_304 : memref<1x128xi32, #tpu.memory_space<vmem>> -> memref<128xi32, #tpu.memory_space<vmem>>
    %dma_wait3A_306 = arith.constant 0 : i32
    %dma_wait3A_307 = arith.constant 0 : i32
    %dma_wait3A_308 = tpu.memref_slice %arg2[%dma_wait3A_306, %dma_wait3A_307] : memref<4096x32xf32, #tpu.memory_space<hbm>> -> memref<4096x32xf32, #tpu.memory_space<hbm>>
    tpu.wait_indirect_dma semaphore(%arg7 : memref<!tpu.dma_semaphore, #tpu.memory_space<semaphore_mem>>) src(%dma_wait3A_308 : memref<4096x32xf32, #tpu.memory_space<hbm>>) dst(%dma_wait3A_302 : memref<128x32xf32, #tpu.memory_space<vmem>>)
    %dma_wait3A_309 = arith.constant 15 : i32
    %dma_wait3A_310 = arith.constant 1920 : i32
    %dma_wait3A_311 = arith.constant 0 : i32
    %dma_wait3A_312 = tpu.memref_slice %arg6[%dma_wait3A_310, %dma_wait3A_311] : memref<2048x32xf32, #tpu.memory_space<vmem>> -> memref<128x32xf32, #tpu.memory_space<vmem>>
    %dma_wait3A_313 = arith.constant 0 : i32
    %dma_wait3A_314 = tpu.memref_slice %arg5[%dma_wait3A_309, %dma_wait3A_313] : memref<16x128xi32, #tpu.memory_space<vmem>> -> memref<1x128xi32, #tpu.memory_space<vmem>>
    %dma_wait3A_315 = tpu.memref_squeeze %dma_wait3A_314 : memref<1x128xi32, #tpu.memory_space<vmem>> -> memref<128xi32, #tpu.memory_space<vmem>>
    %dma_wait3A_316 = arith.constant 0 : i32
    %dma_wait3A_317 = arith.constant 0 : i32
    %dma_wait3A_318 = tpu.memref_slice %arg2[%dma_wait3A_316, %dma_wait3A_317] : memref<4096x32xf32, #tpu.memory_space<hbm>> -> memref<4096x32xf32, #tpu.memory_space<hbm>>
    tpu.wait_indirect_dma semaphore(%arg7 : memref<!tpu.dma_semaphore, #tpu.memory_space<semaphore_mem>>) src(%dma_wait3A_318 : memref<4096x32xf32, #tpu.memory_space<hbm>>) dst(%dma_wait3A_312 : memref<128x32xf32, #tpu.memory_space<vmem>>)
    %mul3A_319 = arith.constant 16 : i32
    %mul3A_320 = arith.muli %add3A, %mul3A_319 : i32
    %mul3A_321 = arith.constant 128 : i32
    %mul3A_322 = arith.muli %mul3A_320, %mul3A_321 : i32
    "tpu.region"() ({
      %run_scoped3A = tpu.sem_alloc : memref<!tpu.dma_semaphore, #tpu.memory_space<semaphore_mem>>
      %dma_start3A_323 = arith.constant 0 : i32
      %dma_start3A_324 = tpu.memref_slice %arg4[%mul3A_322, %dma_start3A_323] : memref<65536x32xf32, #tpu.memory_space<hbm>> -> memref<2048x32xf32, #tpu.memory_space<hbm>>
      %dma_start3A_325 = arith.constant 0 : i32
      %dma_start3A_326 = tpu.memref_slice %arg4[%mul3A_322, %dma_start3A_325] : memref<65536x32xf32, #tpu.memory_space<hbm>> -> memref<2048x32xf32, #tpu.memory_space<hbm>>
      tpu.enqueue_dma source(%arg6 : memref<2048x32xf32, #tpu.memory_space<vmem>>) target(%dma_start3A_326 : memref<2048x32xf32, #tpu.memory_space<hbm>>) target_semaphore(%run_scoped3A : memref<!tpu.dma_semaphore, #tpu.memory_space<semaphore_mem>>)
      %dma_wait3A_327 = arith.constant 0 : i32
      %dma_wait3A_328 = tpu.memref_slice %arg4[%mul3A_322, %dma_wait3A_327] : memref<65536x32xf32, #tpu.memory_space<hbm>> -> memref<2048x32xf32, #tpu.memory_space<hbm>>
      %dma_wait3A_329 = arith.constant 0 : i32
      %dma_wait3A_330 = tpu.memref_slice %arg4[%mul3A_322, %dma_wait3A_329] : memref<65536x32xf32, #tpu.memory_space<hbm>> -> memref<2048x32xf32, #tpu.memory_space<hbm>>
      tpu.wait_dma2 semaphore(%run_scoped3A : memref<!tpu.dma_semaphore, #tpu.memory_space<semaphore_mem>>) src(%arg6 : memref<2048x32xf32, #tpu.memory_space<vmem>>) dst(%dma_wait3A_330 : memref<2048x32xf32, #tpu.memory_space<hbm>>)
      tpu.yield
    }) : () -> ()
    return
  }
}

#map = affine_map<(d0, d1) -> (0, 0)>
#map1 = affine_map<(d0, d1) -> (0, 0, 0)>
module attributes {stable_mosaic.version = 14 : i64} {
  func.func @gk(%arg0: i32, %arg1: i32, %arg2: memref<4096x32xf32, #tpu.memory_space<hbm>>, %arg3: memref<32x16x128xi32, #tpu.memory_space<hbm>>, %arg4: memref<65536x32xf32, #tpu.memory_space<hbm>>, %arg5: memref<16x128xi32, #tpu.memory_space<vmem>>, %arg6: memref<2048x32xf32, #tpu.memory_space<vmem>>, %arg7: memref<!tpu.dma_semaphore, #tpu.memory_space<semaphore_mem>>) attributes {dimension_semantics = [#tpu.dimension_semantics<core_parallel>, #tpu.dimension_semantics<subcore_parallel>], iteration_bounds = array<i64: 2, 16>, scalar_prefetch = 0 : i64, scratch_operands = 3 : i64, tpu.core_type = #tpu.core_type<sc_vector_subcore>, window_params = [{transform_indices = #map}, {transform_indices = #map1}, {transform_indices = #map}]} {
    %mul3A = arith.constant 2 : i32
    %mul3A_0 = arith.muli %arg1, %mul3A : i32
    %add3A = arith.addi %mul3A_0, %arg0 : i32
    "tpu.region"() ({
      %run_scoped3A = tpu.sem_alloc : memref<!tpu.dma_semaphore, #tpu.memory_space<semaphore_mem>>
      %dma_start3A_323 = arith.constant 0 : i32
      %dma_start3A_324 = arith.constant 0 : i32
      %dma_start3A_325 = tpu.memref_slice %arg3[%add3A, %dma_start3A_323, %dma_start3A_324] : memref<32x16x128xi32, #tpu.memory_space<hbm>> -> memref<1x16x128xi32, #tpu.memory_space<hbm>>
      %dma_start3A_326 = tpu.memref_squeeze %dma_start3A_325 : memref<1x16x128xi32, #tpu.memory_space<hbm>> -> memref<16x128xi32, #tpu.memory_space<hbm>>
      %dma_start3A_327 = arith.constant 0 : i32
      %dma_start3A_328 = arith.constant 0 : i32
      %dma_start3A_329 = tpu.memref_slice %arg3[%add3A, %dma_start3A_327, %dma_start3A_328] : memref<32x16x128xi32, #tpu.memory_space<hbm>> -> memref<1x16x128xi32, #tpu.memory_space<hbm>>
      %dma_start3A_330 = tpu.memref_squeeze %dma_start3A_329 : memref<1x16x128xi32, #tpu.memory_space<hbm>> -> memref<16x128xi32, #tpu.memory_space<hbm>>
      tpu.enqueue_dma source(%dma_start3A_330 : memref<16x128xi32, #tpu.memory_space<hbm>>) target(%arg5 : memref<16x128xi32, #tpu.memory_space<vmem>>) target_semaphore(%run_scoped3A : memref<!tpu.dma_semaphore, #tpu.memory_space<semaphore_mem>>)
      %dma_wait3A_331 = arith.constant 0 : i32
      %dma_wait3A_332 = arith.constant 0 : i32
      %dma_wait3A_333 = tpu.memref_slice %arg3[%add3A, %dma_wait3A_331, %dma_wait3A_332] : memref<32x16x128xi32, #tpu.memory_space<hbm>> -> memref<1x16x128xi32, #tpu.memory_space<hbm>>
      %dma_wait3A_334 = tpu.memref_squeeze %dma_wait3A_333 : memref<1x16x128xi32, #tpu.memory_space<hbm>> -> memref<16x128xi32, #tpu.memory_space<hbm>>
      %dma_wait3A_335 = arith.constant 0 : i32
      %dma_wait3A_336 = arith.constant 0 : i32
      %dma_wait3A_337 = tpu.memref_slice %arg3[%add3A, %dma_wait3A_335, %dma_wait3A_336] : memref<32x16x128xi32, #tpu.memory_space<hbm>> -> memref<1x16x128xi32, #tpu.memory_space<hbm>>
      %dma_wait3A_338 = tpu.memref_squeeze %dma_wait3A_337 : memref<1x16x128xi32, #tpu.memory_space<hbm>> -> memref<16x128xi32, #tpu.memory_space<hbm>>
      tpu.wait_dma2 semaphore(%run_scoped3A : memref<!tpu.dma_semaphore, #tpu.memory_space<semaphore_mem>>) src(%dma_wait3A_338 : memref<16x128xi32, #tpu.memory_space<hbm>>) dst(%arg5 : memref<16x128xi32, #tpu.memory_space<vmem>>)
      tpu.yield
    }) : () -> ()
    %dma_start3A = arith.constant 0 : i32
    %dma_start3A_1 = arith.constant 0 : i32
    %dma_start3A_2 = arith.constant 0 : i32
    %dma_start3A_3 = tpu.memref_slice %arg6[%dma_start3A_1, %dma_start3A_2] : memref<2048x32xf32, #tpu.memory_space<vmem>> -> memref<128x32xf32, #tpu.memory_space<vmem>>
    %dma_start3A_4 = arith.constant 0 : i32
    %dma_start3A_5 = tpu.memref_slice %arg5[%dma_start3A, %dma_start3A_4] : memref<16x128xi32, #tpu.memory_space<vmem>> -> memref<1x128xi32, #tpu.memory_space<vmem>>
    %dma_start3A_6 = tpu.memref_squeeze %dma_start3A_5 : memref<1x128xi32, #tpu.memory_space<vmem>> -> memref<128xi32, #tpu.memory_space<vmem>>
    %dma_start3A_7 = arith.constant 0 : i32
    %dma_start3A_8 = arith.constant 0 : i32
    %dma_start3A_9 = tpu.memref_slice %arg2[%dma_start3A_7, %dma_start3A_8] : memref<4096x32xf32, #tpu.memory_space<hbm>> -> memref<4096x32xf32, #tpu.memory_space<hbm>>
    tpu.enqueue_indirect_dma source(%dma_start3A_9 : memref<4096x32xf32, #tpu.memory_space<hbm>>) target(%dma_start3A_3 : memref<128x32xf32, #tpu.memory_space<vmem>>) offsets(%dma_start3A_6 : memref<128xi32, #tpu.memory_space<vmem>>) semaphore(%arg7 : memref<!tpu.dma_semaphore, #tpu.memory_space<semaphore_mem>>)
    %dma_start3A_10 = arith.constant 1 : i32
    %dma_start3A_11 = arith.constant 128 : i32
    %dma_start3A_12 = arith.constant 0 : i32
    %dma_start3A_13 = tpu.memref_slice %arg6[%dma_start3A_11, %dma_start3A_12] : memref<2048x32xf32, #tpu.memory_space<vmem>> -> memref<128x32xf32, #tpu.memory_space<vmem>>
    %dma_start3A_14 = arith.constant 0 : i32
    %dma_start3A_15 = tpu.memref_slice %arg5[%dma_start3A_10, %dma_start3A_14] : memref<16x128xi32, #tpu.memory_space<vmem>> -> memref<1x128xi32, #tpu.memory_space<vmem>>
    %dma_start3A_16 = tpu.memref_squeeze %dma_start3A_15 : memref<1x128xi32, #tpu.memory_space<vmem>> -> memref<128xi32, #tpu.memory_space<vmem>>
    %dma_start3A_17 = arith.constant 0 : i32
    %dma_start3A_18 = arith.constant 0 : i32
    %dma_start3A_19 = tpu.memref_slice %arg2[%dma_start3A_17, %dma_start3A_18] : memref<4096x32xf32, #tpu.memory_space<hbm>> -> memref<4096x32xf32, #tpu.memory_space<hbm>>
    tpu.enqueue_indirect_dma source(%dma_start3A_19 : memref<4096x32xf32, #tpu.memory_space<hbm>>) target(%dma_start3A_13 : memref<128x32xf32, #tpu.memory_space<vmem>>) offsets(%dma_start3A_16 : memref<128xi32, #tpu.memory_space<vmem>>) semaphore(%arg7 : memref<!tpu.dma_semaphore, #tpu.memory_space<semaphore_mem>>)
    %dma_start3A_20 = arith.constant 2 : i32
    %dma_start3A_21 = arith.constant 256 : i32
    %dma_start3A_22 = arith.constant 0 : i32
    %dma_start3A_23 = tpu.memref_slice %arg6[%dma_start3A_21, %dma_start3A_22] : memref<2048x32xf32, #tpu.memory_space<vmem>> -> memref<128x32xf32, #tpu.memory_space<vmem>>
    %dma_start3A_24 = arith.constant 0 : i32
    %dma_start3A_25 = tpu.memref_slice %arg5[%dma_start3A_20, %dma_start3A_24] : memref<16x128xi32, #tpu.memory_space<vmem>> -> memref<1x128xi32, #tpu.memory_space<vmem>>
    %dma_start3A_26 = tpu.memref_squeeze %dma_start3A_25 : memref<1x128xi32, #tpu.memory_space<vmem>> -> memref<128xi32, #tpu.memory_space<vmem>>
    %dma_start3A_27 = arith.constant 0 : i32
    %dma_start3A_28 = arith.constant 0 : i32
    %dma_start3A_29 = tpu.memref_slice %arg2[%dma_start3A_27, %dma_start3A_28] : memref<4096x32xf32, #tpu.memory_space<hbm>> -> memref<4096x32xf32, #tpu.memory_space<hbm>>
    tpu.enqueue_indirect_dma source(%dma_start3A_29 : memref<4096x32xf32, #tpu.memory_space<hbm>>) target(%dma_start3A_23 : memref<128x32xf32, #tpu.memory_space<vmem>>) offsets(%dma_start3A_26 : memref<128xi32, #tpu.memory_space<vmem>>) semaphore(%arg7 : memref<!tpu.dma_semaphore, #tpu.memory_space<semaphore_mem>>)
    %dma_start3A_30 = arith.constant 3 : i32
    %dma_start3A_31 = arith.constant 384 : i32
    %dma_start3A_32 = arith.constant 0 : i32
    %dma_start3A_33 = tpu.memref_slice %arg6[%dma_start3A_31, %dma_start3A_32] : memref<2048x32xf32, #tpu.memory_space<vmem>> -> memref<128x32xf32, #tpu.memory_space<vmem>>
    %dma_start3A_34 = arith.constant 0 : i32
    %dma_start3A_35 = tpu.memref_slice %arg5[%dma_start3A_30, %dma_start3A_34] : memref<16x128xi32, #tpu.memory_space<vmem>> -> memref<1x128xi32, #tpu.memory_space<vmem>>
    %dma_start3A_36 = tpu.memref_squeeze %dma_start3A_35 : memref<1x128xi32, #tpu.memory_space<vmem>> -> memref<128xi32, #tpu.memory_space<vmem>>
    %dma_start3A_37 = arith.constant 0 : i32
    %dma_start3A_38 = arith.constant 0 : i32
    %dma_start3A_39 = tpu.memref_slice %arg2[%dma_start3A_37, %dma_start3A_38] : memref<4096x32xf32, #tpu.memory_space<hbm>> -> memref<4096x32xf32, #tpu.memory_space<hbm>>
    tpu.enqueue_indirect_dma source(%dma_start3A_39 : memref<4096x32xf32, #tpu.memory_space<hbm>>) target(%dma_start3A_33 : memref<128x32xf32, #tpu.memory_space<vmem>>) offsets(%dma_start3A_36 : memref<128xi32, #tpu.memory_space<vmem>>) semaphore(%arg7 : memref<!tpu.dma_semaphore, #tpu.memory_space<semaphore_mem>>)
    %dma_start3A_40 = arith.constant 4 : i32
    %dma_start3A_41 = arith.constant 512 : i32
    %dma_start3A_42 = arith.constant 0 : i32
    %dma_start3A_43 = tpu.memref_slice %arg6[%dma_start3A_41, %dma_start3A_42] : memref<2048x32xf32, #tpu.memory_space<vmem>> -> memref<128x32xf32, #tpu.memory_space<vmem>>
    %dma_start3A_44 = arith.constant 0 : i32
    %dma_start3A_45 = tpu.memref_slice %arg5[%dma_start3A_40, %dma_start3A_44] : memref<16x128xi32, #tpu.memory_space<vmem>> -> memref<1x128xi32, #tpu.memory_space<vmem>>
    %dma_start3A_46 = tpu.memref_squeeze %dma_start3A_45 : memref<1x128xi32, #tpu.memory_space<vmem>> -> memref<128xi32, #tpu.memory_space<vmem>>
    %dma_start3A_47 = arith.constant 0 : i32
    %dma_start3A_48 = arith.constant 0 : i32
    %dma_start3A_49 = tpu.memref_slice %arg2[%dma_start3A_47, %dma_start3A_48] : memref<4096x32xf32, #tpu.memory_space<hbm>> -> memref<4096x32xf32, #tpu.memory_space<hbm>>
    tpu.enqueue_indirect_dma source(%dma_start3A_49 : memref<4096x32xf32, #tpu.memory_space<hbm>>) target(%dma_start3A_43 : memref<128x32xf32, #tpu.memory_space<vmem>>) offsets(%dma_start3A_46 : memref<128xi32, #tpu.memory_space<vmem>>) semaphore(%arg7 : memref<!tpu.dma_semaphore, #tpu.memory_space<semaphore_mem>>)
    %dma_start3A_50 = arith.constant 5 : i32
    %dma_start3A_51 = arith.constant 640 : i32
    %dma_start3A_52 = arith.constant 0 : i32
    %dma_start3A_53 = tpu.memref_slice %arg6[%dma_start3A_51, %dma_start3A_52] : memref<2048x32xf32, #tpu.memory_space<vmem>> -> memref<128x32xf32, #tpu.memory_space<vmem>>
    %dma_start3A_54 = arith.constant 0 : i32
    %dma_start3A_55 = tpu.memref_slice %arg5[%dma_start3A_50, %dma_start3A_54] : memref<16x128xi32, #tpu.memory_space<vmem>> -> memref<1x128xi32, #tpu.memory_space<vmem>>
    %dma_start3A_56 = tpu.memref_squeeze %dma_start3A_55 : memref<1x128xi32, #tpu.memory_space<vmem>> -> memref<128xi32, #tpu.memory_space<vmem>>
    %dma_start3A_57 = arith.constant 0 : i32
    %dma_start3A_58 = arith.constant 0 : i32
    %dma_start3A_59 = tpu.memref_slice %arg2[%dma_start3A_57, %dma_start3A_58] : memref<4096x32xf32, #tpu.memory_space<hbm>> -> memref<4096x32xf32, #tpu.memory_space<hbm>>
    tpu.enqueue_indirect_dma source(%dma_start3A_59 : memref<4096x32xf32, #tpu.memory_space<hbm>>) target(%dma_start3A_53 : memref<128x32xf32, #tpu.memory_space<vmem>>) offsets(%dma_start3A_56 : memref<128xi32, #tpu.memory_space<vmem>>) semaphore(%arg7 : memref<!tpu.dma_semaphore, #tpu.memory_space<semaphore_mem>>)
    %dma_start3A_60 = arith.constant 6 : i32
    %dma_start3A_61 = arith.constant 768 : i32
    %dma_start3A_62 = arith.constant 0 : i32
    %dma_start3A_63 = tpu.memref_slice %arg6[%dma_start3A_61, %dma_start3A_62] : memref<2048x32xf32, #tpu.memory_space<vmem>> -> memref<128x32xf32, #tpu.memory_space<vmem>>
    %dma_start3A_64 = arith.constant 0 : i32
    %dma_start3A_65 = tpu.memref_slice %arg5[%dma_start3A_60, %dma_start3A_64] : memref<16x128xi32, #tpu.memory_space<vmem>> -> memref<1x128xi32, #tpu.memory_space<vmem>>
    %dma_start3A_66 = tpu.memref_squeeze %dma_start3A_65 : memref<1x128xi32, #tpu.memory_space<vmem>> -> memref<128xi32, #tpu.memory_space<vmem>>
    %dma_start3A_67 = arith.constant 0 : i32
    %dma_start3A_68 = arith.constant 0 : i32
    %dma_start3A_69 = tpu.memref_slice %arg2[%dma_start3A_67, %dma_start3A_68] : memref<4096x32xf32, #tpu.memory_space<hbm>> -> memref<4096x32xf32, #tpu.memory_space<hbm>>
    tpu.enqueue_indirect_dma source(%dma_start3A_69 : memref<4096x32xf32, #tpu.memory_space<hbm>>) target(%dma_start3A_63 : memref<128x32xf32, #tpu.memory_space<vmem>>) offsets(%dma_start3A_66 : memref<128xi32, #tpu.memory_space<vmem>>) semaphore(%arg7 : memref<!tpu.dma_semaphore, #tpu.memory_space<semaphore_mem>>)
    %dma_start3A_70 = arith.constant 7 : i32
    %dma_start3A_71 = arith.constant 896 : i32
    %dma_start3A_72 = arith.constant 0 : i32
    %dma_start3A_73 = tpu.memref_slice %arg6[%dma_start3A_71, %dma_start3A_72] : memref<2048x32xf32, #tpu.memory_space<vmem>> -> memref<128x32xf32, #tpu.memory_space<vmem>>
    %dma_start3A_74 = arith.constant 0 : i32
    %dma_start3A_75 = tpu.memref_slice %arg5[%dma_start3A_70, %dma_start3A_74] : memref<16x128xi32, #tpu.memory_space<vmem>> -> memref<1x128xi32, #tpu.memory_space<vmem>>
    %dma_start3A_76 = tpu.memref_squeeze %dma_start3A_75 : memref<1x128xi32, #tpu.memory_space<vmem>> -> memref<128xi32, #tpu.memory_space<vmem>>
    %dma_start3A_77 = arith.constant 0 : i32
    %dma_start3A_78 = arith.constant 0 : i32
    %dma_start3A_79 = tpu.memref_slice %arg2[%dma_start3A_77, %dma_start3A_78] : memref<4096x32xf32, #tpu.memory_space<hbm>> -> memref<4096x32xf32, #tpu.memory_space<hbm>>
    tpu.enqueue_indirect_dma source(%dma_start3A_79 : memref<4096x32xf32, #tpu.memory_space<hbm>>) target(%dma_start3A_73 : memref<128x32xf32, #tpu.memory_space<vmem>>) offsets(%dma_start3A_76 : memref<128xi32, #tpu.memory_space<vmem>>) semaphore(%arg7 : memref<!tpu.dma_semaphore, #tpu.memory_space<semaphore_mem>>)
    %dma_start3A_80 = arith.constant 8 : i32
    %dma_start3A_81 = arith.constant 1024 : i32
    %dma_start3A_82 = arith.constant 0 : i32
    %dma_start3A_83 = tpu.memref_slice %arg6[%dma_start3A_81, %dma_start3A_82] : memref<2048x32xf32, #tpu.memory_space<vmem>> -> memref<128x32xf32, #tpu.memory_space<vmem>>
    %dma_start3A_84 = arith.constant 0 : i32
    %dma_start3A_85 = tpu.memref_slice %arg5[%dma_start3A_80, %dma_start3A_84] : memref<16x128xi32, #tpu.memory_space<vmem>> -> memref<1x128xi32, #tpu.memory_space<vmem>>
    %dma_start3A_86 = tpu.memref_squeeze %dma_start3A_85 : memref<1x128xi32, #tpu.memory_space<vmem>> -> memref<128xi32, #tpu.memory_space<vmem>>
    %dma_start3A_87 = arith.constant 0 : i32
    %dma_start3A_88 = arith.constant 0 : i32
    %dma_start3A_89 = tpu.memref_slice %arg2[%dma_start3A_87, %dma_start3A_88] : memref<4096x32xf32, #tpu.memory_space<hbm>> -> memref<4096x32xf32, #tpu.memory_space<hbm>>
    tpu.enqueue_indirect_dma source(%dma_start3A_89 : memref<4096x32xf32, #tpu.memory_space<hbm>>) target(%dma_start3A_83 : memref<128x32xf32, #tpu.memory_space<vmem>>) offsets(%dma_start3A_86 : memref<128xi32, #tpu.memory_space<vmem>>) semaphore(%arg7 : memref<!tpu.dma_semaphore, #tpu.memory_space<semaphore_mem>>)
    %dma_start3A_90 = arith.constant 9 : i32
    %dma_start3A_91 = arith.constant 1152 : i32
    %dma_start3A_92 = arith.constant 0 : i32
    %dma_start3A_93 = tpu.memref_slice %arg6[%dma_start3A_91, %dma_start3A_92] : memref<2048x32xf32, #tpu.memory_space<vmem>> -> memref<128x32xf32, #tpu.memory_space<vmem>>
    %dma_start3A_94 = arith.constant 0 : i32
    %dma_start3A_95 = tpu.memref_slice %arg5[%dma_start3A_90, %dma_start3A_94] : memref<16x128xi32, #tpu.memory_space<vmem>> -> memref<1x128xi32, #tpu.memory_space<vmem>>
    %dma_start3A_96 = tpu.memref_squeeze %dma_start3A_95 : memref<1x128xi32, #tpu.memory_space<vmem>> -> memref<128xi32, #tpu.memory_space<vmem>>
    %dma_start3A_97 = arith.constant 0 : i32
    %dma_start3A_98 = arith.constant 0 : i32
    %dma_start3A_99 = tpu.memref_slice %arg2[%dma_start3A_97, %dma_start3A_98] : memref<4096x32xf32, #tpu.memory_space<hbm>> -> memref<4096x32xf32, #tpu.memory_space<hbm>>
    tpu.enqueue_indirect_dma source(%dma_start3A_99 : memref<4096x32xf32, #tpu.memory_space<hbm>>) target(%dma_start3A_93 : memref<128x32xf32, #tpu.memory_space<vmem>>) offsets(%dma_start3A_96 : memref<128xi32, #tpu.memory_space<vmem>>) semaphore(%arg7 : memref<!tpu.dma_semaphore, #tpu.memory_space<semaphore_mem>>)
    %dma_start3A_100 = arith.constant 10 : i32
    %dma_start3A_101 = arith.constant 1280 : i32
    %dma_start3A_102 = arith.constant 0 : i32
    %dma_start3A_103 = tpu.memref_slice %arg6[%dma_start3A_101, %dma_start3A_102] : memref<2048x32xf32, #tpu.memory_space<vmem>> -> memref<128x32xf32, #tpu.memory_space<vmem>>
    %dma_start3A_104 = arith.constant 0 : i32
    %dma_start3A_105 = tpu.memref_slice %arg5[%dma_start3A_100, %dma_start3A_104] : memref<16x128xi32, #tpu.memory_space<vmem>> -> memref<1x128xi32, #tpu.memory_space<vmem>>
    %dma_start3A_106 = tpu.memref_squeeze %dma_start3A_105 : memref<1x128xi32, #tpu.memory_space<vmem>> -> memref<128xi32, #tpu.memory_space<vmem>>
    %dma_start3A_107 = arith.constant 0 : i32
    %dma_start3A_108 = arith.constant 0 : i32
    %dma_start3A_109 = tpu.memref_slice %arg2[%dma_start3A_107, %dma_start3A_108] : memref<4096x32xf32, #tpu.memory_space<hbm>> -> memref<4096x32xf32, #tpu.memory_space<hbm>>
    tpu.enqueue_indirect_dma source(%dma_start3A_109 : memref<4096x32xf32, #tpu.memory_space<hbm>>) target(%dma_start3A_103 : memref<128x32xf32, #tpu.memory_space<vmem>>) offsets(%dma_start3A_106 : memref<128xi32, #tpu.memory_space<vmem>>) semaphore(%arg7 : memref<!tpu.dma_semaphore, #tpu.memory_space<semaphore_mem>>)
    %dma_start3A_110 = arith.constant 11 : i32
    %dma_start3A_111 = arith.constant 1408 : i32
    %dma_start3A_112 = arith.constant 0 : i32
    %dma_start3A_113 = tpu.memref_slice %arg6[%dma_start3A_111, %dma_start3A_112] : memref<2048x32xf32, #tpu.memory_space<vmem>> -> memref<128x32xf32, #tpu.memory_space<vmem>>
    %dma_start3A_114 = arith.constant 0 : i32
    %dma_start3A_115 = tpu.memref_slice %arg5[%dma_start3A_110, %dma_start3A_114] : memref<16x128xi32, #tpu.memory_space<vmem>> -> memref<1x128xi32, #tpu.memory_space<vmem>>
    %dma_start3A_116 = tpu.memref_squeeze %dma_start3A_115 : memref<1x128xi32, #tpu.memory_space<vmem>> -> memref<128xi32, #tpu.memory_space<vmem>>
    %dma_start3A_117 = arith.constant 0 : i32
    %dma_start3A_118 = arith.constant 0 : i32
    %dma_start3A_119 = tpu.memref_slice %arg2[%dma_start3A_117, %dma_start3A_118] : memref<4096x32xf32, #tpu.memory_space<hbm>> -> memref<4096x32xf32, #tpu.memory_space<hbm>>
    tpu.enqueue_indirect_dma source(%dma_start3A_119 : memref<4096x32xf32, #tpu.memory_space<hbm>>) target(%dma_start3A_113 : memref<128x32xf32, #tpu.memory_space<vmem>>) offsets(%dma_start3A_116 : memref<128xi32, #tpu.memory_space<vmem>>) semaphore(%arg7 : memref<!tpu.dma_semaphore, #tpu.memory_space<semaphore_mem>>)
    %dma_start3A_120 = arith.constant 12 : i32
    %dma_start3A_121 = arith.constant 1536 : i32
    %dma_start3A_122 = arith.constant 0 : i32
    %dma_start3A_123 = tpu.memref_slice %arg6[%dma_start3A_121, %dma_start3A_122] : memref<2048x32xf32, #tpu.memory_space<vmem>> -> memref<128x32xf32, #tpu.memory_space<vmem>>
    %dma_start3A_124 = arith.constant 0 : i32
    %dma_start3A_125 = tpu.memref_slice %arg5[%dma_start3A_120, %dma_start3A_124] : memref<16x128xi32, #tpu.memory_space<vmem>> -> memref<1x128xi32, #tpu.memory_space<vmem>>
    %dma_start3A_126 = tpu.memref_squeeze %dma_start3A_125 : memref<1x128xi32, #tpu.memory_space<vmem>> -> memref<128xi32, #tpu.memory_space<vmem>>
    %dma_start3A_127 = arith.constant 0 : i32
    %dma_start3A_128 = arith.constant 0 : i32
    %dma_start3A_129 = tpu.memref_slice %arg2[%dma_start3A_127, %dma_start3A_128] : memref<4096x32xf32, #tpu.memory_space<hbm>> -> memref<4096x32xf32, #tpu.memory_space<hbm>>
    tpu.enqueue_indirect_dma source(%dma_start3A_129 : memref<4096x32xf32, #tpu.memory_space<hbm>>) target(%dma_start3A_123 : memref<128x32xf32, #tpu.memory_space<vmem>>) offsets(%dma_start3A_126 : memref<128xi32, #tpu.memory_space<vmem>>) semaphore(%arg7 : memref<!tpu.dma_semaphore, #tpu.memory_space<semaphore_mem>>)
    %dma_start3A_130 = arith.constant 13 : i32
    %dma_start3A_131 = arith.constant 1664 : i32
    %dma_start3A_132 = arith.constant 0 : i32
    %dma_start3A_133 = tpu.memref_slice %arg6[%dma_start3A_131, %dma_start3A_132] : memref<2048x32xf32, #tpu.memory_space<vmem>> -> memref<128x32xf32, #tpu.memory_space<vmem>>
    %dma_start3A_134 = arith.constant 0 : i32
    %dma_start3A_135 = tpu.memref_slice %arg5[%dma_start3A_130, %dma_start3A_134] : memref<16x128xi32, #tpu.memory_space<vmem>> -> memref<1x128xi32, #tpu.memory_space<vmem>>
    %dma_start3A_136 = tpu.memref_squeeze %dma_start3A_135 : memref<1x128xi32, #tpu.memory_space<vmem>> -> memref<128xi32, #tpu.memory_space<vmem>>
    %dma_start3A_137 = arith.constant 0 : i32
    %dma_start3A_138 = arith.constant 0 : i32
    %dma_start3A_139 = tpu.memref_slice %arg2[%dma_start3A_137, %dma_start3A_138] : memref<4096x32xf32, #tpu.memory_space<hbm>> -> memref<4096x32xf32, #tpu.memory_space<hbm>>
    tpu.enqueue_indirect_dma source(%dma_start3A_139 : memref<4096x32xf32, #tpu.memory_space<hbm>>) target(%dma_start3A_133 : memref<128x32xf32, #tpu.memory_space<vmem>>) offsets(%dma_start3A_136 : memref<128xi32, #tpu.memory_space<vmem>>) semaphore(%arg7 : memref<!tpu.dma_semaphore, #tpu.memory_space<semaphore_mem>>)
    %dma_start3A_140 = arith.constant 14 : i32
    %dma_start3A_141 = arith.constant 1792 : i32
    %dma_start3A_142 = arith.constant 0 : i32
    %dma_start3A_143 = tpu.memref_slice %arg6[%dma_start3A_141, %dma_start3A_142] : memref<2048x32xf32, #tpu.memory_space<vmem>> -> memref<128x32xf32, #tpu.memory_space<vmem>>
    %dma_start3A_144 = arith.constant 0 : i32
    %dma_start3A_145 = tpu.memref_slice %arg5[%dma_start3A_140, %dma_start3A_144] : memref<16x128xi32, #tpu.memory_space<vmem>> -> memref<1x128xi32, #tpu.memory_space<vmem>>
    %dma_start3A_146 = tpu.memref_squeeze %dma_start3A_145 : memref<1x128xi32, #tpu.memory_space<vmem>> -> memref<128xi32, #tpu.memory_space<vmem>>
    %dma_start3A_147 = arith.constant 0 : i32
    %dma_start3A_148 = arith.constant 0 : i32
    %dma_start3A_149 = tpu.memref_slice %arg2[%dma_start3A_147, %dma_start3A_148] : memref<4096x32xf32, #tpu.memory_space<hbm>> -> memref<4096x32xf32, #tpu.memory_space<hbm>>
    tpu.enqueue_indirect_dma source(%dma_start3A_149 : memref<4096x32xf32, #tpu.memory_space<hbm>>) target(%dma_start3A_143 : memref<128x32xf32, #tpu.memory_space<vmem>>) offsets(%dma_start3A_146 : memref<128xi32, #tpu.memory_space<vmem>>) semaphore(%arg7 : memref<!tpu.dma_semaphore, #tpu.memory_space<semaphore_mem>>)
    %dma_start3A_150 = arith.constant 15 : i32
    %dma_start3A_151 = arith.constant 1920 : i32
    %dma_start3A_152 = arith.constant 0 : i32
    %dma_start3A_153 = tpu.memref_slice %arg6[%dma_start3A_151, %dma_start3A_152] : memref<2048x32xf32, #tpu.memory_space<vmem>> -> memref<128x32xf32, #tpu.memory_space<vmem>>
    %dma_start3A_154 = arith.constant 0 : i32
    %dma_start3A_155 = tpu.memref_slice %arg5[%dma_start3A_150, %dma_start3A_154] : memref<16x128xi32, #tpu.memory_space<vmem>> -> memref<1x128xi32, #tpu.memory_space<vmem>>
    %dma_start3A_156 = tpu.memref_squeeze %dma_start3A_155 : memref<1x128xi32, #tpu.memory_space<vmem>> -> memref<128xi32, #tpu.memory_space<vmem>>
    %dma_start3A_157 = arith.constant 0 : i32
    %dma_start3A_158 = arith.constant 0 : i32
    %dma_start3A_159 = tpu.memref_slice %arg2[%dma_start3A_157, %dma_start3A_158] : memref<4096x32xf32, #tpu.memory_space<hbm>> -> memref<4096x32xf32, #tpu.memory_space<hbm>>
    tpu.enqueue_indirect_dma source(%dma_start3A_159 : memref<4096x32xf32, #tpu.memory_space<hbm>>) target(%dma_start3A_153 : memref<128x32xf32, #tpu.memory_space<vmem>>) offsets(%dma_start3A_156 : memref<128xi32, #tpu.memory_space<vmem>>) semaphore(%arg7 : memref<!tpu.dma_semaphore, #tpu.memory_space<semaphore_mem>>)
    %dma_wait3A = arith.constant 0 : i32
    %dma_wait3A_160 = arith.constant 0 : i32
    %dma_wait3A_161 = arith.constant 0 : i32
    %dma_wait3A_162 = tpu.memref_slice %arg6[%dma_wait3A_160, %dma_wait3A_161] : memref<2048x32xf32, #tpu.memory_space<vmem>> -> memref<128x32xf32, #tpu.memory_space<vmem>>
    %dma_wait3A_163 = arith.constant 0 : i32
    %dma_wait3A_164 = tpu.memref_slice %arg5[%dma_wait3A, %dma_wait3A_163] : memref<16x128xi32, #tpu.memory_space<vmem>> -> memref<1x128xi32, #tpu.memory_space<vmem>>
    %dma_wait3A_165 = tpu.memref_squeeze %dma_wait3A_164 : memref<1x128xi32, #tpu.memory_space<vmem>> -> memref<128xi32, #tpu.memory_space<vmem>>
    %dma_wait3A_166 = arith.constant 0 : i32
    %dma_wait3A_167 = arith.constant 0 : i32
    %dma_wait3A_168 = tpu.memref_slice %arg2[%dma_wait3A_166, %dma_wait3A_167] : memref<4096x32xf32, #tpu.memory_space<hbm>> -> memref<4096x32xf32, #tpu.memory_space<hbm>>
    tpu.wait_indirect_dma semaphore(%arg7 : memref<!tpu.dma_semaphore, #tpu.memory_space<semaphore_mem>>) src(%dma_wait3A_168 : memref<4096x32xf32, #tpu.memory_space<hbm>>) dst(%dma_wait3A_162 : memref<128x32xf32, #tpu.memory_space<vmem>>)
    %dma_wait3A_169 = arith.constant 1 : i32
    %dma_wait3A_170 = arith.constant 128 : i32
    %dma_wait3A_171 = arith.constant 0 : i32
    %dma_wait3A_172 = tpu.memref_slice %arg6[%dma_wait3A_170, %dma_wait3A_171] : memref<2048x32xf32, #tpu.memory_space<vmem>> -> memref<128x32xf32, #tpu.memory_space<vmem>>
    %dma_wait3A_173 = arith.constant 0 : i32
    %dma_wait3A_174 = tpu.memref_slice %arg5[%dma_wait3A_169, %dma_wait3A_173] : memref<16x128xi32, #tpu.memory_space<vmem>> -> memref<1x128xi32, #tpu.memory_space<vmem>>
    %dma_wait3A_175 = tpu.memref_squeeze %dma_wait3A_174 : memref<1x128xi32, #tpu.memory_space<vmem>> -> memref<128xi32, #tpu.memory_space<vmem>>
    %dma_wait3A_176 = arith.constant 0 : i32
    %dma_wait3A_177 = arith.constant 0 : i32
    %dma_wait3A_178 = tpu.memref_slice %arg2[%dma_wait3A_176, %dma_wait3A_177] : memref<4096x32xf32, #tpu.memory_space<hbm>> -> memref<4096x32xf32, #tpu.memory_space<hbm>>
    tpu.wait_indirect_dma semaphore(%arg7 : memref<!tpu.dma_semaphore, #tpu.memory_space<semaphore_mem>>) src(%dma_wait3A_178 : memref<4096x32xf32, #tpu.memory_space<hbm>>) dst(%dma_wait3A_172 : memref<128x32xf32, #tpu.memory_space<vmem>>)
    %dma_wait3A_179 = arith.constant 2 : i32
    %dma_wait3A_180 = arith.constant 256 : i32
    %dma_wait3A_181 = arith.constant 0 : i32
    %dma_wait3A_182 = tpu.memref_slice %arg6[%dma_wait3A_180, %dma_wait3A_181] : memref<2048x32xf32, #tpu.memory_space<vmem>> -> memref<128x32xf32, #tpu.memory_space<vmem>>
    %dma_wait3A_183 = arith.constant 0 : i32
    %dma_wait3A_184 = tpu.memref_slice %arg5[%dma_wait3A_179, %dma_wait3A_183] : memref<16x128xi32, #tpu.memory_space<vmem>> -> memref<1x128xi32, #tpu.memory_space<vmem>>
    %dma_wait3A_185 = tpu.memref_squeeze %dma_wait3A_184 : memref<1x128xi32, #tpu.memory_space<vmem>> -> memref<128xi32, #tpu.memory_space<vmem>>
    %dma_wait3A_186 = arith.constant 0 : i32
    %dma_wait3A_187 = arith.constant 0 : i32
    %dma_wait3A_188 = tpu.memref_slice %arg2[%dma_wait3A_186, %dma_wait3A_187] : memref<4096x32xf32, #tpu.memory_space<hbm>> -> memref<4096x32xf32, #tpu.memory_space<hbm>>
    tpu.wait_indirect_dma semaphore(%arg7 : memref<!tpu.dma_semaphore, #tpu.memory_space<semaphore_mem>>) src(%dma_wait3A_188 : memref<4096x32xf32, #tpu.memory_space<hbm>>) dst(%dma_wait3A_182 : memref<128x32xf32, #tpu.memory_space<vmem>>)
    %dma_wait3A_189 = arith.constant 3 : i32
    %dma_wait3A_190 = arith.constant 384 : i32
    %dma_wait3A_191 = arith.constant 0 : i32
    %dma_wait3A_192 = tpu.memref_slice %arg6[%dma_wait3A_190, %dma_wait3A_191] : memref<2048x32xf32, #tpu.memory_space<vmem>> -> memref<128x32xf32, #tpu.memory_space<vmem>>
    %dma_wait3A_193 = arith.constant 0 : i32
    %dma_wait3A_194 = tpu.memref_slice %arg5[%dma_wait3A_189, %dma_wait3A_193] : memref<16x128xi32, #tpu.memory_space<vmem>> -> memref<1x128xi32, #tpu.memory_space<vmem>>
    %dma_wait3A_195 = tpu.memref_squeeze %dma_wait3A_194 : memref<1x128xi32, #tpu.memory_space<vmem>> -> memref<128xi32, #tpu.memory_space<vmem>>
    %dma_wait3A_196 = arith.constant 0 : i32
    %dma_wait3A_197 = arith.constant 0 : i32
    %dma_wait3A_198 = tpu.memref_slice %arg2[%dma_wait3A_196, %dma_wait3A_197] : memref<4096x32xf32, #tpu.memory_space<hbm>> -> memref<4096x32xf32, #tpu.memory_space<hbm>>
    tpu.wait_indirect_dma semaphore(%arg7 : memref<!tpu.dma_semaphore, #tpu.memory_space<semaphore_mem>>) src(%dma_wait3A_198 : memref<4096x32xf32, #tpu.memory_space<hbm>>) dst(%dma_wait3A_192 : memref<128x32xf32, #tpu.memory_space<vmem>>)
    %dma_wait3A_199 = arith.constant 4 : i32
    %dma_wait3A_200 = arith.constant 512 : i32
    %dma_wait3A_201 = arith.constant 0 : i32
    %dma_wait3A_202 = tpu.memref_slice %arg6[%dma_wait3A_200, %dma_wait3A_201] : memref<2048x32xf32, #tpu.memory_space<vmem>> -> memref<128x32xf32, #tpu.memory_space<vmem>>
    %dma_wait3A_203 = arith.constant 0 : i32
    %dma_wait3A_204 = tpu.memref_slice %arg5[%dma_wait3A_199, %dma_wait3A_203] : memref<16x128xi32, #tpu.memory_space<vmem>> -> memref<1x128xi32, #tpu.memory_space<vmem>>
    %dma_wait3A_205 = tpu.memref_squeeze %dma_wait3A_204 : memref<1x128xi32, #tpu.memory_space<vmem>> -> memref<128xi32, #tpu.memory_space<vmem>>
    %dma_wait3A_206 = arith.constant 0 : i32
    %dma_wait3A_207 = arith.constant 0 : i32
    %dma_wait3A_208 = tpu.memref_slice %arg2[%dma_wait3A_206, %dma_wait3A_207] : memref<4096x32xf32, #tpu.memory_space<hbm>> -> memref<4096x32xf32, #tpu.memory_space<hbm>>
    tpu.wait_indirect_dma semaphore(%arg7 : memref<!tpu.dma_semaphore, #tpu.memory_space<semaphore_mem>>) src(%dma_wait3A_208 : memref<4096x32xf32, #tpu.memory_space<hbm>>) dst(%dma_wait3A_202 : memref<128x32xf32, #tpu.memory_space<vmem>>)
    %dma_wait3A_209 = arith.constant 5 : i32
    %dma_wait3A_210 = arith.constant 640 : i32
    %dma_wait3A_211 = arith.constant 0 : i32
    %dma_wait3A_212 = tpu.memref_slice %arg6[%dma_wait3A_210, %dma_wait3A_211] : memref<2048x32xf32, #tpu.memory_space<vmem>> -> memref<128x32xf32, #tpu.memory_space<vmem>>
    %dma_wait3A_213 = arith.constant 0 : i32
    %dma_wait3A_214 = tpu.memref_slice %arg5[%dma_wait3A_209, %dma_wait3A_213] : memref<16x128xi32, #tpu.memory_space<vmem>> -> memref<1x128xi32, #tpu.memory_space<vmem>>
    %dma_wait3A_215 = tpu.memref_squeeze %dma_wait3A_214 : memref<1x128xi32, #tpu.memory_space<vmem>> -> memref<128xi32, #tpu.memory_space<vmem>>
    %dma_wait3A_216 = arith.constant 0 : i32
    %dma_wait3A_217 = arith.constant 0 : i32
    %dma_wait3A_218 = tpu.memref_slice %arg2[%dma_wait3A_216, %dma_wait3A_217] : memref<4096x32xf32, #tpu.memory_space<hbm>> -> memref<4096x32xf32, #tpu.memory_space<hbm>>
    tpu.wait_indirect_dma semaphore(%arg7 : memref<!tpu.dma_semaphore, #tpu.memory_space<semaphore_mem>>) src(%dma_wait3A_218 : memref<4096x32xf32, #tpu.memory_space<hbm>>) dst(%dma_wait3A_212 : memref<128x32xf32, #tpu.memory_space<vmem>>)
    %dma_wait3A_219 = arith.constant 6 : i32
    %dma_wait3A_220 = arith.constant 768 : i32
    %dma_wait3A_221 = arith.constant 0 : i32
    %dma_wait3A_222 = tpu.memref_slice %arg6[%dma_wait3A_220, %dma_wait3A_221] : memref<2048x32xf32, #tpu.memory_space<vmem>> -> memref<128x32xf32, #tpu.memory_space<vmem>>
    %dma_wait3A_223 = arith.constant 0 : i32
    %dma_wait3A_224 = tpu.memref_slice %arg5[%dma_wait3A_219, %dma_wait3A_223] : memref<16x128xi32, #tpu.memory_space<vmem>> -> memref<1x128xi32, #tpu.memory_space<vmem>>
    %dma_wait3A_225 = tpu.memref_squeeze %dma_wait3A_224 : memref<1x128xi32, #tpu.memory_space<vmem>> -> memref<128xi32, #tpu.memory_space<vmem>>
    %dma_wait3A_226 = arith.constant 0 : i32
    %dma_wait3A_227 = arith.constant 0 : i32
    %dma_wait3A_228 = tpu.memref_slice %arg2[%dma_wait3A_226, %dma_wait3A_227] : memref<4096x32xf32, #tpu.memory_space<hbm>> -> memref<4096x32xf32, #tpu.memory_space<hbm>>
    tpu.wait_indirect_dma semaphore(%arg7 : memref<!tpu.dma_semaphore, #tpu.memory_space<semaphore_mem>>) src(%dma_wait3A_228 : memref<4096x32xf32, #tpu.memory_space<hbm>>) dst(%dma_wait3A_222 : memref<128x32xf32, #tpu.memory_space<vmem>>)
    %dma_wait3A_229 = arith.constant 7 : i32
    %dma_wait3A_230 = arith.constant 896 : i32
    %dma_wait3A_231 = arith.constant 0 : i32
    %dma_wait3A_232 = tpu.memref_slice %arg6[%dma_wait3A_230, %dma_wait3A_231] : memref<2048x32xf32, #tpu.memory_space<vmem>> -> memref<128x32xf32, #tpu.memory_space<vmem>>
    %dma_wait3A_233 = arith.constant 0 : i32
    %dma_wait3A_234 = tpu.memref_slice %arg5[%dma_wait3A_229, %dma_wait3A_233] : memref<16x128xi32, #tpu.memory_space<vmem>> -> memref<1x128xi32, #tpu.memory_space<vmem>>
    %dma_wait3A_235 = tpu.memref_squeeze %dma_wait3A_234 : memref<1x128xi32, #tpu.memory_space<vmem>> -> memref<128xi32, #tpu.memory_space<vmem>>
    %dma_wait3A_236 = arith.constant 0 : i32
    %dma_wait3A_237 = arith.constant 0 : i32
    %dma_wait3A_238 = tpu.memref_slice %arg2[%dma_wait3A_236, %dma_wait3A_237] : memref<4096x32xf32, #tpu.memory_space<hbm>> -> memref<4096x32xf32, #tpu.memory_space<hbm>>
    tpu.wait_indirect_dma semaphore(%arg7 : memref<!tpu.dma_semaphore, #tpu.memory_space<semaphore_mem>>) src(%dma_wait3A_238 : memref<4096x32xf32, #tpu.memory_space<hbm>>) dst(%dma_wait3A_232 : memref<128x32xf32, #tpu.memory_space<vmem>>)
    %dma_wait3A_239 = arith.constant 8 : i32
    %dma_wait3A_240 = arith.constant 1024 : i32
    %dma_wait3A_241 = arith.constant 0 : i32
    %dma_wait3A_242 = tpu.memref_slice %arg6[%dma_wait3A_240, %dma_wait3A_241] : memref<2048x32xf32, #tpu.memory_space<vmem>> -> memref<128x32xf32, #tpu.memory_space<vmem>>
    %dma_wait3A_243 = arith.constant 0 : i32
    %dma_wait3A_244 = tpu.memref_slice %arg5[%dma_wait3A_239, %dma_wait3A_243] : memref<16x128xi32, #tpu.memory_space<vmem>> -> memref<1x128xi32, #tpu.memory_space<vmem>>
    %dma_wait3A_245 = tpu.memref_squeeze %dma_wait3A_244 : memref<1x128xi32, #tpu.memory_space<vmem>> -> memref<128xi32, #tpu.memory_space<vmem>>
    %dma_wait3A_246 = arith.constant 0 : i32
    %dma_wait3A_247 = arith.constant 0 : i32
    %dma_wait3A_248 = tpu.memref_slice %arg2[%dma_wait3A_246, %dma_wait3A_247] : memref<4096x32xf32, #tpu.memory_space<hbm>> -> memref<4096x32xf32, #tpu.memory_space<hbm>>
    tpu.wait_indirect_dma semaphore(%arg7 : memref<!tpu.dma_semaphore, #tpu.memory_space<semaphore_mem>>) src(%dma_wait3A_248 : memref<4096x32xf32, #tpu.memory_space<hbm>>) dst(%dma_wait3A_242 : memref<128x32xf32, #tpu.memory_space<vmem>>)
    %dma_wait3A_249 = arith.constant 9 : i32
    %dma_wait3A_250 = arith.constant 1152 : i32
    %dma_wait3A_251 = arith.constant 0 : i32
    %dma_wait3A_252 = tpu.memref_slice %arg6[%dma_wait3A_250, %dma_wait3A_251] : memref<2048x32xf32, #tpu.memory_space<vmem>> -> memref<128x32xf32, #tpu.memory_space<vmem>>
    %dma_wait3A_253 = arith.constant 0 : i32
    %dma_wait3A_254 = tpu.memref_slice %arg5[%dma_wait3A_249, %dma_wait3A_253] : memref<16x128xi32, #tpu.memory_space<vmem>> -> memref<1x128xi32, #tpu.memory_space<vmem>>
    %dma_wait3A_255 = tpu.memref_squeeze %dma_wait3A_254 : memref<1x128xi32, #tpu.memory_space<vmem>> -> memref<128xi32, #tpu.memory_space<vmem>>
    %dma_wait3A_256 = arith.constant 0 : i32
    %dma_wait3A_257 = arith.constant 0 : i32
    %dma_wait3A_258 = tpu.memref_slice %arg2[%dma_wait3A_256, %dma_wait3A_257] : memref<4096x32xf32, #tpu.memory_space<hbm>> -> memref<4096x32xf32, #tpu.memory_space<hbm>>
    tpu.wait_indirect_dma semaphore(%arg7 : memref<!tpu.dma_semaphore, #tpu.memory_space<semaphore_mem>>) src(%dma_wait3A_258 : memref<4096x32xf32, #tpu.memory_space<hbm>>) dst(%dma_wait3A_252 : memref<128x32xf32, #tpu.memory_space<vmem>>)
    %dma_wait3A_259 = arith.constant 10 : i32
    %dma_wait3A_260 = arith.constant 1280 : i32
    %dma_wait3A_261 = arith.constant 0 : i32
    %dma_wait3A_262 = tpu.memref_slice %arg6[%dma_wait3A_260, %dma_wait3A_261] : memref<2048x32xf32, #tpu.memory_space<vmem>> -> memref<128x32xf32, #tpu.memory_space<vmem>>
    %dma_wait3A_263 = arith.constant 0 : i32
    %dma_wait3A_264 = tpu.memref_slice %arg5[%dma_wait3A_259, %dma_wait3A_263] : memref<16x128xi32, #tpu.memory_space<vmem>> -> memref<1x128xi32, #tpu.memory_space<vmem>>
    %dma_wait3A_265 = tpu.memref_squeeze %dma_wait3A_264 : memref<1x128xi32, #tpu.memory_space<vmem>> -> memref<128xi32, #tpu.memory_space<vmem>>
    %dma_wait3A_266 = arith.constant 0 : i32
    %dma_wait3A_267 = arith.constant 0 : i32
    %dma_wait3A_268 = tpu.memref_slice %arg2[%dma_wait3A_266, %dma_wait3A_267] : memref<4096x32xf32, #tpu.memory_space<hbm>> -> memref<4096x32xf32, #tpu.memory_space<hbm>>
    tpu.wait_indirect_dma semaphore(%arg7 : memref<!tpu.dma_semaphore, #tpu.memory_space<semaphore_mem>>) src(%dma_wait3A_268 : memref<4096x32xf32, #tpu.memory_space<hbm>>) dst(%dma_wait3A_262 : memref<128x32xf32, #tpu.memory_space<vmem>>)
    %dma_wait3A_269 = arith.constant 11 : i32
    %dma_wait3A_270 = arith.constant 1408 : i32
    %dma_wait3A_271 = arith.constant 0 : i32
    %dma_wait3A_272 = tpu.memref_slice %arg6[%dma_wait3A_270, %dma_wait3A_271] : memref<2048x32xf32, #tpu.memory_space<vmem>> -> memref<128x32xf32, #tpu.memory_space<vmem>>
    %dma_wait3A_273 = arith.constant 0 : i32
    %dma_wait3A_274 = tpu.memref_slice %arg5[%dma_wait3A_269, %dma_wait3A_273] : memref<16x128xi32, #tpu.memory_space<vmem>> -> memref<1x128xi32, #tpu.memory_space<vmem>>
    %dma_wait3A_275 = tpu.memref_squeeze %dma_wait3A_274 : memref<1x128xi32, #tpu.memory_space<vmem>> -> memref<128xi32, #tpu.memory_space<vmem>>
    %dma_wait3A_276 = arith.constant 0 : i32
    %dma_wait3A_277 = arith.constant 0 : i32
    %dma_wait3A_278 = tpu.memref_slice %arg2[%dma_wait3A_276, %dma_wait3A_277] : memref<4096x32xf32, #tpu.memory_space<hbm>> -> memref<4096x32xf32, #tpu.memory_space<hbm>>
    tpu.wait_indirect_dma semaphore(%arg7 : memref<!tpu.dma_semaphore, #tpu.memory_space<semaphore_mem>>) src(%dma_wait3A_278 : memref<4096x32xf32, #tpu.memory_space<hbm>>) dst(%dma_wait3A_272 : memref<128x32xf32, #tpu.memory_space<vmem>>)
    %dma_wait3A_279 = arith.constant 12 : i32
    %dma_wait3A_280 = arith.constant 1536 : i32
    %dma_wait3A_281 = arith.constant 0 : i32
    %dma_wait3A_282 = tpu.memref_slice %arg6[%dma_wait3A_280, %dma_wait3A_281] : memref<2048x32xf32, #tpu.memory_space<vmem>> -> memref<128x32xf32, #tpu.memory_space<vmem>>
    %dma_wait3A_283 = arith.constant 0 : i32
    %dma_wait3A_284 = tpu.memref_slice %arg5[%dma_wait3A_279, %dma_wait3A_283] : memref<16x128xi32, #tpu.memory_space<vmem>> -> memref<1x128xi32, #tpu.memory_space<vmem>>
    %dma_wait3A_285 = tpu.memref_squeeze %dma_wait3A_284 : memref<1x128xi32, #tpu.memory_space<vmem>> -> memref<128xi32, #tpu.memory_space<vmem>>
    %dma_wait3A_286 = arith.constant 0 : i32
    %dma_wait3A_287 = arith.constant 0 : i32
    %dma_wait3A_288 = tpu.memref_slice %arg2[%dma_wait3A_286, %dma_wait3A_287] : memref<4096x32xf32, #tpu.memory_space<hbm>> -> memref<4096x32xf32, #tpu.memory_space<hbm>>
    tpu.wait_indirect_dma semaphore(%arg7 : memref<!tpu.dma_semaphore, #tpu.memory_space<semaphore_mem>>) src(%dma_wait3A_288 : memref<4096x32xf32, #tpu.memory_space<hbm>>) dst(%dma_wait3A_282 : memref<128x32xf32, #tpu.memory_space<vmem>>)
    %dma_wait3A_289 = arith.constant 13 : i32
    %dma_wait3A_290 = arith.constant 1664 : i32
    %dma_wait3A_291 = arith.constant 0 : i32
    %dma_wait3A_292 = tpu.memref_slice %arg6[%dma_wait3A_290, %dma_wait3A_291] : memref<2048x32xf32, #tpu.memory_space<vmem>> -> memref<128x32xf32, #tpu.memory_space<vmem>>
    %dma_wait3A_293 = arith.constant 0 : i32
    %dma_wait3A_294 = tpu.memref_slice %arg5[%dma_wait3A_289, %dma_wait3A_293] : memref<16x128xi32, #tpu.memory_space<vmem>> -> memref<1x128xi32, #tpu.memory_space<vmem>>
    %dma_wait3A_295 = tpu.memref_squeeze %dma_wait3A_294 : memref<1x128xi32, #tpu.memory_space<vmem>> -> memref<128xi32, #tpu.memory_space<vmem>>
    %dma_wait3A_296 = arith.constant 0 : i32
    %dma_wait3A_297 = arith.constant 0 : i32
    %dma_wait3A_298 = tpu.memref_slice %arg2[%dma_wait3A_296, %dma_wait3A_297] : memref<4096x32xf32, #tpu.memory_space<hbm>> -> memref<4096x32xf32, #tpu.memory_space<hbm>>
    tpu.wait_indirect_dma semaphore(%arg7 : memref<!tpu.dma_semaphore, #tpu.memory_space<semaphore_mem>>) src(%dma_wait3A_298 : memref<4096x32xf32, #tpu.memory_space<hbm>>) dst(%dma_wait3A_292 : memref<128x32xf32, #tpu.memory_space<vmem>>)
    %dma_wait3A_299 = arith.constant 14 : i32
    %dma_wait3A_300 = arith.constant 1792 : i32
    %dma_wait3A_301 = arith.constant 0 : i32
    %dma_wait3A_302 = tpu.memref_slice %arg6[%dma_wait3A_300, %dma_wait3A_301] : memref<2048x32xf32, #tpu.memory_space<vmem>> -> memref<128x32xf32, #tpu.memory_space<vmem>>
    %dma_wait3A_303 = arith.constant 0 : i32
    %dma_wait3A_304 = tpu.memref_slice %arg5[%dma_wait3A_299, %dma_wait3A_303] : memref<16x128xi32, #tpu.memory_space<vmem>> -> memref<1x128xi32, #tpu.memory_space<vmem>>
    %dma_wait3A_305 = tpu.memref_squeeze %dma_wait3A_304 : memref<1x128xi32, #tpu.memory_space<vmem>> -> memref<128xi32, #tpu.memory_space<vmem>>
    %dma_wait3A_306 = arith.constant 0 : i32
    %dma_wait3A_307 = arith.constant 0 : i32
    %dma_wait3A_308 = tpu.memref_slice %arg2[%dma_wait3A_306, %dma_wait3A_307] : memref<4096x32xf32, #tpu.memory_space<hbm>> -> memref<4096x32xf32, #tpu.memory_space<hbm>>
    tpu.wait_indirect_dma semaphore(%arg7 : memref<!tpu.dma_semaphore, #tpu.memory_space<semaphore_mem>>) src(%dma_wait3A_308 : memref<4096x32xf32, #tpu.memory_space<hbm>>) dst(%dma_wait3A_302 : memref<128x32xf32, #tpu.memory_space<vmem>>)
    %dma_wait3A_309 = arith.constant 15 : i32
    %dma_wait3A_310 = arith.constant 1920 : i32
    %dma_wait3A_311 = arith.constant 0 : i32
    %dma_wait3A_312 = tpu.memref_slice %arg6[%dma_wait3A_310, %dma_wait3A_311] : memref<2048x32xf32, #tpu.memory_space<vmem>> -> memref<128x32xf32, #tpu.memory_space<vmem>>
    %dma_wait3A_313 = arith.constant 0 : i32
    %dma_wait3A_314 = tpu.memref_slice %arg5[%dma_wait3A_309, %dma_wait3A_313] : memref<16x128xi32, #tpu.memory_space<vmem>> -> memref<1x128xi32, #tpu.memory_space<vmem>>
    %dma_wait3A_315 = tpu.memref_squeeze %dma_wait3A_314 : memref<1x128xi32, #tpu.memory_space<vmem>> -> memref<128xi32, #tpu.memory_space<vmem>>
    %dma_wait3A_316 = arith.constant 0 : i32
    %dma_wait3A_317 = arith.constant 0 : i32
    %dma_wait3A_318 = tpu.memref_slice %arg2[%dma_wait3A_316, %dma_wait3A_317] : memref<4096x32xf32, #tpu.memory_space<hbm>> -> memref<4096x32xf32, #tpu.memory_space<hbm>>
    tpu.wait_indirect_dma semaphore(%arg7 : memref<!tpu.dma_semaphore, #tpu.memory_space<semaphore_mem>>) src(%dma_wait3A_318 : memref<4096x32xf32, #tpu.memory_space<hbm>>) dst(%dma_wait3A_312 : memref<128x32xf32, #tpu.memory_space<vmem>>)
    %mul3A_319 = arith.constant 16 : i32
    %mul3A_320 = arith.muli %add3A, %mul3A_319 : i32
    %mul3A_321 = arith.constant 128 : i32
    %mul3A_322 = arith.muli %mul3A_320, %mul3A_321 : i32
    "tpu.region"() ({
      %run_scoped3A = tpu.sem_alloc : memref<!tpu.dma_semaphore, #tpu.memory_space<semaphore_mem>>
      %dma_start3A_323 = arith.constant 0 : i32
      %dma_start3A_324 = tpu.memref_slice %arg4[%mul3A_322, %dma_start3A_323] : memref<65536x32xf32, #tpu.memory_space<hbm>> -> memref<2048x32xf32, #tpu.memory_space<hbm>>
      %dma_start3A_325 = arith.constant 0 : i32
      %dma_start3A_326 = tpu.memref_slice %arg4[%mul3A_322, %dma_start3A_325] : memref<65536x32xf32, #tpu.memory_space<hbm>> -> memref<2048x32xf32, #tpu.memory_space<hbm>>
      tpu.enqueue_dma source(%arg6 : memref<2048x32xf32, #tpu.memory_space<vmem>>) target(%dma_start3A_326 : memref<2048x32xf32, #tpu.memory_space<hbm>>) target_semaphore(%run_scoped3A : memref<!tpu.dma_semaphore, #tpu.memory_space<semaphore_mem>>)
      %dma_wait3A_327 = arith.constant 0 : i32
      %dma_wait3A_328 = tpu.memref_slice %arg4[%mul3A_322, %dma_wait3A_327] : memref<65536x32xf32, #tpu.memory_space<hbm>> -> memref<2048x32xf32, #tpu.memory_space<hbm>>
      %dma_wait3A_329 = arith.constant 0 : i32
      %dma_wait3A_330 = tpu.memref_slice %arg4[%mul3A_322, %dma_wait3A_329] : memref<65536x32xf32, #tpu.memory_space<hbm>> -> memref<2048x32xf32, #tpu.memory_space<hbm>>
      tpu.wait_dma2 semaphore(%run_scoped3A : memref<!tpu.dma_semaphore, #tpu.memory_space<semaphore_mem>>) src(%arg6 : memref<2048x32xf32, #tpu.memory_space<vmem>>) dst(%dma_wait3A_330 : memref<2048x32xf32, #tpu.memory_space<hbm>>)
      tpu.yield
    }) : () -> ()
    return
  }
}

module attributes {stable_mosaic.version = 14 : i64} {
  func.func @_topk_kernel(%arg0: i32, %arg1: memref<2x16xi32, #tpu.memory_space<smem>>, %arg2: memref<4096x3xf32, #tpu.memory_space<vmem>>, %arg3: memref<3x4096xf32, #tpu.memory_space<vmem>>, %arg4: memref<4096x1xi32, #tpu.memory_space<vmem>>, %arg5: memref<1x4096xi32, #tpu.memory_space<vmem>>, %arg6: memref<256x1xi32, #tpu.memory_space<vmem>>, %arg7: memref<128x32xf32, #tpu.memory_space<vmem>>, %arg8: memref<16x256xf32, #tpu.memory_space<vmem>>, %arg9: memref<16x256xi32, #tpu.memory_space<vmem>>, %arg10: memref<256x32xf32, #tpu.memory_space<vmem>>, %arg11: memref<4096x256xf32, #tpu.memory_space<vmem>>) attributes {dimension_semantics = [#tpu.dimension_semantics<arbitrary>], iteration_bounds = array<i64: 16>, scalar_prefetch = 1 : i64, scratch_operands = 1 : i64, tpu.core_type = #tpu.core_type<tc>, window_params = [{pipeline_mode = #tpu.pipeline_mode<synchronous>, transform_indices = @transform_0, window_bounds = array<i64: 4096, 3>}, {pipeline_mode = #tpu.pipeline_mode<synchronous>, transform_indices = @transform_1, window_bounds = array<i64: 3, 4096>}, {pipeline_mode = #tpu.pipeline_mode<synchronous>, transform_indices = @transform_2, window_bounds = array<i64: 4096, 1>}, {pipeline_mode = #tpu.pipeline_mode<synchronous>, transform_indices = @transform_3, window_bounds = array<i64: 1, 4096>}, {transform_indices = @transform_4, window_bounds = array<i64: 256, 1>}, {pipeline_mode = #tpu.pipeline_mode<synchronous>, transform_indices = @transform_5, window_bounds = array<i64: 128, 32>}, {transform_indices = @transform_6, window_bounds = array<i64: 16, 256>}, {transform_indices = @transform_7, window_bounds = array<i64: 16, 256>}, {transform_indices = @transform_8, window_bounds = array<i64: 256, 32>}]} {
    %get3A = arith.constant 0 : index
    %get3A_0 = arith.index_cast %arg0 : i32 to index
    %get3A_1 = memref.load %arg1[%get3A, %get3A_0] : memref<2x16xi32, #tpu.memory_space<smem>>
    %get3A_2 = arith.constant 1 : index
    %get3A_3 = arith.index_cast %arg0 : i32 to index
    %get3A_4 = memref.load %arg1[%get3A_2, %get3A_3] : memref<2x16xi32, #tpu.memory_space<smem>>
    %mul3A = arith.constant 256 : i32
    %mul3A_5 = arith.muli %arg0, %mul3A : i32
    %iota3A = tpu.iota {dimensions = array<i32: 1>} : vector<1x256xi32>
    %add3A = vector.broadcast %mul3A_5 : i32 to vector<1x256xi32>
    %add3A_6 = arith.addi %add3A, %iota3A : vector<1x256xi32>
    %mul3A_7 = arith.constant 256 : i32
    %mul3A_8 = arith.muli %arg0, %mul3A_7 : i32
    %get3A_9 = arith.constant 0 : index
    %get3A_10 = arith.index_cast %mul3A_8 : i32 to index
    %get3A_11 = vector.load %arg5[%get3A_9, %get3A_10] : memref<1x4096xi32, #tpu.memory_space<vmem>>, vector<1x256xi32>
    %mul3A_12 = arith.constant 256 : i32
    %mul3A_13 = arith.muli %arg0, %mul3A_12 : i32
    %get3A_14 = arith.constant 0 : index
    %get3A_15 = arith.index_cast %mul3A_13 : i32 to index
    %get3A_16 = vector.load %arg3[%get3A_14, %get3A_15] : memref<3x4096xf32, #tpu.memory_space<vmem>>, vector<3x256xf32>
    %broadcast_in_dim3A = arith.constant 1.000000e+10 : f32
    %broadcast_in_dim3A_17 = vector.broadcast %broadcast_in_dim3A : f32 to vector<16x256xf32>
    %swap3A = arith.constant 0 : index
    %swap3A_18 = arith.constant 0 : index
    %swap3A_19 = vector.load %arg8[%swap3A, %swap3A_18] : memref<16x256xf32, #tpu.memory_space<vmem>>, vector<16x256xf32>
    tpu.vector_store %arg8[%swap3A, %swap3A_18], %broadcast_in_dim3A_17 {strides = array<i32>} : memref<16x256xf32, #tpu.memory_space<vmem>>, vector<16x256xf32>,
    %while3A = arith.constant 0 : i32
    %while3A_20 = arith.constant 0 : i32
    %while3A_21 = arith.subi %get3A_4, %while3A_20 : i32
    %while3A_22 = arith.addi %while3A_20, %while3A_21 : i32
    %while3A_23 = arith.constant 1 : i32
    %while3A_24 = arith.divsi %while3A_21, %while3A_23 : i32
    %while3A_25 = arith.muli %while3A_24, %while3A_23 : i32
    %while3A_26 = arith.addi %while3A_20, %while3A_25 : i32
    %while3A_27 = arith.constant 1 : i32
    scf.for %while3A_71 = %while3A_20 to %while3A_26 step %while3A_27  : i32 {
      %add3A_72 = arith.addi %get3A_1, %while3A_71 : i32
      %mul3A_73 = arith.constant 256 : i32
      %mul3A_74 = arith.muli %add3A_72, %mul3A_73 : i32
      %get3A_75 = arith.index_cast %mul3A_74 : i32 to index
      %get3A_76 = arith.constant 0 : index
      %get3A_77 = vector.load %arg2[%get3A_75, %get3A_76] : memref<4096x3xf32, #tpu.memory_space<vmem>>, vector<256x3xf32>
      %slice3A = vector.extract_strided_slice %get3A_77 {offsets = [0, 0], sizes = [256, 1], strides = [1, 1]} : vector<256x3xf32> to vector<256x1xf32>
      %slice3A_78 = vector.extract_strided_slice %get3A_16 {offsets = [0, 0], sizes = [1, 256], strides = [1, 1]} : vector<3x256xf32> to vector<1x256xf32>
      %sub3A = vector.broadcast %slice3A : vector<256x1xf32> to vector<256x256xf32>
      %sub3A_79 = vector.broadcast %slice3A_78 : vector<1x256xf32> to vector<256x256xf32>
      %sub3A_80 = arith.subf %sub3A, %sub3A_79 : vector<256x256xf32>
      %integer_pow3A = arith.mulf %sub3A_80, %sub3A_80 : vector<256x256xf32>
      %slice3A_81 = vector.extract_strided_slice %get3A_77 {offsets = [0, 1], sizes = [256, 1], strides = [1, 1]} : vector<256x3xf32> to vector<256x1xf32>
      %slice3A_82 = vector.extract_strided_slice %get3A_16 {offsets = [1, 0], sizes = [1, 256], strides = [1, 1]} : vector<3x256xf32> to vector<1x256xf32>
      %sub3A_83 = vector.broadcast %slice3A_81 : vector<256x1xf32> to vector<256x256xf32>
      %sub3A_84 = vector.broadcast %slice3A_82 : vector<1x256xf32> to vector<256x256xf32>
      %sub3A_85 = arith.subf %sub3A_83, %sub3A_84 : vector<256x256xf32>
      %integer_pow3A_86 = arith.mulf %sub3A_85, %sub3A_85 : vector<256x256xf32>
      %add3A_87 = arith.addf %integer_pow3A, %integer_pow3A_86 : vector<256x256xf32>
      %slice3A_88 = vector.extract_strided_slice %get3A_77 {offsets = [0, 2], sizes = [256, 1], strides = [1, 1]} : vector<256x3xf32> to vector<256x1xf32>
      %slice3A_89 = vector.extract_strided_slice %get3A_16 {offsets = [2, 0], sizes = [1, 256], strides = [1, 1]} : vector<3x256xf32> to vector<1x256xf32>
      %sub3A_90 = vector.broadcast %slice3A_88 : vector<256x1xf32> to vector<256x256xf32>
      %sub3A_91 = vector.broadcast %slice3A_89 : vector<1x256xf32> to vector<256x256xf32>
      %sub3A_92 = arith.subf %sub3A_90, %sub3A_91 : vector<256x256xf32>
      %integer_pow3A_93 = arith.mulf %sub3A_92, %sub3A_92 : vector<256x256xf32>
      %add3A_94 = arith.addf %add3A_87, %integer_pow3A_93 : vector<256x256xf32>
      %get3A_95 = arith.index_cast %mul3A_74 : i32 to index
      %get3A_96 = arith.constant 0 : index
      %get3A_97 = vector.load %arg4[%get3A_95, %get3A_96] : memref<4096x1xi32, #tpu.memory_space<vmem>>, vector<256x1xi32>
      %iota3A_98 = tpu.iota {dimensions = array<i32: 0>} : vector<256x1xi32>
      %add3A_99 = vector.broadcast %mul3A_74 : i32 to vector<256x1xi32>
      %add3A_100 = arith.addi %add3A_99, %iota3A_98 : vector<256x1xi32>
      %eq3A_101 = vector.broadcast %get3A_97 : vector<256x1xi32> to vector<256x256xi32>
      %eq3A_102 = vector.broadcast %get3A_11 : vector<1x256xi32> to vector<256x256xi32>
      %eq3A_103 = arith.cmpi eq, %eq3A_101, %eq3A_102 : vector<256x256xi32>
      %ne3A = vector.broadcast %add3A_100 : vector<256x1xi32> to vector<256x256xi32>
      %ne3A_104 = vector.broadcast %add3A_6 : vector<1x256xi32> to vector<256x256xi32>
      %ne3A_105 = arith.cmpi ne, %ne3A, %ne3A_104 : vector<256x256xi32>
      %and3A = arith.andi %eq3A_103, %ne3A_105 : vector<256x256xi1>
      %jit3A_106 = arith.constant 1.000000e+10 : f32
      %broadcast_in_dim3A_107 = vector.broadcast %jit3A_106 : f32 to vector<256x256xf32>
      %select_n3A = arith.select %and3A, %add3A_94, %broadcast_in_dim3A_107 : vector<256x256xi1>, vector<256x256xf32>
      %mul3A_108 = arith.constant 256 : i32
      %mul3A_109 = arith.muli %while3A_71, %mul3A_108 : i32
      %swap3A_110 = arith.index_cast %mul3A_109 : i32 to index
      %swap3A_111 = arith.constant 0 : index
      %swap3A_112 = vector.load %arg11[%swap3A_110, %swap3A_111] : memref<4096x256xf32, #tpu.memory_space<vmem>>, vector<256x256xf32>
      tpu.vector_store %arg11[%swap3A_110, %swap3A_111], %select_n3A {strides = array<i32>} : memref<4096x256xf32, #tpu.memory_space<vmem>>, vector<256x256xf32>,
      %get3A_113 = arith.constant 0 : index
      %get3A_114 = arith.constant 0 : index
      %get3A_115 = vector.load %arg8[%get3A_113, %get3A_114] : memref<16x256xf32, #tpu.memory_space<vmem>>, vector<16x256xf32>
      %concatenate3A = tpu.concatenate %get3A_115, %select_n3A in 0 : vector<16x256xf32>, vector<256x256xf32> -> vector<272x256xf32>
      %reduce_min3A = arith.constant dense<0x7F800000> : vector<256xf32>
      %reduce_min3A_116 = vector.multi_reduction <minimumf>, %concatenate3A, %reduce_min3A [0] : vector<272x256xf32> to vector<256xf32>
      %broadcast_in_dim3A_117 = vector.shape_cast %reduce_min3A_116 : vector<256xf32> to vector<1x256xf32>
      %eq3A_118 = vector.broadcast %broadcast_in_dim3A_117 : vector<1x256xf32> to vector<272x256xf32>
      %eq3A_119 = arith.cmpf oeq, %concatenate3A, %eq3A_118 : vector<272x256xf32>
      %jit3A_120 = arith.constant 1.000000e+10 : f32
      %broadcast_in_dim3A_121 = vector.broadcast %jit3A_120 : f32 to vector<272x256xf32>
      %select_n3A_122 = arith.select %eq3A_119, %broadcast_in_dim3A_121, %concatenate3A : vector<272x256xi1>, vector<272x256xf32>
      %reduce_min3A_123 = arith.constant dense<0x7F800000> : vector<256xf32>
      %reduce_min3A_124 = vector.multi_reduction <minimumf>, %select_n3A_122, %reduce_min3A_123 [0] : vector<272x256xf32> to vector<256xf32>
      %broadcast_in_dim3A_125 = vector.shape_cast %reduce_min3A_124 : vector<256xf32> to vector<1x256xf32>
      %eq3A_126 = vector.broadcast %broadcast_in_dim3A_125 : vector<1x256xf32> to vector<272x256xf32>
      %eq3A_127 = arith.cmpf oeq, %select_n3A_122, %eq3A_126 : vector<272x256xf32>
      %jit3A_128 = arith.constant 1.000000e+10 : f32
      %broadcast_in_dim3A_129 = vector.broadcast %jit3A_128 : f32 to vector<272x256xf32>
      %select_n3A_130 = arith.select %eq3A_127, %broadcast_in_dim3A_129, %select_n3A_122 : vector<272x256xi1>, vector<272x256xf32>
      %reduce_min3A_131 = arith.constant dense<0x7F800000> : vector<256xf32>
      %reduce_min3A_132 = vector.multi_reduction <minimumf>, %select_n3A_130, %reduce_min3A_131 [0] : vector<272x256xf32> to vector<256xf32>
      %broadcast_in_dim3A_133 = vector.shape_cast %reduce_min3A_132 : vector<256xf32> to vector<1x256xf32>
      %eq3A_134 = vector.broadcast %broadcast_in_dim3A_133 : vector<1x256xf32> to vector<272x256xf32>
      %eq3A_135 = arith.cmpf oeq, %select_n3A_130, %eq3A_134 : vector<272x256xf32>
      %jit3A_136 = arith.constant 1.000000e+10 : f32
      %broadcast_in_dim3A_137 = vector.broadcast %jit3A_136 : f32 to vector<272x256xf32>
      %select_n3A_138 = arith.select %eq3A_135, %broadcast_in_dim3A_137, %select_n3A_130 : vector<272x256xi1>, vector<272x256xf32>
      %reduce_min3A_139 = arith.constant dense<0x7F800000> : vector<256xf32>
      %reduce_min3A_140 = vector.multi_reduction <minimumf>, %select_n3A_138, %reduce_min3A_139 [0] : vector<272x256xf32> to vector<256xf32>
      %broadcast_in_dim3A_141 = vector.shape_cast %reduce_min3A_140 : vector<256xf32> to vector<1x256xf32>
      %eq3A_142 = vector.broadcast %broadcast_in_dim3A_141 : vector<1x256xf32> to vector<272x256xf32>
      %eq3A_143 = arith.cmpf oeq, %select_n3A_138, %eq3A_142 : vector<272x256xf32>
      %jit3A_144 = arith.constant 1.000000e+10 : f32
      %broadcast_in_dim3A_145 = vector.broadcast %jit3A_144 : f32 to vector<272x256xf32>
      %select_n3A_146 = arith.select %eq3A_143, %broadcast_in_dim3A_145, %select_n3A_138 : vector<272x256xi1>, vector<272x256xf32>
      %reduce_min3A_147 = arith.constant dense<0x7F800000> : vector<256xf32>
      %reduce_min3A_148 = vector.multi_reduction <minimumf>, %select_n3A_146, %reduce_min3A_147 [0] : vector<272x256xf32> to vector<256xf32>
      %broadcast_in_dim3A_149 = vector.shape_cast %reduce_min3A_148 : vector<256xf32> to vector<1x256xf32>
      %eq3A_150 = vector.broadcast %broadcast_in_dim3A_149 : vector<1x256xf32> to vector<272x256xf32>
      %eq3A_151 = arith.cmpf oeq, %select_n3A_146, %eq3A_150 : vector<272x256xf32>
      %jit3A_152 = arith.constant 1.000000e+10 : f32
      %broadcast_in_dim3A_153 = vector.broadcast %jit3A_152 : f32 to vector<272x256xf32>
      %select_n3A_154 = arith.select %eq3A_151, %broadcast_in_dim3A_153, %select_n3A_146 : vector<272x256xi1>, vector<272x256xf32>
      %reduce_min3A_155 = arith.constant dense<0x7F800000> : vector<256xf32>
      %reduce_min3A_156 = vector.multi_reduction <minimumf>, %select_n3A_154, %reduce_min3A_155 [0] : vector<272x256xf32> to vector<256xf32>
      %broadcast_in_dim3A_157 = vector.shape_cast %reduce_min3A_156 : vector<256xf32> to vector<1x256xf32>
      %eq3A_158 = vector.broadcast %broadcast_in_dim3A_157 : vector<1x256xf32> to vector<272x256xf32>
      %eq3A_159 = arith.cmpf oeq, %select_n3A_154, %eq3A_158 : vector<272x256xf32>
      %jit3A_160 = arith.constant 1.000000e+10 : f32
      %broadcast_in_dim3A_161 = vector.broadcast %jit3A_160 : f32 to vector<272x256xf32>
      %select_n3A_162 = arith.select %eq3A_159, %broadcast_in_dim3A_161, %select_n3A_154 : vector<272x256xi1>, vector<272x256xf32>
      %reduce_min3A_163 = arith.constant dense<0x7F800000> : vector<256xf32>
      %reduce_min3A_164 = vector.multi_reduction <minimumf>, %select_n3A_162, %reduce_min3A_163 [0] : vector<272x256xf32> to vector<256xf32>
      %broadcast_in_dim3A_165 = vector.shape_cast %reduce_min3A_164 : vector<256xf32> to vector<1x256xf32>
      %eq3A_166 = vector.broadcast %broadcast_in_dim3A_165 : vector<1x256xf32> to vector<272x256xf32>
      %eq3A_167 = arith.cmpf oeq, %select_n3A_162, %eq3A_166 : vector<272x256xf32>
      %jit3A_168 = arith.constant 1.000000e+10 : f32
      %broadcast_in_dim3A_169 = vector.broadcast %jit3A_168 : f32 to vector<272x256xf32>
      %select_n3A_170 = arith.select %eq3A_167, %broadcast_in_dim3A_169, %select_n3A_162 : vector<272x256xi1>, vector<272x256xf32>
      %reduce_min3A_171 = arith.constant dense<0x7F800000> : vector<256xf32>
      %reduce_min3A_172 = vector.multi_reduction <minimumf>, %select_n3A_170, %reduce_min3A_171 [0] : vector<272x256xf32> to vector<256xf32>
      %broadcast_in_dim3A_173 = vector.shape_cast %reduce_min3A_172 : vector<256xf32> to vector<1x256xf32>
      %eq3A_174 = vector.broadcast %broadcast_in_dim3A_173 : vector<1x256xf32> to vector<272x256xf32>
      %eq3A_175 = arith.cmpf oeq, %select_n3A_170, %eq3A_174 : vector<272x256xf32>
      %jit3A_176 = arith.constant 1.000000e+10 : f32
      %broadcast_in_dim3A_177 = vector.broadcast %jit3A_176 : f32 to vector<272x256xf32>
      %select_n3A_178 = arith.select %eq3A_175, %broadcast_in_dim3A_177, %select_n3A_170 : vector<272x256xi1>, vector<272x256xf32>
      %reduce_min3A_179 = arith.constant dense<0x7F800000> : vector<256xf32>
      %reduce_min3A_180 = vector.multi_reduction <minimumf>, %select_n3A_178, %reduce_min3A_179 [0] : vector<272x256xf32> to vector<256xf32>
      %broadcast_in_dim3A_181 = vector.shape_cast %reduce_min3A_180 : vector<256xf32> to vector<1x256xf32>
      %eq3A_182 = vector.broadcast %broadcast_in_dim3A_181 : vector<1x256xf32> to vector<272x256xf32>
      %eq3A_183 = arith.cmpf oeq, %select_n3A_178, %eq3A_182 : vector<272x256xf32>
      %jit3A_184 = arith.constant 1.000000e+10 : f32
      %broadcast_in_dim3A_185 = vector.broadcast %jit3A_184 : f32 to vector<272x256xf32>
      %select_n3A_186 = arith.select %eq3A_183, %broadcast_in_dim3A_185, %select_n3A_178 : vector<272x256xi1>, vector<272x256xf32>
      %reduce_min3A_187 = arith.constant dense<0x7F800000> : vector<256xf32>
      %reduce_min3A_188 = vector.multi_reduction <minimumf>, %select_n3A_186, %reduce_min3A_187 [0] : vector<272x256xf32> to vector<256xf32>
      %broadcast_in_dim3A_189 = vector.shape_cast %reduce_min3A_188 : vector<256xf32> to vector<1x256xf32>
      %eq3A_190 = vector.broadcast %broadcast_in_dim3A_189 : vector<1x256xf32> to vector<272x256xf32>
      %eq3A_191 = arith.cmpf oeq, %select_n3A_186, %eq3A_190 : vector<272x256xf32>
      %jit3A_192 = arith.constant 1.000000e+10 : f32
      %broadcast_in_dim3A_193 = vector.broadcast %jit3A_192 : f32 to vector<272x256xf32>
      %select_n3A_194 = arith.select %eq3A_191, %broadcast_in_dim3A_193, %select_n3A_186 : vector<272x256xi1>, vector<272x256xf32>
      %reduce_min3A_195 = arith.constant dense<0x7F800000> : vector<256xf32>
      %reduce_min3A_196 = vector.multi_reduction <minimumf>, %select_n3A_194, %reduce_min3A_195 [0] : vector<272x256xf32> to vector<256xf32>
      %broadcast_in_dim3A_197 = vector.shape_cast %reduce_min3A_196 : vector<256xf32> to vector<1x256xf32>
      %eq3A_198 = vector.broadcast %broadcast_in_dim3A_197 : vector<1x256xf32> to vector<272x256xf32>
      %eq3A_199 = arith.cmpf oeq, %select_n3A_194, %eq3A_198 : vector<272x256xf32>
      %jit3A_200 = arith.constant 1.000000e+10 : f32
      %broadcast_in_dim3A_201 = vector.broadcast %jit3A_200 : f32 to vector<272x256xf32>
      %select_n3A_202 = arith.select %eq3A_199, %broadcast_in_dim3A_201, %select_n3A_194 : vector<272x256xi1>, vector<272x256xf32>
      %reduce_min3A_203 = arith.constant dense<0x7F800000> : vector<256xf32>
      %reduce_min3A_204 = vector.multi_reduction <minimumf>, %select_n3A_202, %reduce_min3A_203 [0] : vector<272x256xf32> to vector<256xf32>
      %broadcast_in_dim3A_205 = vector.shape_cast %reduce_min3A_204 : vector<256xf32> to vector<1x256xf32>
      %eq3A_206 = vector.broadcast %broadcast_in_dim3A_205 : vector<1x256xf32> to vector<272x256xf32>
      %eq3A_207 = arith.cmpf oeq, %select_n3A_202, %eq3A_206 : vector<272x256xf32>
      %jit3A_208 = arith.constant 1.000000e+10 : f32
      %broadcast_in_dim3A_209 = vector.broadcast %jit3A_208 : f32 to vector<272x256xf32>
      %select_n3A_210 = arith.select %eq3A_207, %broadcast_in_dim3A_209, %select_n3A_202 : vector<272x256xi1>, vector<272x256xf32>
      %reduce_min3A_211 = arith.constant dense<0x7F800000> : vector<256xf32>
      %reduce_min3A_212 = vector.multi_reduction <minimumf>, %select_n3A_210, %reduce_min3A_211 [0] : vector<272x256xf32> to vector<256xf32>
      %broadcast_in_dim3A_213 = vector.shape_cast %reduce_min3A_212 : vector<256xf32> to vector<1x256xf32>
      %eq3A_214 = vector.broadcast %broadcast_in_dim3A_213 : vector<1x256xf32> to vector<272x256xf32>
      %eq3A_215 = arith.cmpf oeq, %select_n3A_210, %eq3A_214 : vector<272x256xf32>
      %jit3A_216 = arith.constant 1.000000e+10 : f32
      %broadcast_in_dim3A_217 = vector.broadcast %jit3A_216 : f32 to vector<272x256xf32>
      %select_n3A_218 = arith.select %eq3A_215, %broadcast_in_dim3A_217, %select_n3A_210 : vector<272x256xi1>, vector<272x256xf32>
      %reduce_min3A_219 = arith.constant dense<0x7F800000> : vector<256xf32>
      %reduce_min3A_220 = vector.multi_reduction <minimumf>, %select_n3A_218, %reduce_min3A_219 [0] : vector<272x256xf32> to vector<256xf32>
      %broadcast_in_dim3A_221 = vector.shape_cast %reduce_min3A_220 : vector<256xf32> to vector<1x256xf32>
      %eq3A_222 = vector.broadcast %broadcast_in_dim3A_221 : vector<1x256xf32> to vector<272x256xf32>
      %eq3A_223 = arith.cmpf oeq, %select_n3A_218, %eq3A_222 : vector<272x256xf32>
      %jit3A_224 = arith.constant 1.000000e+10 : f32
      %broadcast_in_dim3A_225 = vector.broadcast %jit3A_224 : f32 to vector<272x256xf32>
      %select_n3A_226 = arith.select %eq3A_223, %broadcast_in_dim3A_225, %select_n3A_218 : vector<272x256xi1>, vector<272x256xf32>
      %reduce_min3A_227 = arith.constant dense<0x7F800000> : vector<256xf32>
      %reduce_min3A_228 = vector.multi_reduction <minimumf>, %select_n3A_226, %reduce_min3A_227 [0] : vector<272x256xf32> to vector<256xf32>
      %broadcast_in_dim3A_229 = vector.shape_cast %reduce_min3A_228 : vector<256xf32> to vector<1x256xf32>
      %eq3A_230 = vector.broadcast %broadcast_in_dim3A_229 : vector<1x256xf32> to vector<272x256xf32>
      %eq3A_231 = arith.cmpf oeq, %select_n3A_226, %eq3A_230 : vector<272x256xf32>
      %jit3A_232 = arith.constant 1.000000e+10 : f32
      %broadcast_in_dim3A_233 = vector.broadcast %jit3A_232 : f32 to vector<272x256xf32>
      %select_n3A_234 = arith.select %eq3A_231, %broadcast_in_dim3A_233, %select_n3A_226 : vector<272x256xi1>, vector<272x256xf32>
      %reduce_min3A_235 = arith.constant dense<0x7F800000> : vector<256xf32>
      %reduce_min3A_236 = vector.multi_reduction <minimumf>, %select_n3A_234, %reduce_min3A_235 [0] : vector<272x256xf32> to vector<256xf32>
      %broadcast_in_dim3A_237 = vector.shape_cast %reduce_min3A_236 : vector<256xf32> to vector<1x256xf32>
      %eq3A_238 = vector.broadcast %broadcast_in_dim3A_237 : vector<1x256xf32> to vector<272x256xf32>
      %eq3A_239 = arith.cmpf oeq, %select_n3A_234, %eq3A_238 : vector<272x256xf32>
      %jit3A_240 = arith.constant 1.000000e+10 : f32
      %broadcast_in_dim3A_241 = vector.broadcast %jit3A_240 : f32 to vector<272x256xf32>
      %select_n3A_242 = arith.select %eq3A_239, %broadcast_in_dim3A_241, %select_n3A_234 : vector<272x256xi1>, vector<272x256xf32>
      %concatenate3A_243 = tpu.concatenate %broadcast_in_dim3A_117, %broadcast_in_dim3A_125, %broadcast_in_dim3A_133, %broadcast_in_dim3A_141, %broadcast_in_dim3A_149, %broadcast_in_dim3A_157, %broadcast_in_dim3A_165, %broadcast_in_dim3A_173, %broadcast_in_dim3A_181, %broadcast_in_dim3A_189, %broadcast_in_dim3A_197, %broadcast_in_dim3A_205, %broadcast_in_dim3A_213, %broadcast_in_dim3A_221, %broadcast_in_dim3A_229, %broadcast_in_dim3A_237 in 0 : vector<1x256xf32>, vector<1x256xf32>, vector<1x256xf32>, vector<1x256xf32>, vector<1x256xf32>, vector<1x256xf32>, vector<1x256xf32>, vector<1x256xf32>, vector<1x256xf32>, vector<1x256xf32>, vector<1x256xf32>, vector<1x256xf32>, vector<1x256xf32>, vector<1x256xf32>, vector<1x256xf32>, vector<1x256xf32> -> vector<16x256xf32>
      %swap3A_244 = arith.constant 0 : index
      %swap3A_245 = arith.constant 0 : index
      %swap3A_246 = vector.load %arg8[%swap3A_244, %swap3A_245] : memref<16x256xf32, #tpu.memory_space<vmem>>, vector<16x256xf32>
      tpu.vector_store %arg8[%swap3A_244, %swap3A_245], %concatenate3A_243 {strides = array<i32>} : memref<16x256xf32, #tpu.memory_space<vmem>>, vector<16x256xf32>,
    }
    %while3A_28 = arith.constant 1 : i32
    scf.for %while3A_71 = %while3A_26 to %while3A_22 step %while3A_28  : i32 {
      %add3A_72 = arith.addi %get3A_1, %while3A_71 : i32
      %mul3A_73 = arith.constant 256 : i32
      %mul3A_74 = arith.muli %add3A_72, %mul3A_73 : i32
      %get3A_75 = arith.index_cast %mul3A_74 : i32 to index
      %get3A_76 = arith.constant 0 : index
      %get3A_77 = vector.load %arg2[%get3A_75, %get3A_76] : memref<4096x3xf32, #tpu.memory_space<vmem>>, vector<256x3xf32>
      %slice3A = vector.extract_strided_slice %get3A_77 {offsets = [0, 0], sizes = [256, 1], strides = [1, 1]} : vector<256x3xf32> to vector<256x1xf32>
      %slice3A_78 = vector.extract_strided_slice %get3A_16 {offsets = [0, 0], sizes = [1, 256], strides = [1, 1]} : vector<3x256xf32> to vector<1x256xf32>
      %sub3A = vector.broadcast %slice3A : vector<256x1xf32> to vector<256x256xf32>
      %sub3A_79 = vector.broadcast %slice3A_78 : vector<1x256xf32> to vector<256x256xf32>
      %sub3A_80 = arith.subf %sub3A, %sub3A_79 : vector<256x256xf32>
      %integer_pow3A = arith.mulf %sub3A_80, %sub3A_80 : vector<256x256xf32>
      %slice3A_81 = vector.extract_strided_slice %get3A_77 {offsets = [0, 1], sizes = [256, 1], strides = [1, 1]} : vector<256x3xf32> to vector<256x1xf32>
      %slice3A_82 = vector.extract_strided_slice %get3A_16 {offsets = [1, 0], sizes = [1, 256], strides = [1, 1]} : vector<3x256xf32> to vector<1x256xf32>
      %sub3A_83 = vector.broadcast %slice3A_81 : vector<256x1xf32> to vector<256x256xf32>
      %sub3A_84 = vector.broadcast %slice3A_82 : vector<1x256xf32> to vector<256x256xf32>
      %sub3A_85 = arith.subf %sub3A_83, %sub3A_84 : vector<256x256xf32>
      %integer_pow3A_86 = arith.mulf %sub3A_85, %sub3A_85 : vector<256x256xf32>
      %add3A_87 = arith.addf %integer_pow3A, %integer_pow3A_86 : vector<256x256xf32>
      %slice3A_88 = vector.extract_strided_slice %get3A_77 {offsets = [0, 2], sizes = [256, 1], strides = [1, 1]} : vector<256x3xf32> to vector<256x1xf32>
      %slice3A_89 = vector.extract_strided_slice %get3A_16 {offsets = [2, 0], sizes = [1, 256], strides = [1, 1]} : vector<3x256xf32> to vector<1x256xf32>
      %sub3A_90 = vector.broadcast %slice3A_88 : vector<256x1xf32> to vector<256x256xf32>
      %sub3A_91 = vector.broadcast %slice3A_89 : vector<1x256xf32> to vector<256x256xf32>
      %sub3A_92 = arith.subf %sub3A_90, %sub3A_91 : vector<256x256xf32>
      %integer_pow3A_93 = arith.mulf %sub3A_92, %sub3A_92 : vector<256x256xf32>
      %add3A_94 = arith.addf %add3A_87, %integer_pow3A_93 : vector<256x256xf32>
      %get3A_95 = arith.index_cast %mul3A_74 : i32 to index
      %get3A_96 = arith.constant 0 : index
      %get3A_97 = vector.load %arg4[%get3A_95, %get3A_96] : memref<4096x1xi32, #tpu.memory_space<vmem>>, vector<256x1xi32>
      %iota3A_98 = tpu.iota {dimensions = array<i32: 0>} : vector<256x1xi32>
      %add3A_99 = vector.broadcast %mul3A_74 : i32 to vector<256x1xi32>
      %add3A_100 = arith.addi %add3A_99, %iota3A_98 : vector<256x1xi32>
      %eq3A_101 = vector.broadcast %get3A_97 : vector<256x1xi32> to vector<256x256xi32>
      %eq3A_102 = vector.broadcast %get3A_11 : vector<1x256xi32> to vector<256x256xi32>
      %eq3A_103 = arith.cmpi eq, %eq3A_101, %eq3A_102 : vector<256x256xi32>
      %ne3A = vector.broadcast %add3A_100 : vector<256x1xi32> to vector<256x256xi32>
      %ne3A_104 = vector.broadcast %add3A_6 : vector<1x256xi32> to vector<256x256xi32>
      %ne3A_105 = arith.cmpi ne, %ne3A, %ne3A_104 : vector<256x256xi32>
      %and3A = arith.andi %eq3A_103, %ne3A_105 : vector<256x256xi1>
      %jit3A_106 = arith.constant 1.000000e+10 : f32
      %broadcast_in_dim3A_107 = vector.broadcast %jit3A_106 : f32 to vector<256x256xf32>
      %select_n3A = arith.select %and3A, %add3A_94, %broadcast_in_dim3A_107 : vector<256x256xi1>, vector<256x256xf32>
      %mul3A_108 = arith.constant 256 : i32
      %mul3A_109 = arith.muli %while3A_71, %mul3A_108 : i32
      %swap3A_110 = arith.index_cast %mul3A_109 : i32 to index
      %swap3A_111 = arith.constant 0 : index
      %swap3A_112 = vector.load %arg11[%swap3A_110, %swap3A_111] : memref<4096x256xf32, #tpu.memory_space<vmem>>, vector<256x256xf32>
      tpu.vector_store %arg11[%swap3A_110, %swap3A_111], %select_n3A {strides = array<i32>} : memref<4096x256xf32, #tpu.memory_space<vmem>>, vector<256x256xf32>,
      %get3A_113 = arith.constant 0 : index
      %get3A_114 = arith.constant 0 : index
      %get3A_115 = vector.load %arg8[%get3A_113, %get3A_114] : memref<16x256xf32, #tpu.memory_space<vmem>>, vector<16x256xf32>
      %concatenate3A = tpu.concatenate %get3A_115, %select_n3A in 0 : vector<16x256xf32>, vector<256x256xf32> -> vector<272x256xf32>
      %reduce_min3A = arith.constant dense<0x7F800000> : vector<256xf32>
      %reduce_min3A_116 = vector.multi_reduction <minimumf>, %concatenate3A, %reduce_min3A [0] : vector<272x256xf32> to vector<256xf32>
      %broadcast_in_dim3A_117 = vector.shape_cast %reduce_min3A_116 : vector<256xf32> to vector<1x256xf32>
      %eq3A_118 = vector.broadcast %broadcast_in_dim3A_117 : vector<1x256xf32> to vector<272x256xf32>
      %eq3A_119 = arith.cmpf oeq, %concatenate3A, %eq3A_118 : vector<272x256xf32>
      %jit3A_120 = arith.constant 1.000000e+10 : f32
      %broadcast_in_dim3A_121 = vector.broadcast %jit3A_120 : f32 to vector<272x256xf32>
      %select_n3A_122 = arith.select %eq3A_119, %broadcast_in_dim3A_121, %concatenate3A : vector<272x256xi1>, vector<272x256xf32>
      %reduce_min3A_123 = arith.constant dense<0x7F800000> : vector<256xf32>
      %reduce_min3A_124 = vector.multi_reduction <minimumf>, %select_n3A_122, %reduce_min3A_123 [0] : vector<272x256xf32> to vector<256xf32>
      %broadcast_in_dim3A_125 = vector.shape_cast %reduce_min3A_124 : vector<256xf32> to vector<1x256xf32>
      %eq3A_126 = vector.broadcast %broadcast_in_dim3A_125 : vector<1x256xf32> to vector<272x256xf32>
      %eq3A_127 = arith.cmpf oeq, %select_n3A_122, %eq3A_126 : vector<272x256xf32>
      %jit3A_128 = arith.constant 1.000000e+10 : f32
      %broadcast_in_dim3A_129 = vector.broadcast %jit3A_128 : f32 to vector<272x256xf32>
      %select_n3A_130 = arith.select %eq3A_127, %broadcast_in_dim3A_129, %select_n3A_122 : vector<272x256xi1>, vector<272x256xf32>
      %reduce_min3A_131 = arith.constant dense<0x7F800000> : vector<256xf32>
      %reduce_min3A_132 = vector.multi_reduction <minimumf>, %select_n3A_130, %reduce_min3A_131 [0] : vector<272x256xf32> to vector<256xf32>
      %broadcast_in_dim3A_133 = vector.shape_cast %reduce_min3A_132 : vector<256xf32> to vector<1x256xf32>
      %eq3A_134 = vector.broadcast %broadcast_in_dim3A_133 : vector<1x256xf32> to vector<272x256xf32>
      %eq3A_135 = arith.cmpf oeq, %select_n3A_130, %eq3A_134 : vector<272x256xf32>
      %jit3A_136 = arith.constant 1.000000e+10 : f32
      %broadcast_in_dim3A_137 = vector.broadcast %jit3A_136 : f32 to vector<272x256xf32>
      %select_n3A_138 = arith.select %eq3A_135, %broadcast_in_dim3A_137, %select_n3A_130 : vector<272x256xi1>, vector<272x256xf32>
      %reduce_min3A_139 = arith.constant dense<0x7F800000> : vector<256xf32>
      %reduce_min3A_140 = vector.multi_reduction <minimumf>, %select_n3A_138, %reduce_min3A_139 [0] : vector<272x256xf32> to vector<256xf32>
      %broadcast_in_dim3A_141 = vector.shape_cast %reduce_min3A_140 : vector<256xf32> to vector<1x256xf32>
      %eq3A_142 = vector.broadcast %broadcast_in_dim3A_141 : vector<1x256xf32> to vector<272x256xf32>
      %eq3A_143 = arith.cmpf oeq, %select_n3A_138, %eq3A_142 : vector<272x256xf32>
      %jit3A_144 = arith.constant 1.000000e+10 : f32
      %broadcast_in_dim3A_145 = vector.broadcast %jit3A_144 : f32 to vector<272x256xf32>
      %select_n3A_146 = arith.select %eq3A_143, %broadcast_in_dim3A_145, %select_n3A_138 : vector<272x256xi1>, vector<272x256xf32>
      %reduce_min3A_147 = arith.constant dense<0x7F800000> : vector<256xf32>
      %reduce_min3A_148 = vector.multi_reduction <minimumf>, %select_n3A_146, %reduce_min3A_147 [0] : vector<272x256xf32> to vector<256xf32>
      %broadcast_in_dim3A_149 = vector.shape_cast %reduce_min3A_148 : vector<256xf32> to vector<1x256xf32>
      %eq3A_150 = vector.broadcast %broadcast_in_dim3A_149 : vector<1x256xf32> to vector<272x256xf32>
      %eq3A_151 = arith.cmpf oeq, %select_n3A_146, %eq3A_150 : vector<272x256xf32>
      %jit3A_152 = arith.constant 1.000000e+10 : f32
      %broadcast_in_dim3A_153 = vector.broadcast %jit3A_152 : f32 to vector<272x256xf32>
      %select_n3A_154 = arith.select %eq3A_151, %broadcast_in_dim3A_153, %select_n3A_146 : vector<272x256xi1>, vector<272x256xf32>
      %reduce_min3A_155 = arith.constant dense<0x7F800000> : vector<256xf32>
      %reduce_min3A_156 = vector.multi_reduction <minimumf>, %select_n3A_154, %reduce_min3A_155 [0] : vector<272x256xf32> to vector<256xf32>
      %broadcast_in_dim3A_157 = vector.shape_cast %reduce_min3A_156 : vector<256xf32> to vector<1x256xf32>
      %eq3A_158 = vector.broadcast %broadcast_in_dim3A_157 : vector<1x256xf32> to vector<272x256xf32>
      %eq3A_159 = arith.cmpf oeq, %select_n3A_154, %eq3A_158 : vector<272x256xf32>
      %jit3A_160 = arith.constant 1.000000e+10 : f32
      %broadcast_in_dim3A_161 = vector.broadcast %jit3A_160 : f32 to vector<272x256xf32>
      %select_n3A_162 = arith.select %eq3A_159, %broadcast_in_dim3A_161, %select_n3A_154 : vector<272x256xi1>, vector<272x256xf32>
      %reduce_min3A_163 = arith.constant dense<0x7F800000> : vector<256xf32>
      %reduce_min3A_164 = vector.multi_reduction <minimumf>, %select_n3A_162, %reduce_min3A_163 [0] : vector<272x256xf32> to vector<256xf32>
      %broadcast_in_dim3A_165 = vector.shape_cast %reduce_min3A_164 : vector<256xf32> to vector<1x256xf32>
      %eq3A_166 = vector.broadcast %broadcast_in_dim3A_165 : vector<1x256xf32> to vector<272x256xf32>
      %eq3A_167 = arith.cmpf oeq, %select_n3A_162, %eq3A_166 : vector<272x256xf32>
      %jit3A_168 = arith.constant 1.000000e+10 : f32
      %broadcast_in_dim3A_169 = vector.broadcast %jit3A_168 : f32 to vector<272x256xf32>
      %select_n3A_170 = arith.select %eq3A_167, %broadcast_in_dim3A_169, %select_n3A_162 : vector<272x256xi1>, vector<272x256xf32>
      %reduce_min3A_171 = arith.constant dense<0x7F800000> : vector<256xf32>
      %reduce_min3A_172 = vector.multi_reduction <minimumf>, %select_n3A_170, %reduce_min3A_171 [0] : vector<272x256xf32> to vector<256xf32>
      %broadcast_in_dim3A_173 = vector.shape_cast %reduce_min3A_172 : vector<256xf32> to vector<1x256xf32>
      %eq3A_174 = vector.broadcast %broadcast_in_dim3A_173 : vector<1x256xf32> to vector<272x256xf32>
      %eq3A_175 = arith.cmpf oeq, %select_n3A_170, %eq3A_174 : vector<272x256xf32>
      %jit3A_176 = arith.constant 1.000000e+10 : f32
      %broadcast_in_dim3A_177 = vector.broadcast %jit3A_176 : f32 to vector<272x256xf32>
      %select_n3A_178 = arith.select %eq3A_175, %broadcast_in_dim3A_177, %select_n3A_170 : vector<272x256xi1>, vector<272x256xf32>
      %reduce_min3A_179 = arith.constant dense<0x7F800000> : vector<256xf32>
      %reduce_min3A_180 = vector.multi_reduction <minimumf>, %select_n3A_178, %reduce_min3A_179 [0] : vector<272x256xf32> to vector<256xf32>
      %broadcast_in_dim3A_181 = vector.shape_cast %reduce_min3A_180 : vector<256xf32> to vector<1x256xf32>
      %eq3A_182 = vector.broadcast %broadcast_in_dim3A_181 : vector<1x256xf32> to vector<272x256xf32>
      %eq3A_183 = arith.cmpf oeq, %select_n3A_178, %eq3A_182 : vector<272x256xf32>
      %jit3A_184 = arith.constant 1.000000e+10 : f32
      %broadcast_in_dim3A_185 = vector.broadcast %jit3A_184 : f32 to vector<272x256xf32>
      %select_n3A_186 = arith.select %eq3A_183, %broadcast_in_dim3A_185, %select_n3A_178 : vector<272x256xi1>, vector<272x256xf32>
      %reduce_min3A_187 = arith.constant dense<0x7F800000> : vector<256xf32>
      %reduce_min3A_188 = vector.multi_reduction <minimumf>, %select_n3A_186, %reduce_min3A_187 [0] : vector<272x256xf32> to vector<256xf32>
      %broadcast_in_dim3A_189 = vector.shape_cast %reduce_min3A_188 : vector<256xf32> to vector<1x256xf32>
      %eq3A_190 = vector.broadcast %broadcast_in_dim3A_189 : vector<1x256xf32> to vector<272x256xf32>
      %eq3A_191 = arith.cmpf oeq, %select_n3A_186, %eq3A_190 : vector<272x256xf32>
      %jit3A_192 = arith.constant 1.000000e+10 : f32
      %broadcast_in_dim3A_193 = vector.broadcast %jit3A_192 : f32 to vector<272x256xf32>
      %select_n3A_194 = arith.select %eq3A_191, %broadcast_in_dim3A_193, %select_n3A_186 : vector<272x256xi1>, vector<272x256xf32>
      %reduce_min3A_195 = arith.constant dense<0x7F800000> : vector<256xf32>
      %reduce_min3A_196 = vector.multi_reduction <minimumf>, %select_n3A_194, %reduce_min3A_195 [0] : vector<272x256xf32> to vector<256xf32>
      %broadcast_in_dim3A_197 = vector.shape_cast %reduce_min3A_196 : vector<256xf32> to vector<1x256xf32>
      %eq3A_198 = vector.broadcast %broadcast_in_dim3A_197 : vector<1x256xf32> to vector<272x256xf32>
      %eq3A_199 = arith.cmpf oeq, %select_n3A_194, %eq3A_198 : vector<272x256xf32>
      %jit3A_200 = arith.constant 1.000000e+10 : f32
      %broadcast_in_dim3A_201 = vector.broadcast %jit3A_200 : f32 to vector<272x256xf32>
      %select_n3A_202 = arith.select %eq3A_199, %broadcast_in_dim3A_201, %select_n3A_194 : vector<272x256xi1>, vector<272x256xf32>
      %reduce_min3A_203 = arith.constant dense<0x7F800000> : vector<256xf32>
      %reduce_min3A_204 = vector.multi_reduction <minimumf>, %select_n3A_202, %reduce_min3A_203 [0] : vector<272x256xf32> to vector<256xf32>
      %broadcast_in_dim3A_205 = vector.shape_cast %reduce_min3A_204 : vector<256xf32> to vector<1x256xf32>
      %eq3A_206 = vector.broadcast %broadcast_in_dim3A_205 : vector<1x256xf32> to vector<272x256xf32>
      %eq3A_207 = arith.cmpf oeq, %select_n3A_202, %eq3A_206 : vector<272x256xf32>
      %jit3A_208 = arith.constant 1.000000e+10 : f32
      %broadcast_in_dim3A_209 = vector.broadcast %jit3A_208 : f32 to vector<272x256xf32>
      %select_n3A_210 = arith.select %eq3A_207, %broadcast_in_dim3A_209, %select_n3A_202 : vector<272x256xi1>, vector<272x256xf32>
      %reduce_min3A_211 = arith.constant dense<0x7F800000> : vector<256xf32>
      %reduce_min3A_212 = vector.multi_reduction <minimumf>, %select_n3A_210, %reduce_min3A_211 [0] : vector<272x256xf32> to vector<256xf32>
      %broadcast_in_dim3A_213 = vector.shape_cast %reduce_min3A_212 : vector<256xf32> to vector<1x256xf32>
      %eq3A_214 = vector.broadcast %broadcast_in_dim3A_213 : vector<1x256xf32> to vector<272x256xf32>
      %eq3A_215 = arith.cmpf oeq, %select_n3A_210, %eq3A_214 : vector<272x256xf32>
      %jit3A_216 = arith.constant 1.000000e+10 : f32
      %broadcast_in_dim3A_217 = vector.broadcast %jit3A_216 : f32 to vector<272x256xf32>
      %select_n3A_218 = arith.select %eq3A_215, %broadcast_in_dim3A_217, %select_n3A_210 : vector<272x256xi1>, vector<272x256xf32>
      %reduce_min3A_219 = arith.constant dense<0x7F800000> : vector<256xf32>
      %reduce_min3A_220 = vector.multi_reduction <minimumf>, %select_n3A_218, %reduce_min3A_219 [0] : vector<272x256xf32> to vector<256xf32>
      %broadcast_in_dim3A_221 = vector.shape_cast %reduce_min3A_220 : vector<256xf32> to vector<1x256xf32>
      %eq3A_222 = vector.broadcast %broadcast_in_dim3A_221 : vector<1x256xf32> to vector<272x256xf32>
      %eq3A_223 = arith.cmpf oeq, %select_n3A_218, %eq3A_222 : vector<272x256xf32>
      %jit3A_224 = arith.constant 1.000000e+10 : f32
      %broadcast_in_dim3A_225 = vector.broadcast %jit3A_224 : f32 to vector<272x256xf32>
      %select_n3A_226 = arith.select %eq3A_223, %broadcast_in_dim3A_225, %select_n3A_218 : vector<272x256xi1>, vector<272x256xf32>
      %reduce_min3A_227 = arith.constant dense<0x7F800000> : vector<256xf32>
      %reduce_min3A_228 = vector.multi_reduction <minimumf>, %select_n3A_226, %reduce_min3A_227 [0] : vector<272x256xf32> to vector<256xf32>
      %broadcast_in_dim3A_229 = vector.shape_cast %reduce_min3A_228 : vector<256xf32> to vector<1x256xf32>
      %eq3A_230 = vector.broadcast %broadcast_in_dim3A_229 : vector<1x256xf32> to vector<272x256xf32>
      %eq3A_231 = arith.cmpf oeq, %select_n3A_226, %eq3A_230 : vector<272x256xf32>
      %jit3A_232 = arith.constant 1.000000e+10 : f32
      %broadcast_in_dim3A_233 = vector.broadcast %jit3A_232 : f32 to vector<272x256xf32>
      %select_n3A_234 = arith.select %eq3A_231, %broadcast_in_dim3A_233, %select_n3A_226 : vector<272x256xi1>, vector<272x256xf32>
      %reduce_min3A_235 = arith.constant dense<0x7F800000> : vector<256xf32>
      %reduce_min3A_236 = vector.multi_reduction <minimumf>, %select_n3A_234, %reduce_min3A_235 [0] : vector<272x256xf32> to vector<256xf32>
      %broadcast_in_dim3A_237 = vector.shape_cast %reduce_min3A_236 : vector<256xf32> to vector<1x256xf32>
      %eq3A_238 = vector.broadcast %broadcast_in_dim3A_237 : vector<1x256xf32> to vector<272x256xf32>
      %eq3A_239 = arith.cmpf oeq, %select_n3A_234, %eq3A_238 : vector<272x256xf32>
      %jit3A_240 = arith.constant 1.000000e+10 : f32
      %broadcast_in_dim3A_241 = vector.broadcast %jit3A_240 : f32 to vector<272x256xf32>
      %select_n3A_242 = arith.select %eq3A_239, %broadcast_in_dim3A_241, %select_n3A_234 : vector<272x256xi1>, vector<272x256xf32>
      %concatenate3A_243 = tpu.concatenate %broadcast_in_dim3A_117, %broadcast_in_dim3A_125, %broadcast_in_dim3A_133, %broadcast_in_dim3A_141, %broadcast_in_dim3A_149, %broadcast_in_dim3A_157, %broadcast_in_dim3A_165, %broadcast_in_dim3A_173, %broadcast_in_dim3A_181, %broadcast_in_dim3A_189, %broadcast_in_dim3A_197, %broadcast_in_dim3A_205, %broadcast_in_dim3A_213, %broadcast_in_dim3A_221, %broadcast_in_dim3A_229, %broadcast_in_dim3A_237 in 0 : vector<1x256xf32>, vector<1x256xf32>, vector<1x256xf32>, vector<1x256xf32>, vector<1x256xf32>, vector<1x256xf32>, vector<1x256xf32>, vector<1x256xf32>, vector<1x256xf32>, vector<1x256xf32>, vector<1x256xf32>, vector<1x256xf32>, vector<1x256xf32>, vector<1x256xf32>, vector<1x256xf32>, vector<1x256xf32> -> vector<16x256xf32>
      %swap3A_244 = arith.constant 0 : index
      %swap3A_245 = arith.constant 0 : index
      %swap3A_246 = vector.load %arg8[%swap3A_244, %swap3A_245] : memref<16x256xf32, #tpu.memory_space<vmem>>, vector<16x256xf32>
      tpu.vector_store %arg8[%swap3A_244, %swap3A_245], %concatenate3A_243 {strides = array<i32>} : memref<16x256xf32, #tpu.memory_space<vmem>>, vector<16x256xf32>,
    }
    %broadcast_in_dim3A_29 = arith.constant 1073741824 : i32
    %broadcast_in_dim3A_30 = vector.broadcast %broadcast_in_dim3A_29 : i32 to vector<16x256xi32>
    %swap3A_31 = arith.constant 0 : index
    %swap3A_32 = arith.constant 0 : index
    %swap3A_33 = vector.load %arg9[%swap3A_31, %swap3A_32] : memref<16x256xi32, #tpu.memory_space<vmem>>, vector<16x256xi32>
    tpu.vector_store %arg9[%swap3A_31, %swap3A_32], %broadcast_in_dim3A_30 {strides = array<i32>} : memref<16x256xi32, #tpu.memory_space<vmem>>, vector<16x256xi32>,
    %get3A_34 = arith.constant 0 : index
    %get3A_35 = arith.constant 0 : index
    %get3A_36 = vector.load %arg8[%get3A_34, %get3A_35] : memref<16x256xf32, #tpu.memory_space<vmem>>, vector<16x256xf32>
    %while3A_37 = arith.constant 0 : i32
    %while3A_38 = arith.constant 1073741824 : i32
    %while3A_39 = arith.constant 0 : i32
    %while3A_40 = arith.subi %get3A_4, %while3A_39 : i32
    %while3A_41 = arith.addi %while3A_39, %while3A_40 : i32
    %while3A_42 = arith.constant 1 : i32
    %while3A_43 = arith.divsi %while3A_40, %while3A_42 : i32
    %while3A_44 = arith.muli %while3A_43, %while3A_42 : i32
    %while3A_45 = arith.addi %while3A_39, %while3A_44 : i32
    %while3A_46 = arith.constant 1 : i32
    scf.for %while3A_71 = %while3A_39 to %while3A_45 step %while3A_46  : i32 {
      %mul3A_72 = arith.constant 256 : i32
      %mul3A_73 = arith.muli %while3A_71, %mul3A_72 : i32
      %get3A_74 = arith.index_cast %mul3A_73 : i32 to index
      %get3A_75 = arith.constant 0 : index
      %get3A_76 = vector.load %arg11[%get3A_74, %get3A_75] : memref<4096x256xf32, #tpu.memory_space<vmem>>, vector<256x256xf32>
      %add3A_77 = arith.addi %get3A_1, %while3A_71 : i32
      %mul3A_78 = arith.constant 256 : i32
      %mul3A_79 = arith.muli %add3A_77, %mul3A_78 : i32
      %iota3A_80 = tpu.iota {dimensions = array<i32: 0>} : vector<256x1xi32>
      %add3A_81 = vector.broadcast %mul3A_79 : i32 to vector<256x1xi32>
      %add3A_82 = arith.addi %add3A_81, %iota3A_80 : vector<256x1xi32>
      %slice3A = vector.extract_strided_slice %get3A_36 {offsets = [0, 0], sizes = [1, 256], strides = [1, 1]} : vector<16x256xf32> to vector<1x256xf32>
      %eq3A_83 = vector.broadcast %slice3A : vector<1x256xf32> to vector<256x256xf32>
      %eq3A_84 = arith.cmpf oeq, %get3A_76, %eq3A_83 : vector<256x256xf32>
      %broadcast_in_dim3A_85 = vector.shape_cast %add3A_82 : vector<256x1xi32> to vector<256x1xi32>
      %broadcast_in_dim3A_86 = vector.broadcast %broadcast_in_dim3A_85 : vector<256x1xi32> to vector<256x256xi32>
      %broadcast_in_dim3A_87 = vector.broadcast %while3A_38 : i32 to vector<256x256xi32>
      %select_n3A = arith.select %eq3A_84, %broadcast_in_dim3A_86, %broadcast_in_dim3A_87 : vector<256x256xi1>, vector<256x256xi32>
      %reduce_min3A = arith.constant dense<2147483647> : vector<256xi32>
      %reduce_min3A_88 = vector.multi_reduction <minsi>, %select_n3A, %reduce_min3A [0] : vector<256x256xi32> to vector<256xi32>
      %broadcast_in_dim3A_89 = vector.shape_cast %reduce_min3A_88 : vector<256xi32> to vector<1x256xi32>
      %slice3A_90 = vector.extract_strided_slice %get3A_36 {offsets = [1, 0], sizes = [1, 256], strides = [1, 1]} : vector<16x256xf32> to vector<1x256xf32>
      %eq3A_91 = vector.broadcast %slice3A_90 : vector<1x256xf32> to vector<256x256xf32>
      %eq3A_92 = arith.cmpf oeq, %get3A_76, %eq3A_91 : vector<256x256xf32>
      %broadcast_in_dim3A_93 = vector.shape_cast %add3A_82 : vector<256x1xi32> to vector<256x1xi32>
      %broadcast_in_dim3A_94 = vector.broadcast %broadcast_in_dim3A_93 : vector<256x1xi32> to vector<256x256xi32>
      %broadcast_in_dim3A_95 = vector.broadcast %while3A_38 : i32 to vector<256x256xi32>
      %select_n3A_96 = arith.select %eq3A_92, %broadcast_in_dim3A_94, %broadcast_in_dim3A_95 : vector<256x256xi1>, vector<256x256xi32>
      %reduce_min3A_97 = arith.constant dense<2147483647> : vector<256xi32>
      %reduce_min3A_98 = vector.multi_reduction <minsi>, %select_n3A_96, %reduce_min3A_97 [0] : vector<256x256xi32> to vector<256xi32>
      %broadcast_in_dim3A_99 = vector.shape_cast %reduce_min3A_98 : vector<256xi32> to vector<1x256xi32>
      %slice3A_100 = vector.extract_strided_slice %get3A_36 {offsets = [2, 0], sizes = [1, 256], strides = [1, 1]} : vector<16x256xf32> to vector<1x256xf32>
      %eq3A_101 = vector.broadcast %slice3A_100 : vector<1x256xf32> to vector<256x256xf32>
      %eq3A_102 = arith.cmpf oeq, %get3A_76, %eq3A_101 : vector<256x256xf32>
      %broadcast_in_dim3A_103 = vector.shape_cast %add3A_82 : vector<256x1xi32> to vector<256x1xi32>
      %broadcast_in_dim3A_104 = vector.broadcast %broadcast_in_dim3A_103 : vector<256x1xi32> to vector<256x256xi32>
      %broadcast_in_dim3A_105 = vector.broadcast %while3A_38 : i32 to vector<256x256xi32>
      %select_n3A_106 = arith.select %eq3A_102, %broadcast_in_dim3A_104, %broadcast_in_dim3A_105 : vector<256x256xi1>, vector<256x256xi32>
      %reduce_min3A_107 = arith.constant dense<2147483647> : vector<256xi32>
      %reduce_min3A_108 = vector.multi_reduction <minsi>, %select_n3A_106, %reduce_min3A_107 [0] : vector<256x256xi32> to vector<256xi32>
      %broadcast_in_dim3A_109 = vector.shape_cast %reduce_min3A_108 : vector<256xi32> to vector<1x256xi32>
      %slice3A_110 = vector.extract_strided_slice %get3A_36 {offsets = [3, 0], sizes = [1, 256], strides = [1, 1]} : vector<16x256xf32> to vector<1x256xf32>
      %eq3A_111 = vector.broadcast %slice3A_110 : vector<1x256xf32> to vector<256x256xf32>
      %eq3A_112 = arith.cmpf oeq, %get3A_76, %eq3A_111 : vector<256x256xf32>
      %broadcast_in_dim3A_113 = vector.shape_cast %add3A_82 : vector<256x1xi32> to vector<256x1xi32>
      %broadcast_in_dim3A_114 = vector.broadcast %broadcast_in_dim3A_113 : vector<256x1xi32> to vector<256x256xi32>
      %broadcast_in_dim3A_115 = vector.broadcast %while3A_38 : i32 to vector<256x256xi32>
      %select_n3A_116 = arith.select %eq3A_112, %broadcast_in_dim3A_114, %broadcast_in_dim3A_115 : vector<256x256xi1>, vector<256x256xi32>
      %reduce_min3A_117 = arith.constant dense<2147483647> : vector<256xi32>
      %reduce_min3A_118 = vector.multi_reduction <minsi>, %select_n3A_116, %reduce_min3A_117 [0] : vector<256x256xi32> to vector<256xi32>
      %broadcast_in_dim3A_119 = vector.shape_cast %reduce_min3A_118 : vector<256xi32> to vector<1x256xi32>
      %slice3A_120 = vector.extract_strided_slice %get3A_36 {offsets = [4, 0], sizes = [1, 256], strides = [1, 1]} : vector<16x256xf32> to vector<1x256xf32>
      %eq3A_121 = vector.broadcast %slice3A_120 : vector<1x256xf32> to vector<256x256xf32>
      %eq3A_122 = arith.cmpf oeq, %get3A_76, %eq3A_121 : vector<256x256xf32>
      %broadcast_in_dim3A_123 = vector.shape_cast %add3A_82 : vector<256x1xi32> to vector<256x1xi32>
      %broadcast_in_dim3A_124 = vector.broadcast %broadcast_in_dim3A_123 : vector<256x1xi32> to vector<256x256xi32>
      %broadcast_in_dim3A_125 = vector.broadcast %while3A_38 : i32 to vector<256x256xi32>
      %select_n3A_126 = arith.select %eq3A_122, %broadcast_in_dim3A_124, %broadcast_in_dim3A_125 : vector<256x256xi1>, vector<256x256xi32>
      %reduce_min3A_127 = arith.constant dense<2147483647> : vector<256xi32>
      %reduce_min3A_128 = vector.multi_reduction <minsi>, %select_n3A_126, %reduce_min3A_127 [0] : vector<256x256xi32> to vector<256xi32>
      %broadcast_in_dim3A_129 = vector.shape_cast %reduce_min3A_128 : vector<256xi32> to vector<1x256xi32>
      %slice3A_130 = vector.extract_strided_slice %get3A_36 {offsets = [5, 0], sizes = [1, 256], strides = [1, 1]} : vector<16x256xf32> to vector<1x256xf32>
      %eq3A_131 = vector.broadcast %slice3A_130 : vector<1x256xf32> to vector<256x256xf32>
      %eq3A_132 = arith.cmpf oeq, %get3A_76, %eq3A_131 : vector<256x256xf32>
      %broadcast_in_dim3A_133 = vector.shape_cast %add3A_82 : vector<256x1xi32> to vector<256x1xi32>
      %broadcast_in_dim3A_134 = vector.broadcast %broadcast_in_dim3A_133 : vector<256x1xi32> to vector<256x256xi32>
      %broadcast_in_dim3A_135 = vector.broadcast %while3A_38 : i32 to vector<256x256xi32>
      %select_n3A_136 = arith.select %eq3A_132, %broadcast_in_dim3A_134, %broadcast_in_dim3A_135 : vector<256x256xi1>, vector<256x256xi32>
      %reduce_min3A_137 = arith.constant dense<2147483647> : vector<256xi32>
      %reduce_min3A_138 = vector.multi_reduction <minsi>, %select_n3A_136, %reduce_min3A_137 [0] : vector<256x256xi32> to vector<256xi32>
      %broadcast_in_dim3A_139 = vector.shape_cast %reduce_min3A_138 : vector<256xi32> to vector<1x256xi32>
      %slice3A_140 = vector.extract_strided_slice %get3A_36 {offsets = [6, 0], sizes = [1, 256], strides = [1, 1]} : vector<16x256xf32> to vector<1x256xf32>
      %eq3A_141 = vector.broadcast %slice3A_140 : vector<1x256xf32> to vector<256x256xf32>
      %eq3A_142 = arith.cmpf oeq, %get3A_76, %eq3A_141 : vector<256x256xf32>
      %broadcast_in_dim3A_143 = vector.shape_cast %add3A_82 : vector<256x1xi32> to vector<256x1xi32>
      %broadcast_in_dim3A_144 = vector.broadcast %broadcast_in_dim3A_143 : vector<256x1xi32> to vector<256x256xi32>
      %broadcast_in_dim3A_145 = vector.broadcast %while3A_38 : i32 to vector<256x256xi32>
      %select_n3A_146 = arith.select %eq3A_142, %broadcast_in_dim3A_144, %broadcast_in_dim3A_145 : vector<256x256xi1>, vector<256x256xi32>
      %reduce_min3A_147 = arith.constant dense<2147483647> : vector<256xi32>
      %reduce_min3A_148 = vector.multi_reduction <minsi>, %select_n3A_146, %reduce_min3A_147 [0] : vector<256x256xi32> to vector<256xi32>
      %broadcast_in_dim3A_149 = vector.shape_cast %reduce_min3A_148 : vector<256xi32> to vector<1x256xi32>
      %slice3A_150 = vector.extract_strided_slice %get3A_36 {offsets = [7, 0], sizes = [1, 256], strides = [1, 1]} : vector<16x256xf32> to vector<1x256xf32>
      %eq3A_151 = vector.broadcast %slice3A_150 : vector<1x256xf32> to vector<256x256xf32>
      %eq3A_152 = arith.cmpf oeq, %get3A_76, %eq3A_151 : vector<256x256xf32>
      %broadcast_in_dim3A_153 = vector.shape_cast %add3A_82 : vector<256x1xi32> to vector<256x1xi32>
      %broadcast_in_dim3A_154 = vector.broadcast %broadcast_in_dim3A_153 : vector<256x1xi32> to vector<256x256xi32>
      %broadcast_in_dim3A_155 = vector.broadcast %while3A_38 : i32 to vector<256x256xi32>
      %select_n3A_156 = arith.select %eq3A_152, %broadcast_in_dim3A_154, %broadcast_in_dim3A_155 : vector<256x256xi1>, vector<256x256xi32>
      %reduce_min3A_157 = arith.constant dense<2147483647> : vector<256xi32>
      %reduce_min3A_158 = vector.multi_reduction <minsi>, %select_n3A_156, %reduce_min3A_157 [0] : vector<256x256xi32> to vector<256xi32>
      %broadcast_in_dim3A_159 = vector.shape_cast %reduce_min3A_158 : vector<256xi32> to vector<1x256xi32>
      %slice3A_160 = vector.extract_strided_slice %get3A_36 {offsets = [8, 0], sizes = [1, 256], strides = [1, 1]} : vector<16x256xf32> to vector<1x256xf32>
      %eq3A_161 = vector.broadcast %slice3A_160 : vector<1x256xf32> to vector<256x256xf32>
      %eq3A_162 = arith.cmpf oeq, %get3A_76, %eq3A_161 : vector<256x256xf32>
      %broadcast_in_dim3A_163 = vector.shape_cast %add3A_82 : vector<256x1xi32> to vector<256x1xi32>
      %broadcast_in_dim3A_164 = vector.broadcast %broadcast_in_dim3A_163 : vector<256x1xi32> to vector<256x256xi32>
      %broadcast_in_dim3A_165 = vector.broadcast %while3A_38 : i32 to vector<256x256xi32>
      %select_n3A_166 = arith.select %eq3A_162, %broadcast_in_dim3A_164, %broadcast_in_dim3A_165 : vector<256x256xi1>, vector<256x256xi32>
      %reduce_min3A_167 = arith.constant dense<2147483647> : vector<256xi32>
      %reduce_min3A_168 = vector.multi_reduction <minsi>, %select_n3A_166, %reduce_min3A_167 [0] : vector<256x256xi32> to vector<256xi32>
      %broadcast_in_dim3A_169 = vector.shape_cast %reduce_min3A_168 : vector<256xi32> to vector<1x256xi32>
      %slice3A_170 = vector.extract_strided_slice %get3A_36 {offsets = [9, 0], sizes = [1, 256], strides = [1, 1]} : vector<16x256xf32> to vector<1x256xf32>
      %eq3A_171 = vector.broadcast %slice3A_170 : vector<1x256xf32> to vector<256x256xf32>
      %eq3A_172 = arith.cmpf oeq, %get3A_76, %eq3A_171 : vector<256x256xf32>
      %broadcast_in_dim3A_173 = vector.shape_cast %add3A_82 : vector<256x1xi32> to vector<256x1xi32>
      %broadcast_in_dim3A_174 = vector.broadcast %broadcast_in_dim3A_173 : vector<256x1xi32> to vector<256x256xi32>
      %broadcast_in_dim3A_175 = vector.broadcast %while3A_38 : i32 to vector<256x256xi32>
      %select_n3A_176 = arith.select %eq3A_172, %broadcast_in_dim3A_174, %broadcast_in_dim3A_175 : vector<256x256xi1>, vector<256x256xi32>
      %reduce_min3A_177 = arith.constant dense<2147483647> : vector<256xi32>
      %reduce_min3A_178 = vector.multi_reduction <minsi>, %select_n3A_176, %reduce_min3A_177 [0] : vector<256x256xi32> to vector<256xi32>
      %broadcast_in_dim3A_179 = vector.shape_cast %reduce_min3A_178 : vector<256xi32> to vector<1x256xi32>
      %slice3A_180 = vector.extract_strided_slice %get3A_36 {offsets = [10, 0], sizes = [1, 256], strides = [1, 1]} : vector<16x256xf32> to vector<1x256xf32>
      %eq3A_181 = vector.broadcast %slice3A_180 : vector<1x256xf32> to vector<256x256xf32>
      %eq3A_182 = arith.cmpf oeq, %get3A_76, %eq3A_181 : vector<256x256xf32>
      %broadcast_in_dim3A_183 = vector.shape_cast %add3A_82 : vector<256x1xi32> to vector<256x1xi32>
      %broadcast_in_dim3A_184 = vector.broadcast %broadcast_in_dim3A_183 : vector<256x1xi32> to vector<256x256xi32>
      %broadcast_in_dim3A_185 = vector.broadcast %while3A_38 : i32 to vector<256x256xi32>
      %select_n3A_186 = arith.select %eq3A_182, %broadcast_in_dim3A_184, %broadcast_in_dim3A_185 : vector<256x256xi1>, vector<256x256xi32>
      %reduce_min3A_187 = arith.constant dense<2147483647> : vector<256xi32>
      %reduce_min3A_188 = vector.multi_reduction <minsi>, %select_n3A_186, %reduce_min3A_187 [0] : vector<256x256xi32> to vector<256xi32>
      %broadcast_in_dim3A_189 = vector.shape_cast %reduce_min3A_188 : vector<256xi32> to vector<1x256xi32>
      %slice3A_190 = vector.extract_strided_slice %get3A_36 {offsets = [11, 0], sizes = [1, 256], strides = [1, 1]} : vector<16x256xf32> to vector<1x256xf32>
      %eq3A_191 = vector.broadcast %slice3A_190 : vector<1x256xf32> to vector<256x256xf32>
      %eq3A_192 = arith.cmpf oeq, %get3A_76, %eq3A_191 : vector<256x256xf32>
      %broadcast_in_dim3A_193 = vector.shape_cast %add3A_82 : vector<256x1xi32> to vector<256x1xi32>
      %broadcast_in_dim3A_194 = vector.broadcast %broadcast_in_dim3A_193 : vector<256x1xi32> to vector<256x256xi32>
      %broadcast_in_dim3A_195 = vector.broadcast %while3A_38 : i32 to vector<256x256xi32>
      %select_n3A_196 = arith.select %eq3A_192, %broadcast_in_dim3A_194, %broadcast_in_dim3A_195 : vector<256x256xi1>, vector<256x256xi32>
      %reduce_min3A_197 = arith.constant dense<2147483647> : vector<256xi32>
      %reduce_min3A_198 = vector.multi_reduction <minsi>, %select_n3A_196, %reduce_min3A_197 [0] : vector<256x256xi32> to vector<256xi32>
      %broadcast_in_dim3A_199 = vector.shape_cast %reduce_min3A_198 : vector<256xi32> to vector<1x256xi32>
      %slice3A_200 = vector.extract_strided_slice %get3A_36 {offsets = [12, 0], sizes = [1, 256], strides = [1, 1]} : vector<16x256xf32> to vector<1x256xf32>
      %eq3A_201 = vector.broadcast %slice3A_200 : vector<1x256xf32> to vector<256x256xf32>
      %eq3A_202 = arith.cmpf oeq, %get3A_76, %eq3A_201 : vector<256x256xf32>
      %broadcast_in_dim3A_203 = vector.shape_cast %add3A_82 : vector<256x1xi32> to vector<256x1xi32>
      %broadcast_in_dim3A_204 = vector.broadcast %broadcast_in_dim3A_203 : vector<256x1xi32> to vector<256x256xi32>
      %broadcast_in_dim3A_205 = vector.broadcast %while3A_38 : i32 to vector<256x256xi32>
      %select_n3A_206 = arith.select %eq3A_202, %broadcast_in_dim3A_204, %broadcast_in_dim3A_205 : vector<256x256xi1>, vector<256x256xi32>
      %reduce_min3A_207 = arith.constant dense<2147483647> : vector<256xi32>
      %reduce_min3A_208 = vector.multi_reduction <minsi>, %select_n3A_206, %reduce_min3A_207 [0] : vector<256x256xi32> to vector<256xi32>
      %broadcast_in_dim3A_209 = vector.shape_cast %reduce_min3A_208 : vector<256xi32> to vector<1x256xi32>
      %slice3A_210 = vector.extract_strided_slice %get3A_36 {offsets = [13, 0], sizes = [1, 256], strides = [1, 1]} : vector<16x256xf32> to vector<1x256xf32>
      %eq3A_211 = vector.broadcast %slice3A_210 : vector<1x256xf32> to vector<256x256xf32>
      %eq3A_212 = arith.cmpf oeq, %get3A_76, %eq3A_211 : vector<256x256xf32>
      %broadcast_in_dim3A_213 = vector.shape_cast %add3A_82 : vector<256x1xi32> to vector<256x1xi32>
      %broadcast_in_dim3A_214 = vector.broadcast %broadcast_in_dim3A_213 : vector<256x1xi32> to vector<256x256xi32>
      %broadcast_in_dim3A_215 = vector.broadcast %while3A_38 : i32 to vector<256x256xi32>
      %select_n3A_216 = arith.select %eq3A_212, %broadcast_in_dim3A_214, %broadcast_in_dim3A_215 : vector<256x256xi1>, vector<256x256xi32>
      %reduce_min3A_217 = arith.constant dense<2147483647> : vector<256xi32>
      %reduce_min3A_218 = vector.multi_reduction <minsi>, %select_n3A_216, %reduce_min3A_217 [0] : vector<256x256xi32> to vector<256xi32>
      %broadcast_in_dim3A_219 = vector.shape_cast %reduce_min3A_218 : vector<256xi32> to vector<1x256xi32>
      %slice3A_220 = vector.extract_strided_slice %get3A_36 {offsets = [14, 0], sizes = [1, 256], strides = [1, 1]} : vector<16x256xf32> to vector<1x256xf32>
      %eq3A_221 = vector.broadcast %slice3A_220 : vector<1x256xf32> to vector<256x256xf32>
      %eq3A_222 = arith.cmpf oeq, %get3A_76, %eq3A_221 : vector<256x256xf32>
      %broadcast_in_dim3A_223 = vector.shape_cast %add3A_82 : vector<256x1xi32> to vector<256x1xi32>
      %broadcast_in_dim3A_224 = vector.broadcast %broadcast_in_dim3A_223 : vector<256x1xi32> to vector<256x256xi32>
      %broadcast_in_dim3A_225 = vector.broadcast %while3A_38 : i32 to vector<256x256xi32>
      %select_n3A_226 = arith.select %eq3A_222, %broadcast_in_dim3A_224, %broadcast_in_dim3A_225 : vector<256x256xi1>, vector<256x256xi32>
      %reduce_min3A_227 = arith.constant dense<2147483647> : vector<256xi32>
      %reduce_min3A_228 = vector.multi_reduction <minsi>, %select_n3A_226, %reduce_min3A_227 [0] : vector<256x256xi32> to vector<256xi32>
      %broadcast_in_dim3A_229 = vector.shape_cast %reduce_min3A_228 : vector<256xi32> to vector<1x256xi32>
      %slice3A_230 = vector.extract_strided_slice %get3A_36 {offsets = [15, 0], sizes = [1, 256], strides = [1, 1]} : vector<16x256xf32> to vector<1x256xf32>
      %eq3A_231 = vector.broadcast %slice3A_230 : vector<1x256xf32> to vector<256x256xf32>
      %eq3A_232 = arith.cmpf oeq, %get3A_76, %eq3A_231 : vector<256x256xf32>
      %broadcast_in_dim3A_233 = vector.shape_cast %add3A_82 : vector<256x1xi32> to vector<256x1xi32>
      %broadcast_in_dim3A_234 = vector.broadcast %broadcast_in_dim3A_233 : vector<256x1xi32> to vector<256x256xi32>
      %broadcast_in_dim3A_235 = vector.broadcast %while3A_38 : i32 to vector<256x256xi32>
      %select_n3A_236 = arith.select %eq3A_232, %broadcast_in_dim3A_234, %broadcast_in_dim3A_235 : vector<256x256xi1>, vector<256x256xi32>
      %reduce_min3A_237 = arith.constant dense<2147483647> : vector<256xi32>
      %reduce_min3A_238 = vector.multi_reduction <minsi>, %select_n3A_236, %reduce_min3A_237 [0] : vector<256x256xi32> to vector<256xi32>
      %broadcast_in_dim3A_239 = vector.shape_cast %reduce_min3A_238 : vector<256xi32> to vector<1x256xi32>
      %concatenate3A = tpu.concatenate %broadcast_in_dim3A_89, %broadcast_in_dim3A_99, %broadcast_in_dim3A_109, %broadcast_in_dim3A_119, %broadcast_in_dim3A_129, %broadcast_in_dim3A_139, %broadcast_in_dim3A_149, %broadcast_in_dim3A_159, %broadcast_in_dim3A_169, %broadcast_in_dim3A_179, %broadcast_in_dim3A_189, %broadcast_in_dim3A_199, %broadcast_in_dim3A_209, %broadcast_in_dim3A_219, %broadcast_in_dim3A_229, %broadcast_in_dim3A_239 in 0 : vector<1x256xi32>, vector<1x256xi32>, vector<1x256xi32>, vector<1x256xi32>, vector<1x256xi32>, vector<1x256xi32>, vector<1x256xi32>, vector<1x256xi32>, vector<1x256xi32>, vector<1x256xi32>, vector<1x256xi32>, vector<1x256xi32>, vector<1x256xi32>, vector<1x256xi32>, vector<1x256xi32>, vector<1x256xi32> -> vector<16x256xi32>
      %get3A_240 = arith.constant 0 : index
      %get3A_241 = arith.constant 0 : index
      %get3A_242 = vector.load %arg9[%get3A_240, %get3A_241] : memref<16x256xi32, #tpu.memory_space<vmem>>, vector<16x256xi32>
      %min3A_243 = arith.minsi %get3A_242, %concatenate3A : vector<16x256xi32>
      %swap3A_244 = arith.constant 0 : index
      %swap3A_245 = arith.constant 0 : index
      %swap3A_246 = vector.load %arg9[%swap3A_244, %swap3A_245] : memref<16x256xi32, #tpu.memory_space<vmem>>, vector<16x256xi32>
      tpu.vector_store %arg9[%swap3A_244, %swap3A_245], %min3A_243 {strides = array<i32>} : memref<16x256xi32, #tpu.memory_space<vmem>>, vector<16x256xi32>,
    }
    %while3A_47 = arith.constant 1 : i32
    scf.for %while3A_71 = %while3A_45 to %while3A_41 step %while3A_47  : i32 {
      %mul3A_72 = arith.constant 256 : i32
      %mul3A_73 = arith.muli %while3A_71, %mul3A_72 : i32
      %get3A_74 = arith.index_cast %mul3A_73 : i32 to index
      %get3A_75 = arith.constant 0 : index
      %get3A_76 = vector.load %arg11[%get3A_74, %get3A_75] : memref<4096x256xf32, #tpu.memory_space<vmem>>, vector<256x256xf32>
      %add3A_77 = arith.addi %get3A_1, %while3A_71 : i32
      %mul3A_78 = arith.constant 256 : i32
      %mul3A_79 = arith.muli %add3A_77, %mul3A_78 : i32
      %iota3A_80 = tpu.iota {dimensions = array<i32: 0>} : vector<256x1xi32>
      %add3A_81 = vector.broadcast %mul3A_79 : i32 to vector<256x1xi32>
      %add3A_82 = arith.addi %add3A_81, %iota3A_80 : vector<256x1xi32>
      %slice3A = vector.extract_strided_slice %get3A_36 {offsets = [0, 0], sizes = [1, 256], strides = [1, 1]} : vector<16x256xf32> to vector<1x256xf32>
      %eq3A_83 = vector.broadcast %slice3A : vector<1x256xf32> to vector<256x256xf32>
      %eq3A_84 = arith.cmpf oeq, %get3A_76, %eq3A_83 : vector<256x256xf32>
      %broadcast_in_dim3A_85 = vector.shape_cast %add3A_82 : vector<256x1xi32> to vector<256x1xi32>
      %broadcast_in_dim3A_86 = vector.broadcast %broadcast_in_dim3A_85 : vector<256x1xi32> to vector<256x256xi32>
      %broadcast_in_dim3A_87 = vector.broadcast %while3A_38 : i32 to vector<256x256xi32>
      %select_n3A = arith.select %eq3A_84, %broadcast_in_dim3A_86, %broadcast_in_dim3A_87 : vector<256x256xi1>, vector<256x256xi32>
      %reduce_min3A = arith.constant dense<2147483647> : vector<256xi32>
      %reduce_min3A_88 = vector.multi_reduction <minsi>, %select_n3A, %reduce_min3A [0] : vector<256x256xi32> to vector<256xi32>
      %broadcast_in_dim3A_89 = vector.shape_cast %reduce_min3A_88 : vector<256xi32> to vector<1x256xi32>
      %slice3A_90 = vector.extract_strided_slice %get3A_36 {offsets = [1, 0], sizes = [1, 256], strides = [1, 1]} : vector<16x256xf32> to vector<1x256xf32>
      %eq3A_91 = vector.broadcast %slice3A_90 : vector<1x256xf32> to vector<256x256xf32>
      %eq3A_92 = arith.cmpf oeq, %get3A_76, %eq3A_91 : vector<256x256xf32>
      %broadcast_in_dim3A_93 = vector.shape_cast %add3A_82 : vector<256x1xi32> to vector<256x1xi32>
      %broadcast_in_dim3A_94 = vector.broadcast %broadcast_in_dim3A_93 : vector<256x1xi32> to vector<256x256xi32>
      %broadcast_in_dim3A_95 = vector.broadcast %while3A_38 : i32 to vector<256x256xi32>
      %select_n3A_96 = arith.select %eq3A_92, %broadcast_in_dim3A_94, %broadcast_in_dim3A_95 : vector<256x256xi1>, vector<256x256xi32>
      %reduce_min3A_97 = arith.constant dense<2147483647> : vector<256xi32>
      %reduce_min3A_98 = vector.multi_reduction <minsi>, %select_n3A_96, %reduce_min3A_97 [0] : vector<256x256xi32> to vector<256xi32>
      %broadcast_in_dim3A_99 = vector.shape_cast %reduce_min3A_98 : vector<256xi32> to vector<1x256xi32>
      %slice3A_100 = vector.extract_strided_slice %get3A_36 {offsets = [2, 0], sizes = [1, 256], strides = [1, 1]} : vector<16x256xf32> to vector<1x256xf32>
      %eq3A_101 = vector.broadcast %slice3A_100 : vector<1x256xf32> to vector<256x256xf32>
      %eq3A_102 = arith.cmpf oeq, %get3A_76, %eq3A_101 : vector<256x256xf32>
      %broadcast_in_dim3A_103 = vector.shape_cast %add3A_82 : vector<256x1xi32> to vector<256x1xi32>
      %broadcast_in_dim3A_104 = vector.broadcast %broadcast_in_dim3A_103 : vector<256x1xi32> to vector<256x256xi32>
      %broadcast_in_dim3A_105 = vector.broadcast %while3A_38 : i32 to vector<256x256xi32>
      %select_n3A_106 = arith.select %eq3A_102, %broadcast_in_dim3A_104, %broadcast_in_dim3A_105 : vector<256x256xi1>, vector<256x256xi32>
      %reduce_min3A_107 = arith.constant dense<2147483647> : vector<256xi32>
      %reduce_min3A_108 = vector.multi_reduction <minsi>, %select_n3A_106, %reduce_min3A_107 [0] : vector<256x256xi32> to vector<256xi32>
      %broadcast_in_dim3A_109 = vector.shape_cast %reduce_min3A_108 : vector<256xi32> to vector<1x256xi32>
      %slice3A_110 = vector.extract_strided_slice %get3A_36 {offsets = [3, 0], sizes = [1, 256], strides = [1, 1]} : vector<16x256xf32> to vector<1x256xf32>
      %eq3A_111 = vector.broadcast %slice3A_110 : vector<1x256xf32> to vector<256x256xf32>
      %eq3A_112 = arith.cmpf oeq, %get3A_76, %eq3A_111 : vector<256x256xf32>
      %broadcast_in_dim3A_113 = vector.shape_cast %add3A_82 : vector<256x1xi32> to vector<256x1xi32>
      %broadcast_in_dim3A_114 = vector.broadcast %broadcast_in_dim3A_113 : vector<256x1xi32> to vector<256x256xi32>
      %broadcast_in_dim3A_115 = vector.broadcast %while3A_38 : i32 to vector<256x256xi32>
      %select_n3A_116 = arith.select %eq3A_112, %broadcast_in_dim3A_114, %broadcast_in_dim3A_115 : vector<256x256xi1>, vector<256x256xi32>
      %reduce_min3A_117 = arith.constant dense<2147483647> : vector<256xi32>
      %reduce_min3A_118 = vector.multi_reduction <minsi>, %select_n3A_116, %reduce_min3A_117 [0] : vector<256x256xi32> to vector<256xi32>
      %broadcast_in_dim3A_119 = vector.shape_cast %reduce_min3A_118 : vector<256xi32> to vector<1x256xi32>
      %slice3A_120 = vector.extract_strided_slice %get3A_36 {offsets = [4, 0], sizes = [1, 256], strides = [1, 1]} : vector<16x256xf32> to vector<1x256xf32>
      %eq3A_121 = vector.broadcast %slice3A_120 : vector<1x256xf32> to vector<256x256xf32>
      %eq3A_122 = arith.cmpf oeq, %get3A_76, %eq3A_121 : vector<256x256xf32>
      %broadcast_in_dim3A_123 = vector.shape_cast %add3A_82 : vector<256x1xi32> to vector<256x1xi32>
      %broadcast_in_dim3A_124 = vector.broadcast %broadcast_in_dim3A_123 : vector<256x1xi32> to vector<256x256xi32>
      %broadcast_in_dim3A_125 = vector.broadcast %while3A_38 : i32 to vector<256x256xi32>
      %select_n3A_126 = arith.select %eq3A_122, %broadcast_in_dim3A_124, %broadcast_in_dim3A_125 : vector<256x256xi1>, vector<256x256xi32>
      %reduce_min3A_127 = arith.constant dense<2147483647> : vector<256xi32>
      %reduce_min3A_128 = vector.multi_reduction <minsi>, %select_n3A_126, %reduce_min3A_127 [0] : vector<256x256xi32> to vector<256xi32>
      %broadcast_in_dim3A_129 = vector.shape_cast %reduce_min3A_128 : vector<256xi32> to vector<1x256xi32>
      %slice3A_130 = vector.extract_strided_slice %get3A_36 {offsets = [5, 0], sizes = [1, 256], strides = [1, 1]} : vector<16x256xf32> to vector<1x256xf32>
      %eq3A_131 = vector.broadcast %slice3A_130 : vector<1x256xf32> to vector<256x256xf32>
      %eq3A_132 = arith.cmpf oeq, %get3A_76, %eq3A_131 : vector<256x256xf32>
      %broadcast_in_dim3A_133 = vector.shape_cast %add3A_82 : vector<256x1xi32> to vector<256x1xi32>
      %broadcast_in_dim3A_134 = vector.broadcast %broadcast_in_dim3A_133 : vector<256x1xi32> to vector<256x256xi32>
      %broadcast_in_dim3A_135 = vector.broadcast %while3A_38 : i32 to vector<256x256xi32>
      %select_n3A_136 = arith.select %eq3A_132, %broadcast_in_dim3A_134, %broadcast_in_dim3A_135 : vector<256x256xi1>, vector<256x256xi32>
      %reduce_min3A_137 = arith.constant dense<2147483647> : vector<256xi32>
      %reduce_min3A_138 = vector.multi_reduction <minsi>, %select_n3A_136, %reduce_min3A_137 [0] : vector<256x256xi32> to vector<256xi32>
      %broadcast_in_dim3A_139 = vector.shape_cast %reduce_min3A_138 : vector<256xi32> to vector<1x256xi32>
      %slice3A_140 = vector.extract_strided_slice %get3A_36 {offsets = [6, 0], sizes = [1, 256], strides = [1, 1]} : vector<16x256xf32> to vector<1x256xf32>
      %eq3A_141 = vector.broadcast %slice3A_140 : vector<1x256xf32> to vector<256x256xf32>
      %eq3A_142 = arith.cmpf oeq, %get3A_76, %eq3A_141 : vector<256x256xf32>
      %broadcast_in_dim3A_143 = vector.shape_cast %add3A_82 : vector<256x1xi32> to vector<256x1xi32>
      %broadcast_in_dim3A_144 = vector.broadcast %broadcast_in_dim3A_143 : vector<256x1xi32> to vector<256x256xi32>
      %broadcast_in_dim3A_145 = vector.broadcast %while3A_38 : i32 to vector<256x256xi32>
      %select_n3A_146 = arith.select %eq3A_142, %broadcast_in_dim3A_144, %broadcast_in_dim3A_145 : vector<256x256xi1>, vector<256x256xi32>
      %reduce_min3A_147 = arith.constant dense<2147483647> : vector<256xi32>
      %reduce_min3A_148 = vector.multi_reduction <minsi>, %select_n3A_146, %reduce_min3A_147 [0] : vector<256x256xi32> to vector<256xi32>
      %broadcast_in_dim3A_149 = vector.shape_cast %reduce_min3A_148 : vector<256xi32> to vector<1x256xi32>
      %slice3A_150 = vector.extract_strided_slice %get3A_36 {offsets = [7, 0], sizes = [1, 256], strides = [1, 1]} : vector<16x256xf32> to vector<1x256xf32>
      %eq3A_151 = vector.broadcast %slice3A_150 : vector<1x256xf32> to vector<256x256xf32>
      %eq3A_152 = arith.cmpf oeq, %get3A_76, %eq3A_151 : vector<256x256xf32>
      %broadcast_in_dim3A_153 = vector.shape_cast %add3A_82 : vector<256x1xi32> to vector<256x1xi32>
      %broadcast_in_dim3A_154 = vector.broadcast %broadcast_in_dim3A_153 : vector<256x1xi32> to vector<256x256xi32>
      %broadcast_in_dim3A_155 = vector.broadcast %while3A_38 : i32 to vector<256x256xi32>
      %select_n3A_156 = arith.select %eq3A_152, %broadcast_in_dim3A_154, %broadcast_in_dim3A_155 : vector<256x256xi1>, vector<256x256xi32>
      %reduce_min3A_157 = arith.constant dense<2147483647> : vector<256xi32>
      %reduce_min3A_158 = vector.multi_reduction <minsi>, %select_n3A_156, %reduce_min3A_157 [0] : vector<256x256xi32> to vector<256xi32>
      %broadcast_in_dim3A_159 = vector.shape_cast %reduce_min3A_158 : vector<256xi32> to vector<1x256xi32>
      %slice3A_160 = vector.extract_strided_slice %get3A_36 {offsets = [8, 0], sizes = [1, 256], strides = [1, 1]} : vector<16x256xf32> to vector<1x256xf32>
      %eq3A_161 = vector.broadcast %slice3A_160 : vector<1x256xf32> to vector<256x256xf32>
      %eq3A_162 = arith.cmpf oeq, %get3A_76, %eq3A_161 : vector<256x256xf32>
      %broadcast_in_dim3A_163 = vector.shape_cast %add3A_82 : vector<256x1xi32> to vector<256x1xi32>
      %broadcast_in_dim3A_164 = vector.broadcast %broadcast_in_dim3A_163 : vector<256x1xi32> to vector<256x256xi32>
      %broadcast_in_dim3A_165 = vector.broadcast %while3A_38 : i32 to vector<256x256xi32>
      %select_n3A_166 = arith.select %eq3A_162, %broadcast_in_dim3A_164, %broadcast_in_dim3A_165 : vector<256x256xi1>, vector<256x256xi32>
      %reduce_min3A_167 = arith.constant dense<2147483647> : vector<256xi32>
      %reduce_min3A_168 = vector.multi_reduction <minsi>, %select_n3A_166, %reduce_min3A_167 [0] : vector<256x256xi32> to vector<256xi32>
      %broadcast_in_dim3A_169 = vector.shape_cast %reduce_min3A_168 : vector<256xi32> to vector<1x256xi32>
      %slice3A_170 = vector.extract_strided_slice %get3A_36 {offsets = [9, 0], sizes = [1, 256], strides = [1, 1]} : vector<16x256xf32> to vector<1x256xf32>
      %eq3A_171 = vector.broadcast %slice3A_170 : vector<1x256xf32> to vector<256x256xf32>
      %eq3A_172 = arith.cmpf oeq, %get3A_76, %eq3A_171 : vector<256x256xf32>
      %broadcast_in_dim3A_173 = vector.shape_cast %add3A_82 : vector<256x1xi32> to vector<256x1xi32>
      %broadcast_in_dim3A_174 = vector.broadcast %broadcast_in_dim3A_173 : vector<256x1xi32> to vector<256x256xi32>
      %broadcast_in_dim3A_175 = vector.broadcast %while3A_38 : i32 to vector<256x256xi32>
      %select_n3A_176 = arith.select %eq3A_172, %broadcast_in_dim3A_174, %broadcast_in_dim3A_175 : vector<256x256xi1>, vector<256x256xi32>
      %reduce_min3A_177 = arith.constant dense<2147483647> : vector<256xi32>
      %reduce_min3A_178 = vector.multi_reduction <minsi>, %select_n3A_176, %reduce_min3A_177 [0] : vector<256x256xi32> to vector<256xi32>
      %broadcast_in_dim3A_179 = vector.shape_cast %reduce_min3A_178 : vector<256xi32> to vector<1x256xi32>
      %slice3A_180 = vector.extract_strided_slice %get3A_36 {offsets = [10, 0], sizes = [1, 256], strides = [1, 1]} : vector<16x256xf32> to vector<1x256xf32>
      %eq3A_181 = vector.broadcast %slice3A_180 : vector<1x256xf32> to vector<256x256xf32>
      %eq3A_182 = arith.cmpf oeq, %get3A_76, %eq3A_181 : vector<256x256xf32>
      %broadcast_in_dim3A_183 = vector.shape_cast %add3A_82 : vector<256x1xi32> to vector<256x1xi32>
      %broadcast_in_dim3A_184 = vector.broadcast %broadcast_in_dim3A_183 : vector<256x1xi32> to vector<256x256xi32>
      %broadcast_in_dim3A_185 = vector.broadcast %while3A_38 : i32 to vector<256x256xi32>
      %select_n3A_186 = arith.select %eq3A_182, %broadcast_in_dim3A_184, %broadcast_in_dim3A_185 : vector<256x256xi1>, vector<256x256xi32>
      %reduce_min3A_187 = arith.constant dense<2147483647> : vector<256xi32>
      %reduce_min3A_188 = vector.multi_reduction <minsi>, %select_n3A_186, %reduce_min3A_187 [0] : vector<256x256xi32> to vector<256xi32>
      %broadcast_in_dim3A_189 = vector.shape_cast %reduce_min3A_188 : vector<256xi32> to vector<1x256xi32>
      %slice3A_190 = vector.extract_strided_slice %get3A_36 {offsets = [11, 0], sizes = [1, 256], strides = [1, 1]} : vector<16x256xf32> to vector<1x256xf32>
      %eq3A_191 = vector.broadcast %slice3A_190 : vector<1x256xf32> to vector<256x256xf32>
      %eq3A_192 = arith.cmpf oeq, %get3A_76, %eq3A_191 : vector<256x256xf32>
      %broadcast_in_dim3A_193 = vector.shape_cast %add3A_82 : vector<256x1xi32> to vector<256x1xi32>
      %broadcast_in_dim3A_194 = vector.broadcast %broadcast_in_dim3A_193 : vector<256x1xi32> to vector<256x256xi32>
      %broadcast_in_dim3A_195 = vector.broadcast %while3A_38 : i32 to vector<256x256xi32>
      %select_n3A_196 = arith.select %eq3A_192, %broadcast_in_dim3A_194, %broadcast_in_dim3A_195 : vector<256x256xi1>, vector<256x256xi32>
      %reduce_min3A_197 = arith.constant dense<2147483647> : vector<256xi32>
      %reduce_min3A_198 = vector.multi_reduction <minsi>, %select_n3A_196, %reduce_min3A_197 [0] : vector<256x256xi32> to vector<256xi32>
      %broadcast_in_dim3A_199 = vector.shape_cast %reduce_min3A_198 : vector<256xi32> to vector<1x256xi32>
      %slice3A_200 = vector.extract_strided_slice %get3A_36 {offsets = [12, 0], sizes = [1, 256], strides = [1, 1]} : vector<16x256xf32> to vector<1x256xf32>
      %eq3A_201 = vector.broadcast %slice3A_200 : vector<1x256xf32> to vector<256x256xf32>
      %eq3A_202 = arith.cmpf oeq, %get3A_76, %eq3A_201 : vector<256x256xf32>
      %broadcast_in_dim3A_203 = vector.shape_cast %add3A_82 : vector<256x1xi32> to vector<256x1xi32>
      %broadcast_in_dim3A_204 = vector.broadcast %broadcast_in_dim3A_203 : vector<256x1xi32> to vector<256x256xi32>
      %broadcast_in_dim3A_205 = vector.broadcast %while3A_38 : i32 to vector<256x256xi32>
      %select_n3A_206 = arith.select %eq3A_202, %broadcast_in_dim3A_204, %broadcast_in_dim3A_205 : vector<256x256xi1>, vector<256x256xi32>
      %reduce_min3A_207 = arith.constant dense<2147483647> : vector<256xi32>
      %reduce_min3A_208 = vector.multi_reduction <minsi>, %select_n3A_206, %reduce_min3A_207 [0] : vector<256x256xi32> to vector<256xi32>
      %broadcast_in_dim3A_209 = vector.shape_cast %reduce_min3A_208 : vector<256xi32> to vector<1x256xi32>
      %slice3A_210 = vector.extract_strided_slice %get3A_36 {offsets = [13, 0], sizes = [1, 256], strides = [1, 1]} : vector<16x256xf32> to vector<1x256xf32>
      %eq3A_211 = vector.broadcast %slice3A_210 : vector<1x256xf32> to vector<256x256xf32>
      %eq3A_212 = arith.cmpf oeq, %get3A_76, %eq3A_211 : vector<256x256xf32>
      %broadcast_in_dim3A_213 = vector.shape_cast %add3A_82 : vector<256x1xi32> to vector<256x1xi32>
      %broadcast_in_dim3A_214 = vector.broadcast %broadcast_in_dim3A_213 : vector<256x1xi32> to vector<256x256xi32>
      %broadcast_in_dim3A_215 = vector.broadcast %while3A_38 : i32 to vector<256x256xi32>
      %select_n3A_216 = arith.select %eq3A_212, %broadcast_in_dim3A_214, %broadcast_in_dim3A_215 : vector<256x256xi1>, vector<256x256xi32>
      %reduce_min3A_217 = arith.constant dense<2147483647> : vector<256xi32>
      %reduce_min3A_218 = vector.multi_reduction <minsi>, %select_n3A_216, %reduce_min3A_217 [0] : vector<256x256xi32> to vector<256xi32>
      %broadcast_in_dim3A_219 = vector.shape_cast %reduce_min3A_218 : vector<256xi32> to vector<1x256xi32>
      %slice3A_220 = vector.extract_strided_slice %get3A_36 {offsets = [14, 0], sizes = [1, 256], strides = [1, 1]} : vector<16x256xf32> to vector<1x256xf32>
      %eq3A_221 = vector.broadcast %slice3A_220 : vector<1x256xf32> to vector<256x256xf32>
      %eq3A_222 = arith.cmpf oeq, %get3A_76, %eq3A_221 : vector<256x256xf32>
      %broadcast_in_dim3A_223 = vector.shape_cast %add3A_82 : vector<256x1xi32> to vector<256x1xi32>
      %broadcast_in_dim3A_224 = vector.broadcast %broadcast_in_dim3A_223 : vector<256x1xi32> to vector<256x256xi32>
      %broadcast_in_dim3A_225 = vector.broadcast %while3A_38 : i32 to vector<256x256xi32>
      %select_n3A_226 = arith.select %eq3A_222, %broadcast_in_dim3A_224, %broadcast_in_dim3A_225 : vector<256x256xi1>, vector<256x256xi32>
      %reduce_min3A_227 = arith.constant dense<2147483647> : vector<256xi32>
      %reduce_min3A_228 = vector.multi_reduction <minsi>, %select_n3A_226, %reduce_min3A_227 [0] : vector<256x256xi32> to vector<256xi32>
      %broadcast_in_dim3A_229 = vector.shape_cast %reduce_min3A_228 : vector<256xi32> to vector<1x256xi32>
      %slice3A_230 = vector.extract_strided_slice %get3A_36 {offsets = [15, 0], sizes = [1, 256], strides = [1, 1]} : vector<16x256xf32> to vector<1x256xf32>
      %eq3A_231 = vector.broadcast %slice3A_230 : vector<1x256xf32> to vector<256x256xf32>
      %eq3A_232 = arith.cmpf oeq, %get3A_76, %eq3A_231 : vector<256x256xf32>
      %broadcast_in_dim3A_233 = vector.shape_cast %add3A_82 : vector<256x1xi32> to vector<256x1xi32>
      %broadcast_in_dim3A_234 = vector.broadcast %broadcast_in_dim3A_233 : vector<256x1xi32> to vector<256x256xi32>
      %broadcast_in_dim3A_235 = vector.broadcast %while3A_38 : i32 to vector<256x256xi32>
      %select_n3A_236 = arith.select %eq3A_232, %broadcast_in_dim3A_234, %broadcast_in_dim3A_235 : vector<256x256xi1>, vector<256x256xi32>
      %reduce_min3A_237 = arith.constant dense<2147483647> : vector<256xi32>
      %reduce_min3A_238 = vector.multi_reduction <minsi>, %select_n3A_236, %reduce_min3A_237 [0] : vector<256x256xi32> to vector<256xi32>
      %broadcast_in_dim3A_239 = vector.shape_cast %reduce_min3A_238 : vector<256xi32> to vector<1x256xi32>
      %concatenate3A = tpu.concatenate %broadcast_in_dim3A_89, %broadcast_in_dim3A_99, %broadcast_in_dim3A_109, %broadcast_in_dim3A_119, %broadcast_in_dim3A_129, %broadcast_in_dim3A_139, %broadcast_in_dim3A_149, %broadcast_in_dim3A_159, %broadcast_in_dim3A_169, %broadcast_in_dim3A_179, %broadcast_in_dim3A_189, %broadcast_in_dim3A_199, %broadcast_in_dim3A_209, %broadcast_in_dim3A_219, %broadcast_in_dim3A_229, %broadcast_in_dim3A_239 in 0 : vector<1x256xi32>, vector<1x256xi32>, vector<1x256xi32>, vector<1x256xi32>, vector<1x256xi32>, vector<1x256xi32>, vector<1x256xi32>, vector<1x256xi32>, vector<1x256xi32>, vector<1x256xi32>, vector<1x256xi32>, vector<1x256xi32>, vector<1x256xi32>, vector<1x256xi32>, vector<1x256xi32>, vector<1x256xi32> -> vector<16x256xi32>
      %get3A_240 = arith.constant 0 : index
      %get3A_241 = arith.constant 0 : index
      %get3A_242 = vector.load %arg9[%get3A_240, %get3A_241] : memref<16x256xi32, #tpu.memory_space<vmem>>, vector<16x256xi32>
      %min3A_243 = arith.minsi %get3A_242, %concatenate3A : vector<16x256xi32>
      %swap3A_244 = arith.constant 0 : index
      %swap3A_245 = arith.constant 0 : index
      %swap3A_246 = vector.load %arg9[%swap3A_244, %swap3A_245] : memref<16x256xi32, #tpu.memory_space<vmem>>, vector<16x256xi32>
      tpu.vector_store %arg9[%swap3A_244, %swap3A_245], %min3A_243 {strides = array<i32>} : memref<16x256xi32, #tpu.memory_space<vmem>>, vector<16x256xi32>,
    }
    %get3A_48 = arith.constant 0 : index
    %get3A_49 = arith.constant 0 : index
    %get3A_50 = vector.load %arg9[%get3A_48, %get3A_49] : memref<16x256xi32, #tpu.memory_space<vmem>>, vector<16x256xi32>
    %jit3A = arith.constant 0 : i32
    %jit3A_51 = arith.constant 4095 : i32
    %max3A = vector.broadcast %jit3A : i32 to vector<16x256xi32>
    %max3A_52 = arith.maxsi %max3A, %get3A_50 : vector<16x256xi32>
    %min3A = vector.broadcast %jit3A_51 : i32 to vector<16x256xi32>
    %min3A_53 = arith.minsi %min3A, %max3A_52 : vector<16x256xi32>
    %swap3A_54 = arith.constant 0 : index
    %swap3A_55 = arith.constant 0 : index
    %swap3A_56 = vector.load %arg9[%swap3A_54, %swap3A_55] : memref<16x256xi32, #tpu.memory_space<vmem>>, vector<16x256xi32>
    tpu.vector_store %arg9[%swap3A_54, %swap3A_55], %min3A_53 {strides = array<i32>} : memref<16x256xi32, #tpu.memory_space<vmem>>, vector<16x256xi32>,
    %get3A_57 = arith.constant 0 : index
    %get3A_58 = arith.constant 0 : index
    %get3A_59 = vector.load %arg6[%get3A_57, %get3A_58] : memref<256x1xi32, #tpu.memory_space<vmem>>, vector<256x1xi32>
    %iota3A_60 = tpu.iota {dimensions = array<i32: 1>} : vector<1x128xi32>
    %eq3A = vector.broadcast %get3A_59 : vector<256x1xi32> to vector<256x128xi32>
    %eq3A_61 = vector.broadcast %iota3A_60 : vector<1x128xi32> to vector<256x128xi32>
    %eq3A_62 = arith.cmpi eq, %eq3A, %eq3A_61 : vector<256x128xi32>
    %convert_element_type3A = arith.extui %eq3A_62 : vector<256x128xi1> to vector<256x128xi32>
    %convert_element_type3A_63 = arith.sitofp %convert_element_type3A : vector<256x128xi32> to vector<256x128xf32>
    %get3A_64 = arith.constant 0 : index
    %get3A_65 = arith.constant 0 : index
    %get3A_66 = vector.load %arg7[%get3A_64, %get3A_65] : memref<128x32xf32, #tpu.memory_space<vmem>>, vector<128x32xf32>
    %dot_general3A = arith.constant dense<0.000000e+00> : vector<256x32xf32>
    %dot_general3A_67 = tpu.matmul %convert_element_type3A_63, %get3A_66, %dot_general3A {dimension_numbers = #tpu.dot_dimension_numbers<[1], [0], [0], [1], [0, 0, 1, 1], [], []>, precision = #tpu.contract_precision<fp32>, transpose_lhs_hint = false} : vector<256x128xf32>, vector<128x32xf32>, vector<256x32xf32> -> vector<256x32xf32>
    %swap3A_68 = arith.constant 0 : index
    %swap3A_69 = arith.constant 0 : index
    %swap3A_70 = vector.load %arg10[%swap3A_68, %swap3A_69] : memref<256x32xf32, #tpu.memory_space<vmem>>, vector<256x32xf32>
    tpu.vector_store %arg10[%swap3A_68, %swap3A_69], %dot_general3A_67 {strides = array<i32>} : memref<256x32xf32, #tpu.memory_space<vmem>>, vector<256x32xf32>,
    return
  }
  func.func @transform_0(%arg0: i32, %arg1: memref<2x16xi32, #tpu.memory_space<smem>>) -> (i32, i32) {
    %c0_i32 = arith.constant 0 : i32
    %c0_i32_0 = arith.constant 0 : i32
    %c0_i32_1 = arith.constant 0 : i32
    return %c0_i32, %c0_i32_0 : i32, i32
  }
  func.func @transform_1(%arg0: i32, %arg1: memref<2x16xi32, #tpu.memory_space<smem>>) -> (i32, i32) {
    %c0_i32 = arith.constant 0 : i32
    %c0_i32_0 = arith.constant 0 : i32
    %c0_i32_1 = arith.constant 0 : i32
    return %c0_i32, %c0_i32_0 : i32, i32
  }
  func.func @transform_2(%arg0: i32, %arg1: memref<2x16xi32, #tpu.memory_space<smem>>) -> (i32, i32) {
    %c0_i32 = arith.constant 0 : i32
    %c0_i32_0 = arith.constant 0 : i32
    %c0_i32_1 = arith.constant 0 : i32
    return %c0_i32, %c0_i32_0 : i32, i32
  }
  func.func @transform_3(%arg0: i32, %arg1: memref<2x16xi32, #tpu.memory_space<smem>>) -> (i32, i32) {
    %c0_i32 = arith.constant 0 : i32
    %c0_i32_0 = arith.constant 0 : i32
    %c0_i32_1 = arith.constant 0 : i32
    return %c0_i32, %c0_i32_0 : i32, i32
  }
  func.func @transform_4(%arg0: i32, %arg1: memref<2x16xi32, #tpu.memory_space<smem>>) -> (i32, i32) {
    %c0_i32 = arith.constant 0 : i32
    %c0_i32_0 = arith.constant 0 : i32
    return %arg0, %c0_i32 : i32, i32
  }
  func.func @transform_5(%arg0: i32, %arg1: memref<2x16xi32, #tpu.memory_space<smem>>) -> (i32, i32) {
    %c0_i32 = arith.constant 0 : i32
    %c0_i32_0 = arith.constant 0 : i32
    %c0_i32_1 = arith.constant 0 : i32
    return %c0_i32, %c0_i32_0 : i32, i32
  }
  func.func @transform_6(%arg0: i32, %arg1: memref<2x16xi32, #tpu.memory_space<smem>>) -> (i32, i32) {
    %c0_i32 = arith.constant 0 : i32
    %c0_i32_0 = arith.constant 0 : i32
    return %c0_i32, %arg0 : i32, i32
  }
  func.func @transform_7(%arg0: i32, %arg1: memref<2x16xi32, #tpu.memory_space<smem>>) -> (i32, i32) {
    %c0_i32 = arith.constant 0 : i32
    %c0_i32_0 = arith.constant 0 : i32
    return %c0_i32, %arg0 : i32, i32
  }
  func.func @transform_8(%arg0: i32, %arg1: memref<2x16xi32, #tpu.memory_space<smem>>) -> (i32, i32) {
    %c0_i32 = arith.constant 0 : i32
    %c0_i32_0 = arith.constant 0 : i32
    return %arg0, %c0_i32 : i32, i32
  }
}

module attributes {stable_mosaic.version = 14 : i64} {
  func.func @_geom_kernel(%arg0: memref<4096x16xf32, #tpu.memory_space<vmem>>, %arg1: memref<4096x16xf32, #tpu.memory_space<vmem>>, %arg2: memref<4096x16xf32, #tpu.memory_space<vmem>>) attributes {dimension_semantics = [], scalar_prefetch = 0 : i64, scratch_operands = 0 : i64, tpu.core_type = #tpu.core_type<tc>} {
    %get3A = arith.constant 0 : index
    %get3A_0 = arith.constant 0 : index
    %get3A_1 = vector.load %arg0[%get3A, %get3A_0] : memref<4096x16xf32, #tpu.memory_space<vmem>>, vector<4096x16xf32>
    %add3A = arith.constant 9.99999996E-13 : f32
    %add3A_2 = vector.broadcast %add3A : f32 to vector<4096x16xf32>
    %add3A_3 = arith.addf %get3A_1, %add3A_2 : vector<4096x16xf32>
    %sqrt3A = math.sqrt %add3A_3 : vector<4096x16xf32>
    %min3A = arith.constant 5.000000e+00 : f32
    %min3A_4 = vector.broadcast %min3A : f32 to vector<4096x16xf32>
    %min3A_5 = arith.minimumf %sqrt3A, %min3A_4 : vector<4096x16xf32>
    %mul3A = arith.constant 3.14159274 : f32
    %mul3A_6 = vector.broadcast %mul3A : f32 to vector<4096x16xf32>
    %mul3A_7 = arith.mulf %mul3A_6, %min3A_5 : vector<4096x16xf32>
    %div3A = arith.constant 5.000000e+00 : f32
    %div3A_8 = vector.broadcast %div3A : f32 to vector<4096x16xf32>
    %div3A_9 = arith.divf %mul3A_7, %div3A_8 : vector<4096x16xf32>
    %cos3A = math.cos %div3A_9 : vector<4096x16xf32>
    %add3A_10 = arith.constant 1.000000e+00 : f32
    %add3A_11 = vector.broadcast %add3A_10 : f32 to vector<4096x16xf32>
    %add3A_12 = arith.addf %cos3A, %add3A_11 : vector<4096x16xf32>
    %mul3A_13 = arith.constant 5.000000e-01 : f32
    %mul3A_14 = vector.broadcast %mul3A_13 : f32 to vector<4096x16xf32>
    %mul3A_15 = arith.mulf %mul3A_14, %add3A_12 : vector<4096x16xf32>
    %lt3A = arith.constant 1.000000e+09 : f32
    %lt3A_16 = vector.broadcast %lt3A : f32 to vector<4096x16xf32>
    %lt3A_17 = arith.cmpf olt, %get3A_1, %lt3A_16 : vector<4096x16xf32>
    %convert_element_type3A = arith.extui %lt3A_17 : vector<4096x16xi1> to vector<4096x16xi32>
    %convert_element_type3A_18 = arith.sitofp %convert_element_type3A : vector<4096x16xi32> to vector<4096x16xf32>
    %swap3A = arith.constant 0 : index
    %swap3A_19 = arith.constant 0 : index
    %swap3A_20 = vector.load %arg1[%swap3A, %swap3A_19] : memref<4096x16xf32, #tpu.memory_space<vmem>>, vector<4096x16xf32>
    tpu.vector_store %arg1[%swap3A, %swap3A_19], %sqrt3A {strides = array<i32>} : memref<4096x16xf32, #tpu.memory_space<vmem>>, vector<4096x16xf32>,
    %mul3A_21 = arith.mulf %mul3A_15, %convert_element_type3A_18 : vector<4096x16xf32>
    %swap3A_22 = arith.constant 0 : index
    %swap3A_23 = arith.constant 0 : index
    %swap3A_24 = vector.load %arg2[%swap3A_22, %swap3A_23] : memref<4096x16xf32, #tpu.memory_space<vmem>>, vector<4096x16xf32>
    tpu.vector_store %arg2[%swap3A_22, %swap3A_23], %mul3A_21 {strides = array<i32>} : memref<4096x16xf32, #tpu.memory_space<vmem>>, vector<4096x16xf32>,
    return
  }
}

module attributes {stable_mosaic.version = 14 : i64} {
  func.func @_edge_kernel(%arg0: i32, %arg1: memref<512x16xf32, #tpu.memory_space<vmem>>, %arg2: memref<512x16xf32, #tpu.memory_space<vmem>>, %arg3: memref<16x128xf32, #tpu.memory_space<vmem>>, %arg4: memref<128x512xf32, #tpu.memory_space<vmem>>, %arg5: memref<1x512xf32, #tpu.memory_space<vmem>>, %arg6: memref<512x512xf32, #tpu.memory_space<vmem>>, %arg7: memref<16x512xf32, #tpu.memory_space<vmem>>, %arg8: memref<512x512xf32, #tpu.memory_space<vmem>>) attributes {dimension_semantics = [#tpu.dimension_semantics<arbitrary>], iteration_bounds = array<i64: 8>, scalar_prefetch = 0 : i64, scratch_operands = 0 : i64, tpu.core_type = #tpu.core_type<tc>, window_params = [{transform_indices = @transform_0, window_bounds = array<i64: 512, 16>}, {transform_indices = @transform_1, window_bounds = array<i64: 512, 16>}, {pipeline_mode = #tpu.pipeline_mode<synchronous>, transform_indices = @transform_2, window_bounds = array<i64: 16, 128>}, {pipeline_mode = #tpu.pipeline_mode<synchronous>, transform_indices = @transform_3, window_bounds = array<i64: 128, 512>}, {pipeline_mode = #tpu.pipeline_mode<synchronous>, transform_indices = @transform_4, window_bounds = array<i64: 1, 512>}, {pipeline_mode = #tpu.pipeline_mode<synchronous>, transform_indices = @transform_5, window_bounds = array<i64: 512, 512>}, {pipeline_mode = #tpu.pipeline_mode<synchronous>, transform_indices = @transform_6, window_bounds = array<i64: 16, 512>}, {transform_indices = @transform_7, window_bounds = array<i64: 512, 512>}]} {
    %get3A = arith.constant 0 : index
    %get3A_0 = arith.constant 0 : index
    %get3A_1 = vector.load %arg1[%get3A, %get3A_0] : memref<512x16xf32, #tpu.memory_space<vmem>>, vector<512x16xf32>
    %get3A_2 = arith.constant 0 : index
    %get3A_3 = arith.constant 0 : index
    %get3A_4 = vector.load %arg3[%get3A_2, %get3A_3] : memref<16x128xf32, #tpu.memory_space<vmem>>, vector<16x128xf32>
    %dot_general3A = arith.constant dense<0.000000e+00> : vector<512x128xf32>
    %dot_general3A_5 = tpu.matmul %get3A_1, %get3A_4, %dot_general3A {dimension_numbers = #tpu.dot_dimension_numbers<[1], [0], [0], [1], [0, 0, 1, 1], [], []>, precision = #tpu.contract_precision<fp32>, transpose_lhs_hint = false} : vector<512x16xf32>, vector<16x128xf32>, vector<512x128xf32> -> vector<512x128xf32>
    %iota3A = tpu.iota {dimensions = array<i32: 1>} : vector<1x128xi32>
    %and3A = arith.constant 7 : i32
    %and3A_6 = vector.broadcast %and3A : i32 to vector<1x128xi32>
    %and3A_7 = arith.andi %iota3A, %and3A_6 : vector<1x128xi32>
    %convert_element_type3A = arith.sitofp %and3A_7 : vector<1x128xi32> to vector<1x128xf32>
    %mul3A = arith.constant 0.714285731 : f32
    %mul3A_8 = vector.broadcast %mul3A : f32 to vector<1x128xf32>
    %mul3A_9 = arith.mulf %mul3A_8, %convert_element_type3A : vector<1x128xf32>
    %sub3A = vector.broadcast %mul3A_9 : vector<1x128xf32> to vector<512x128xf32>
    %sub3A_10 = arith.subf %dot_general3A_5, %sub3A : vector<512x128xf32>
    %integer_pow3A = arith.mulf %sub3A_10, %sub3A_10 : vector<512x128xf32>
    %mul3A_11 = arith.constant -1.000000e+01 : f32
    %mul3A_12 = vector.broadcast %mul3A_11 : f32 to vector<512x128xf32>
    %mul3A_13 = arith.mulf %mul3A_12, %integer_pow3A : vector<512x128xf32>
    %exp3A = math.exp %mul3A_13 : vector<512x128xf32>
    %get3A_14 = arith.constant 0 : index
    %get3A_15 = arith.constant 0 : index
    %get3A_16 = vector.load %arg4[%get3A_14, %get3A_15] : memref<128x512xf32, #tpu.memory_space<vmem>>, vector<128x512xf32>
    %dot_general3A_17 = arith.constant dense<0.000000e+00> : vector<512x512xf32>
    %dot_general3A_18 = tpu.matmul %exp3A, %get3A_16, %dot_general3A_17 {dimension_numbers = #tpu.dot_dimension_numbers<[1], [0], [0], [1], [0, 0, 1, 1], [], []>, transpose_lhs_hint = false} : vector<512x128xf32>, vector<128x512xf32>, vector<512x512xf32> -> vector<512x512xf32>
    %get3A_19 = arith.constant 0 : index
    %get3A_20 = arith.constant 0 : index
    %get3A_21 = vector.load %arg5[%get3A_19, %get3A_20] : memref<1x512xf32, #tpu.memory_space<vmem>>, vector<1x512xf32>
    %add3A = vector.broadcast %get3A_21 : vector<1x512xf32> to vector<512x512xf32>
    %add3A_22 = arith.addf %dot_general3A_18, %add3A : vector<512x512xf32>
    %logistic3A = arith.negf %add3A_22 : vector<512x512xf32>
    %logistic3A_23 = math.exp %logistic3A : vector<512x512xf32>
    %logistic3A_24 = arith.constant 1.000000e+00 : f32
    %logistic3A_25 = vector.broadcast %logistic3A_24 : f32 to vector<512x512xf32>
    %logistic3A_26 = arith.addf %logistic3A_25, %logistic3A_23 : vector<512x512xf32>
    %logistic3A_27 = arith.divf %logistic3A_25, %logistic3A_26 : vector<512x512xf32>
    %mul3A_28 = arith.mulf %add3A_22, %logistic3A_27 : vector<512x512xf32>
    %get3A_29 = arith.constant 0 : index
    %get3A_30 = arith.constant 0 : index
    %get3A_31 = vector.load %arg6[%get3A_29, %get3A_30] : memref<512x512xf32, #tpu.memory_space<vmem>>, vector<512x512xf32>
    %dot_general3A_32 = arith.constant dense<0.000000e+00> : vector<512x512xf32>
    %dot_general3A_33 = tpu.matmul %mul3A_28, %get3A_31, %dot_general3A_32 {dimension_numbers = #tpu.dot_dimension_numbers<[1], [0], [0], [1], [0, 0, 1, 1], [], []>, transpose_lhs_hint = false} : vector<512x512xf32>, vector<512x512xf32>, vector<512x512xf32> -> vector<512x512xf32>
    %get3A_34 = arith.constant 0 : index
    %get3A_35 = arith.constant 0 : index
    %get3A_36 = vector.load %arg2[%get3A_34, %get3A_35] : memref<512x16xf32, #tpu.memory_space<vmem>>, vector<512x16xf32>
    %get3A_37 = arith.constant 0 : index
    %get3A_38 = arith.constant 0 : index
    %get3A_39 = vector.load %arg7[%get3A_37, %get3A_38] : memref<16x512xf32, #tpu.memory_space<vmem>>, vector<16x512xf32>
    %dot_general3A_40 = arith.constant dense<0.000000e+00> : vector<512x512xf32>
    %dot_general3A_41 = tpu.matmul %get3A_36, %get3A_39, %dot_general3A_40 {dimension_numbers = #tpu.dot_dimension_numbers<[1], [0], [0], [1], [0, 0, 1, 1], [], []>, precision = #tpu.contract_precision<fp32>, transpose_lhs_hint = false} : vector<512x16xf32>, vector<16x512xf32>, vector<512x512xf32> -> vector<512x512xf32>
    %mul3A_42 = arith.mulf %dot_general3A_33, %dot_general3A_41 : vector<512x512xf32>
    %swap3A = arith.constant 0 : index
    %swap3A_43 = arith.constant 0 : index
    %swap3A_44 = vector.load %arg8[%swap3A, %swap3A_43] : memref<512x512xf32, #tpu.memory_space<vmem>>, vector<512x512xf32>
    tpu.vector_store %arg8[%swap3A, %swap3A_43], %mul3A_42 {strides = array<i32>} : memref<512x512xf32, #tpu.memory_space<vmem>>, vector<512x512xf32>,
    return
  }
  func.func @transform_0(%arg0: i32) -> (i32, i32) {
    %c0_i32 = arith.constant 0 : i32
    %c0_i32_0 = arith.constant 0 : i32
    return %arg0, %c0_i32 : i32, i32
  }
  func.func @transform_1(%arg0: i32) -> (i32, i32) {
    %c0_i32 = arith.constant 0 : i32
    %c0_i32_0 = arith.constant 0 : i32
    return %arg0, %c0_i32 : i32, i32
  }
  func.func @transform_2(%arg0: i32) -> (i32, i32) {
    %c0_i32 = arith.constant 0 : i32
    %c0_i32_0 = arith.constant 0 : i32
    %c0_i32_1 = arith.constant 0 : i32
    return %c0_i32, %c0_i32_0 : i32, i32
  }
  func.func @transform_3(%arg0: i32) -> (i32, i32) {
    %c0_i32 = arith.constant 0 : i32
    %c0_i32_0 = arith.constant 0 : i32
    %c0_i32_1 = arith.constant 0 : i32
    return %c0_i32, %c0_i32_0 : i32, i32
  }
  func.func @transform_4(%arg0: i32) -> (i32, i32) {
    %c0_i32 = arith.constant 0 : i32
    %c0_i32_0 = arith.constant 0 : i32
    %c0_i32_1 = arith.constant 0 : i32
    return %c0_i32, %c0_i32_0 : i32, i32
  }
  func.func @transform_5(%arg0: i32) -> (i32, i32) {
    %c0_i32 = arith.constant 0 : i32
    %c0_i32_0 = arith.constant 0 : i32
    %c0_i32_1 = arith.constant 0 : i32
    return %c0_i32, %c0_i32_0 : i32, i32
  }
  func.func @transform_6(%arg0: i32) -> (i32, i32) {
    %c0_i32 = arith.constant 0 : i32
    %c0_i32_0 = arith.constant 0 : i32
    %c0_i32_1 = arith.constant 0 : i32
    return %c0_i32, %c0_i32_0 : i32, i32
  }
  func.func @transform_7(%arg0: i32) -> (i32, i32) {
    %c0_i32 = arith.constant 0 : i32
    %c0_i32_0 = arith.constant 0 : i32
    return %arg0, %c0_i32 : i32, i32
  }
}

module attributes {stable_mosaic.version = 14 : i64} {
  func.func @_interact_kernel(%arg0: i32, %arg1: memref<128x512xf32, #tpu.memory_space<vmem>>, %arg2: memref<128x512xf32, #tpu.memory_space<vmem>>, %arg3: memref<128x32xf32, #tpu.memory_space<vmem>>, %arg4: memref<512x32xf32, #tpu.memory_space<vmem>>, %arg5: memref<32x32xf32, #tpu.memory_space<vmem>>, %arg6: memref<32x32xf32, #tpu.memory_space<vmem>>, %arg7: memref<128x32xf32, #tpu.memory_space<vmem>>) attributes {dimension_semantics = [#tpu.dimension_semantics<arbitrary>], iteration_bounds = array<i64: 32>, scalar_prefetch = 0 : i64, scratch_operands = 0 : i64, tpu.core_type = #tpu.core_type<tc>, window_params = [{transform_indices = @transform_0, window_bounds = array<i64: 128, 512>}, {transform_indices = @transform_1, window_bounds = array<i64: 128, 512>}, {transform_indices = @transform_2, window_bounds = array<i64: 128, 32>}, {pipeline_mode = #tpu.pipeline_mode<synchronous>, transform_indices = @transform_3, window_bounds = array<i64: 512, 32>}, {pipeline_mode = #tpu.pipeline_mode<synchronous>, transform_indices = @transform_4, window_bounds = array<i64: 32, 32>}, {pipeline_mode = #tpu.pipeline_mode<synchronous>, transform_indices = @transform_5, window_bounds = array<i64: 32, 32>}, {transform_indices = @transform_6, window_bounds = array<i64: 128, 32>}]} {
    %get3A = arith.constant 0 : index
    %get3A_0 = arith.constant 0 : index
    %get3A_1 = vector.load %arg1[%get3A, %get3A_0] : memref<128x512xf32, #tpu.memory_space<vmem>>, vector<128x512xf32>
    %get3A_2 = arith.constant 0 : index
    %get3A_3 = arith.constant 0 : index
    %get3A_4 = vector.load %arg2[%get3A_2, %get3A_3] : memref<128x512xf32, #tpu.memory_space<vmem>>, vector<128x512xf32>
    %mul3A = arith.mulf %get3A_1, %get3A_4 : vector<128x512xf32>
    %get3A_5 = arith.constant 0 : index
    %get3A_6 = arith.constant 0 : index
    %get3A_7 = vector.load %arg4[%get3A_5, %get3A_6] : memref<512x32xf32, #tpu.memory_space<vmem>>, vector<512x32xf32>
    %dot_general3A = arith.constant dense<0.000000e+00> : vector<128x32xf32>
    %dot_general3A_8 = tpu.matmul %mul3A, %get3A_7, %dot_general3A {dimension_numbers = #tpu.dot_dimension_numbers<[1], [0], [0], [1], [0, 0, 1, 1], [], []>, precision = #tpu.contract_precision<fp32>, transpose_lhs_hint = false} : vector<128x512xf32>, vector<512x32xf32>, vector<128x32xf32> -> vector<128x32xf32>
    %get3A_9 = arith.constant 0 : index
    %get3A_10 = arith.constant 0 : index
    %get3A_11 = vector.load %arg3[%get3A_9, %get3A_10] : memref<128x32xf32, #tpu.memory_space<vmem>>, vector<128x32xf32>
    %get3A_12 = arith.constant 0 : index
    %get3A_13 = arith.constant 0 : index
    %get3A_14 = vector.load %arg5[%get3A_12, %get3A_13] : memref<32x32xf32, #tpu.memory_space<vmem>>, vector<32x32xf32>
    %dot_general3A_15 = arith.constant dense<0.000000e+00> : vector<128x32xf32>
    %dot_general3A_16 = tpu.matmul %get3A_11, %get3A_14, %dot_general3A_15 {dimension_numbers = #tpu.dot_dimension_numbers<[1], [0], [0], [1], [0, 0, 1, 1], [], []>, transpose_lhs_hint = false} : vector<128x32xf32>, vector<32x32xf32>, vector<128x32xf32> -> vector<128x32xf32>
    %get3A_17 = arith.constant 0 : index
    %get3A_18 = arith.constant 0 : index
    %get3A_19 = vector.load %arg6[%get3A_17, %get3A_18] : memref<32x32xf32, #tpu.memory_space<vmem>>, vector<32x32xf32>
    %dot_general3A_20 = arith.constant dense<0.000000e+00> : vector<128x32xf32>
    %dot_general3A_21 = tpu.matmul %dot_general3A_8, %get3A_19, %dot_general3A_20 {dimension_numbers = #tpu.dot_dimension_numbers<[1], [0], [0], [1], [0, 0, 1, 1], [], []>, transpose_lhs_hint = false} : vector<128x32xf32>, vector<32x32xf32>, vector<128x32xf32> -> vector<128x32xf32>
    %add3A = arith.addf %dot_general3A_16, %dot_general3A_21 : vector<128x32xf32>
    %logistic3A = arith.negf %add3A : vector<128x32xf32>
    %logistic3A_22 = math.exp %logistic3A : vector<128x32xf32>
    %logistic3A_23 = arith.constant 1.000000e+00 : f32
    %logistic3A_24 = vector.broadcast %logistic3A_23 : f32 to vector<128x32xf32>
    %logistic3A_25 = arith.addf %logistic3A_24, %logistic3A_22 : vector<128x32xf32>
    %logistic3A_26 = arith.divf %logistic3A_24, %logistic3A_25 : vector<128x32xf32>
    %mul3A_27 = arith.mulf %add3A, %logistic3A_26 : vector<128x32xf32>
    %swap3A = arith.constant 0 : index
    %swap3A_28 = arith.constant 0 : index
    %swap3A_29 = vector.load %arg7[%swap3A, %swap3A_28] : memref<128x32xf32, #tpu.memory_space<vmem>>, vector<128x32xf32>
    tpu.vector_store %arg7[%swap3A, %swap3A_28], %mul3A_27 {strides = array<i32>} : memref<128x32xf32, #tpu.memory_space<vmem>>, vector<128x32xf32>,
    return
  }
  func.func @transform_0(%arg0: i32) -> (i32, i32) {
    %c0_i32 = arith.constant 0 : i32
    %c0_i32_0 = arith.constant 0 : i32
    return %arg0, %c0_i32 : i32, i32
  }
  func.func @transform_1(%arg0: i32) -> (i32, i32) {
    %c0_i32 = arith.constant 0 : i32
    %c0_i32_0 = arith.constant 0 : i32
    return %arg0, %c0_i32 : i32, i32
  }
  func.func @transform_2(%arg0: i32) -> (i32, i32) {
    %c0_i32 = arith.constant 0 : i32
    %c0_i32_0 = arith.constant 0 : i32
    return %arg0, %c0_i32 : i32, i32
  }
  func.func @transform_3(%arg0: i32) -> (i32, i32) {
    %c0_i32 = arith.constant 0 : i32
    %c0_i32_0 = arith.constant 0 : i32
    %c0_i32_1 = arith.constant 0 : i32
    return %c0_i32, %c0_i32_0 : i32, i32
  }
  func.func @transform_4(%arg0: i32) -> (i32, i32) {
    %c0_i32 = arith.constant 0 : i32
    %c0_i32_0 = arith.constant 0 : i32
    %c0_i32_1 = arith.constant 0 : i32
    return %c0_i32, %c0_i32_0 : i32, i32
  }
  func.func @transform_5(%arg0: i32) -> (i32, i32) {
    %c0_i32 = arith.constant 0 : i32
    %c0_i32_0 = arith.constant 0 : i32
    %c0_i32_1 = arith.constant 0 : i32
    return %c0_i32, %c0_i32_0 : i32, i32
  }
  func.func @transform_6(%arg0: i32) -> (i32, i32) {
    %c0_i32 = arith.constant 0 : i32
    %c0_i32_0 = arith.constant 0 : i32
    return %arg0, %c0_i32 : i32, i32
  }
}

module attributes {stable_mosaic.version = 14 : i64} {
  func.func @_final_kernel(%arg0: i32, %arg1: memref<128x512xf32, #tpu.memory_space<vmem>>, %arg2: memref<128x512xf32, #tpu.memory_space<vmem>>, %arg3: memref<128x32xf32, #tpu.memory_space<vmem>>, %arg4: memref<512x32xf32, #tpu.memory_space<vmem>>, %arg5: memref<32x32xf32, #tpu.memory_space<vmem>>, %arg6: memref<32x32xf32, #tpu.memory_space<vmem>>, %arg7: memref<32x32xf32, #tpu.memory_space<vmem>>, %arg8: memref<32x1xf32, #tpu.memory_space<vmem>>, %arg9: memref<128x1xi32, #tpu.memory_space<vmem>>, %arg10: memref<128x1xf32, #tpu.memory_space<vmem>>, %arg11: memref<128x1xi32, #tpu.memory_space<vmem>>, %arg12: memref<1x128xf32, #tpu.memory_space<vmem>>) attributes {dimension_semantics = [#tpu.dimension_semantics<arbitrary>], iteration_bounds = array<i64: 32>, scalar_prefetch = 0 : i64, scratch_operands = 0 : i64, tpu.core_type = #tpu.core_type<tc>, window_params = [{transform_indices = @transform_0, window_bounds = array<i64: 128, 512>}, {transform_indices = @transform_1, window_bounds = array<i64: 128, 512>}, {transform_indices = @transform_2, window_bounds = array<i64: 128, 32>}, {pipeline_mode = #tpu.pipeline_mode<synchronous>, transform_indices = @transform_3, window_bounds = array<i64: 512, 32>}, {pipeline_mode = #tpu.pipeline_mode<synchronous>, transform_indices = @transform_4, window_bounds = array<i64: 32, 32>}, {pipeline_mode = #tpu.pipeline_mode<synchronous>, transform_indices = @transform_5, window_bounds = array<i64: 32, 32>}, {pipeline_mode = #tpu.pipeline_mode<synchronous>, transform_indices = @transform_6, window_bounds = array<i64: 32, 32>}, {pipeline_mode = #tpu.pipeline_mode<synchronous>, transform_indices = @transform_7, window_bounds = array<i64: 32, 1>}, {transform_indices = @transform_8, window_bounds = array<i64: 128, 1>}, {pipeline_mode = #tpu.pipeline_mode<synchronous>, transform_indices = @transform_9, window_bounds = array<i64: 128, 1>}, {transform_indices = @transform_10, window_bounds = array<i64: 128, 1>}, {pipeline_mode = #tpu.pipeline_mode<synchronous>, transform_indices = @transform_11, window_bounds = array<i64: 1, 128>}]} {
    %get3A = arith.constant 0 : index
    %get3A_0 = arith.constant 0 : index
    %get3A_1 = vector.load %arg1[%get3A, %get3A_0] : memref<128x512xf32, #tpu.memory_space<vmem>>, vector<128x512xf32>
    %get3A_2 = arith.constant 0 : index
    %get3A_3 = arith.constant 0 : index
    %get3A_4 = vector.load %arg2[%get3A_2, %get3A_3] : memref<128x512xf32, #tpu.memory_space<vmem>>, vector<128x512xf32>
    %mul3A = arith.mulf %get3A_1, %get3A_4 : vector<128x512xf32>
    %get3A_5 = arith.constant 0 : index
    %get3A_6 = arith.constant 0 : index
    %get3A_7 = vector.load %arg4[%get3A_5, %get3A_6] : memref<512x32xf32, #tpu.memory_space<vmem>>, vector<512x32xf32>
    %dot_general3A = arith.constant dense<0.000000e+00> : vector<128x32xf32>
    %dot_general3A_8 = tpu.matmul %mul3A, %get3A_7, %dot_general3A {dimension_numbers = #tpu.dot_dimension_numbers<[1], [0], [0], [1], [0, 0, 1, 1], [], []>, precision = #tpu.contract_precision<fp32>, transpose_lhs_hint = false} : vector<128x512xf32>, vector<512x32xf32>, vector<128x32xf32> -> vector<128x32xf32>
    %get3A_9 = arith.constant 0 : index
    %get3A_10 = arith.constant 0 : index
    %get3A_11 = vector.load %arg3[%get3A_9, %get3A_10] : memref<128x32xf32, #tpu.memory_space<vmem>>, vector<128x32xf32>
    %get3A_12 = arith.constant 0 : index
    %get3A_13 = arith.constant 0 : index
    %get3A_14 = vector.load %arg5[%get3A_12, %get3A_13] : memref<32x32xf32, #tpu.memory_space<vmem>>, vector<32x32xf32>
    %dot_general3A_15 = arith.constant dense<0.000000e+00> : vector<128x32xf32>
    %dot_general3A_16 = tpu.matmul %get3A_11, %get3A_14, %dot_general3A_15 {dimension_numbers = #tpu.dot_dimension_numbers<[1], [0], [0], [1], [0, 0, 1, 1], [], []>, transpose_lhs_hint = false} : vector<128x32xf32>, vector<32x32xf32>, vector<128x32xf32> -> vector<128x32xf32>
    %get3A_17 = arith.constant 0 : index
    %get3A_18 = arith.constant 0 : index
    %get3A_19 = vector.load %arg6[%get3A_17, %get3A_18] : memref<32x32xf32, #tpu.memory_space<vmem>>, vector<32x32xf32>
    %dot_general3A_20 = arith.constant dense<0.000000e+00> : vector<128x32xf32>
    %dot_general3A_21 = tpu.matmul %dot_general3A_8, %get3A_19, %dot_general3A_20 {dimension_numbers = #tpu.dot_dimension_numbers<[1], [0], [0], [1], [0, 0, 1, 1], [], []>, transpose_lhs_hint = false} : vector<128x32xf32>, vector<32x32xf32>, vector<128x32xf32> -> vector<128x32xf32>
    %add3A = arith.addf %dot_general3A_16, %dot_general3A_21 : vector<128x32xf32>
    %logistic3A = arith.negf %add3A : vector<128x32xf32>
    %logistic3A_22 = math.exp %logistic3A : vector<128x32xf32>
    %logistic3A_23 = arith.constant 1.000000e+00 : f32
    %logistic3A_24 = vector.broadcast %logistic3A_23 : f32 to vector<128x32xf32>
    %logistic3A_25 = arith.addf %logistic3A_24, %logistic3A_22 : vector<128x32xf32>
    %logistic3A_26 = arith.divf %logistic3A_24, %logistic3A_25 : vector<128x32xf32>
    %mul3A_27 = arith.mulf %add3A, %logistic3A_26 : vector<128x32xf32>
    %get3A_28 = arith.constant 0 : index
    %get3A_29 = arith.constant 0 : index
    %get3A_30 = vector.load %arg7[%get3A_28, %get3A_29] : memref<32x32xf32, #tpu.memory_space<vmem>>, vector<32x32xf32>
    %dot_general3A_31 = arith.constant dense<0.000000e+00> : vector<128x32xf32>
    %dot_general3A_32 = tpu.matmul %mul3A_27, %get3A_30, %dot_general3A_31 {dimension_numbers = #tpu.dot_dimension_numbers<[1], [0], [0], [1], [0, 0, 1, 1], [], []>, transpose_lhs_hint = false} : vector<128x32xf32>, vector<32x32xf32>, vector<128x32xf32> -> vector<128x32xf32>
    %logistic3A_33 = arith.negf %dot_general3A_32 : vector<128x32xf32>
    %logistic3A_34 = math.exp %logistic3A_33 : vector<128x32xf32>
    %logistic3A_35 = arith.constant 1.000000e+00 : f32
    %logistic3A_36 = vector.broadcast %logistic3A_35 : f32 to vector<128x32xf32>
    %logistic3A_37 = arith.addf %logistic3A_36, %logistic3A_34 : vector<128x32xf32>
    %logistic3A_38 = arith.divf %logistic3A_36, %logistic3A_37 : vector<128x32xf32>
    %mul3A_39 = arith.mulf %dot_general3A_32, %logistic3A_38 : vector<128x32xf32>
    %get3A_40 = arith.constant 0 : index
    %get3A_41 = arith.constant 0 : index
    %get3A_42 = vector.load %arg8[%get3A_40, %get3A_41] : memref<32x1xf32, #tpu.memory_space<vmem>>, vector<32x1xf32>
    %dot_general3A_43 = arith.constant dense<0.000000e+00> : vector<128x1xf32>
    %dot_general3A_44 = tpu.matmul %mul3A_39, %get3A_42, %dot_general3A_43 {dimension_numbers = #tpu.dot_dimension_numbers<[1], [0], [0], [1], [0, 0, 1, 1], [], []>, transpose_lhs_hint = false} : vector<128x32xf32>, vector<32x1xf32>, vector<128x1xf32> -> vector<128x1xf32>
    %get3A_45 = arith.constant 0 : index
    %get3A_46 = arith.constant 0 : index
    %get3A_47 = vector.load %arg9[%get3A_45, %get3A_46] : memref<128x1xi32, #tpu.memory_space<vmem>>, vector<128x1xi32>
    %iota3A = tpu.iota {dimensions = array<i32: 1>} : vector<1x128xi32>
    %eq3A = vector.broadcast %get3A_47 : vector<128x1xi32> to vector<128x128xi32>
    %eq3A_48 = vector.broadcast %iota3A : vector<1x128xi32> to vector<128x128xi32>
    %eq3A_49 = arith.cmpi eq, %eq3A, %eq3A_48 : vector<128x128xi32>
    %convert_element_type3A = arith.extui %eq3A_49 : vector<128x128xi1> to vector<128x128xi32>
    %convert_element_type3A_50 = arith.sitofp %convert_element_type3A : vector<128x128xi32> to vector<128x128xf32>
    %get3A_51 = arith.constant 0 : index
    %get3A_52 = arith.constant 0 : index
    %get3A_53 = vector.load %arg10[%get3A_51, %get3A_52] : memref<128x1xf32, #tpu.memory_space<vmem>>, vector<128x1xf32>
    %dot_general3A_54 = arith.constant dense<0.000000e+00> : vector<128x1xf32>
    %dot_general3A_55 = tpu.matmul %convert_element_type3A_50, %get3A_53, %dot_general3A_54 {dimension_numbers = #tpu.dot_dimension_numbers<[1], [0], [0], [1], [0, 0, 1, 1], [], []>, precision = #tpu.contract_precision<fp32>, transpose_lhs_hint = false} : vector<128x128xf32>, vector<128x1xf32>, vector<128x1xf32> -> vector<128x1xf32>
    %add3A_56 = arith.addf %dot_general3A_44, %dot_general3A_55 : vector<128x1xf32>
    %get3A_57 = arith.constant 0 : index
    %get3A_58 = arith.constant 0 : index
    %get3A_59 = vector.load %arg11[%get3A_57, %get3A_58] : memref<128x1xi32, #tpu.memory_space<vmem>>, vector<128x1xi32>
    %iota3A_60 = tpu.iota {dimensions = array<i32: 1>} : vector<1x128xi32>
    %eq3A_61 = vector.broadcast %get3A_59 : vector<128x1xi32> to vector<128x128xi32>
    %eq3A_62 = vector.broadcast %iota3A_60 : vector<1x128xi32> to vector<128x128xi32>
    %eq3A_63 = arith.cmpi eq, %eq3A_61, %eq3A_62 : vector<128x128xi32>
    %convert_element_type3A_64 = arith.extui %eq3A_63 : vector<128x128xi1> to vector<128x128xi32>
    %convert_element_type3A_65 = arith.sitofp %convert_element_type3A_64 : vector<128x128xi32> to vector<128x128xf32>
    %mul3A_66 = vector.broadcast %add3A_56 : vector<128x1xf32> to vector<128x128xf32>
    %mul3A_67 = arith.mulf %convert_element_type3A_65, %mul3A_66 : vector<128x128xf32>
    %reduce_sum3A = arith.constant dense<0.000000e+00> : vector<128xf32>
    %reduce_sum3A_68 = vector.multi_reduction <add>, %mul3A_67, %reduce_sum3A [0] : vector<128x128xf32> to vector<128xf32>
    %broadcast_in_dim3A = vector.shape_cast %reduce_sum3A_68 : vector<128xf32> to vector<1x128xf32>
    %eq3A_69 = arith.constant 0 : i32
    %eq3A_70 = arith.cmpi eq, %arg0, %eq3A_69 : i32
    %convert_element_type3A_71 = arith.extui %eq3A_70 : i1 to i32
    %cond3A = arith.constant 0 : i32
    %cond3A_72 = arith.cmpi ne, %convert_element_type3A_71, %cond3A : i32
    scf.if %cond3A_72 {
      %broadcast_in_dim3A_79 = arith.constant 0.000000e+00 : f32
      %broadcast_in_dim3A_80 = vector.broadcast %broadcast_in_dim3A_79 : f32 to vector<1x128xf32>
      %swap3A_81 = arith.constant 0 : index
      %swap3A_82 = arith.constant 0 : index
      %swap3A_83 = vector.load %arg12[%swap3A_81, %swap3A_82] : memref<1x128xf32, #tpu.memory_space<vmem>>, vector<1x128xf32>
      tpu.vector_store %arg12[%swap3A_81, %swap3A_82], %broadcast_in_dim3A_80 {strides = array<i32>} : memref<1x128xf32, #tpu.memory_space<vmem>>, vector<1x128xf32>,
    } else {
    }
    %get3A_73 = arith.constant 0 : index
    %get3A_74 = arith.constant 0 : index
    %get3A_75 = vector.load %arg12[%get3A_73, %get3A_74] : memref<1x128xf32, #tpu.memory_space<vmem>>, vector<1x128xf32>
    %add3A_76 = arith.addf %get3A_75, %broadcast_in_dim3A : vector<1x128xf32>
    %swap3A = arith.constant 0 : index
    %swap3A_77 = arith.constant 0 : index
    %swap3A_78 = vector.load %arg12[%swap3A, %swap3A_77] : memref<1x128xf32, #tpu.memory_space<vmem>>, vector<1x128xf32>
    tpu.vector_store %arg12[%swap3A, %swap3A_77], %add3A_76 {strides = array<i32>} : memref<1x128xf32, #tpu.memory_space<vmem>>, vector<1x128xf32>,
    return
  }
  func.func @transform_0(%arg0: i32) -> (i32, i32) {
    %c0_i32 = arith.constant 0 : i32
    %c0_i32_0 = arith.constant 0 : i32
    return %arg0, %c0_i32 : i32, i32
  }
  func.func @transform_1(%arg0: i32) -> (i32, i32) {
    %c0_i32 = arith.constant 0 : i32
    %c0_i32_0 = arith.constant 0 : i32
    return %arg0, %c0_i32 : i32, i32
  }
  func.func @transform_2(%arg0: i32) -> (i32, i32) {
    %c0_i32 = arith.constant 0 : i32
    %c0_i32_0 = arith.constant 0 : i32
    return %arg0, %c0_i32 : i32, i32
  }
  func.func @transform_3(%arg0: i32) -> (i32, i32) {
    %c0_i32 = arith.constant 0 : i32
    %c0_i32_0 = arith.constant 0 : i32
    %c0_i32_1 = arith.constant 0 : i32
    return %c0_i32, %c0_i32_0 : i32, i32
  }
  func.func @transform_4(%arg0: i32) -> (i32, i32) {
    %c0_i32 = arith.constant 0 : i32
    %c0_i32_0 = arith.constant 0 : i32
    %c0_i32_1 = arith.constant 0 : i32
    return %c0_i32, %c0_i32_0 : i32, i32
  }
  func.func @transform_5(%arg0: i32) -> (i32, i32) {
    %c0_i32 = arith.constant 0 : i32
    %c0_i32_0 = arith.constant 0 : i32
    %c0_i32_1 = arith.constant 0 : i32
    return %c0_i32, %c0_i32_0 : i32, i32
  }
  func.func @transform_6(%arg0: i32) -> (i32, i32) {
    %c0_i32 = arith.constant 0 : i32
    %c0_i32_0 = arith.constant 0 : i32
    %c0_i32_1 = arith.constant 0 : i32
    return %c0_i32, %c0_i32_0 : i32, i32
  }
  func.func @transform_7(%arg0: i32) -> (i32, i32) {
    %c0_i32 = arith.constant 0 : i32
    %c0_i32_0 = arith.constant 0 : i32
    %c0_i32_1 = arith.constant 0 : i32
    return %c0_i32, %c0_i32_0 : i32, i32
  }
  func.func @transform_8(%arg0: i32) -> (i32, i32) {
    %c0_i32 = arith.constant 0 : i32
    %c0_i32_0 = arith.constant 0 : i32
    return %arg0, %c0_i32 : i32, i32
  }
  func.func @transform_9(%arg0: i32) -> (i32, i32) {
    %c0_i32 = arith.constant 0 : i32
    %c0_i32_0 = arith.constant 0 : i32
    %c0_i32_1 = arith.constant 0 : i32
    return %c0_i32, %c0_i32_0 : i32, i32
  }
  func.func @transform_10(%arg0: i32) -> (i32, i32) {
    %c0_i32 = arith.constant 0 : i32
    %c0_i32_0 = arith.constant 0 : i32
    return %arg0, %c0_i32 : i32, i32
  }
  func.func @transform_11(%arg0: i32) -> (i32, i32) {
    %c0_i32 = arith.constant 0 : i32
    %c0_i32_0 = arith.constant 0 : i32
    %c0_i32_1 = arith.constant 0 : i32
    return %c0_i32, %c0_i32_0 : i32, i32
  }
}

</mosaic_0001>

<sc_bundles>
// kernel: kernel.12.cloned.1.call-start
scs
__scs_entry_jumppad:
0x0: {  	(pc) =	sbr.rel $0x88, $3  }
0x1: {  	(tag) =	ssettag $0x0;
	lr =	simm.s32 $0x1  }
0x2: {  	[smem:$0x3F95] =	sst lr;
	_ =	strace $0xD0000000  }
0x3: {  	_ = 	snop  }
0x4: {  	_ = 	snop  }
0x5: {  	_ = 	snop  }
0x6: {  	_ = 	snop  }
0x7: {  	_ = 	snop  }
__scs_overlays_trampoline_lowered:
0x8: {  	[smem:$0x3FA4] =	sst s0  }
0x9: {  	[smem:$0x3FA5] =	sst s1  }
0xa: {  	[smem:$0x3FA6] =	sst s2  }
0xb: {  	[smem:$0x3FA7] =	sst s3  }
0xc: {  	[smem:$0x3FA8] =	sst s4  }
0xd: {  	[smem:$0x3FA9] =	sst s5  }
0xe: {  	[smem:$0x3FAA] =	sst s6  }
0xf: {  	[smem:$0x3FAB] =	sst s7  }
0x10: {  	[smem:$0x3FAC] =	sst s8  }
0x11: {  	[smem:$0x3FAD] =	sst s9;
	s0 =	simm.s32 @!p0 $0x0  }
0x12: {  	s1 =	sld [smem:$0x3F93];
	s0 =	simm.s32 @p0 $0x1  }
0x13: {  	[smem:$0x3FAE] =	sst s0;
	s0 =	simm.s32 @!p1 $0x0  }
0x14: {  	s2 =	sld [smem:$0x3F92];
	s0 =	simm.s32 @p1 $0x1  }
0x15: {  	[smem:$0x3FAF] =	sst s0;
	s0 =	simm.s32 @!p2 $0x0  }
0x16: {  	s3 =	sld [smem:$0x3FDB];
	s0 =	simm.s32 @p2 $0x1  }
0x17: {  	s4 =	simm.s32 $0x1BF5;
	[smem:$0x3FB1] =	sst s0  }
0x18: {  	s0 =	sld [smem:$0x3F94];
	_ =	swait.ge [sflag:s4], $0x0  }
0x19: {  	s7 =	sld [smem:$0x3F95]  }
0x1a: {  	s8 =	sadd.s32 $0xFFFFE003, lr  }
0x1b: {  	s9 =	sadd.s32 $0xFFFFFEF7, lr;
	s5 =	simm.s32 $0xFFFFFFFF;
	p2 =	slt.u32 s8, $0xFFFFF086  }
0x1c: {  	p1 =	slt.u32 s9, $0xF7A;
	s5 =	simm.s32 @!p2 $0x0  }
0x1d: {  	s5 =	simm.s32 @p1 $0x1;
	p0 =	seq.s32 s7, s2  }
0x1e: {  	s7 =	smul.u32 @!p0 $0xF7A, s2;
	p2 =	seq.s32 @!p0 s5, $0x0  }
0x1f: {  	s9 =	smul.u32 $0xF7A, s1;
	s8 =	simm.s32 @!p0 $0x1BF5;
	p2 =	por !p2, p0  }
0x20: {  	[sflag:s8] =	ssyncset.s32 @!p0 $0xFFFFF086;
	s6 =	sadd.s32 @!p0 s3, s7;
	s7 =	simm.s32 @!p0 $0x108  }
0x21: {  	s3 =	sadd.s32 s3, s9;
	s6 =	sadd.s32 @!p0 $0x88, s6;
	s7 =	simm.s32 @p2 $0x1082  }
0x22: {  	[simem:s7], [sflag:s8] =	dma.local @!p0 [hbm:s6], $0xF7A  }
0x23: {  	s9 =	sor.u32 $0xD0000000, s2;
	s6 =	simm.s32 $0x108;
	_ =	swait.ge @!p0 [sflag:s8], $0x0  }
0x24: {  	s3 =	sadd.s32 $0x88, s3;
	s6 =	simm.s32 @!p1 $0x1082;
	[sflag:s4] =	ssyncset.s32 $0xFFFFF086  }
0x25: {  	[simem:s6], [sflag:s4] =	dma.local [hbm:s3], $0xF7A  }
0x26: {  	[smem:$0x3F95] =	sst s1;
	(tag) =	ssettag s2;
	_ =	strace s9  }
0x27: {  	s1 =	sld [smem:$0x3FA5]  }
0x28: {  	s2 =	sld [smem:$0x3FA6]  }
0x29: {  	s4 =	sld [smem:$0x3FA8]  }
0x2a: {  	p0 =	seq.s32 s5, $0x0;
	s5 =	sld [smem:$0x3FA9]  }
0x2b: {  	s6 =	sld [smem:$0x3FAA]  }
0x2c: {  	s7 =	sld [smem:$0x3FAB]  }
0x2d: {  	s3 =	simm.s32 $0x108;
	s8 =	sld [smem:$0x3FAC]  }
0x2e: {  	s3 =	simm.s32 @!p0 $0x1082;
	s9 =	sld [smem:$0x3FAD]  }
0x2f: {  	lr =	sadd.s32 s0, s3;
	s0 =	sld [smem:$0x3FA4]  }
0x30: {  	s3 =	sld [smem:$0x3FA7]  }
0x31: {  	[smem:$0x3FB0] =	sst s10  }
0x32: {  	s10 =	sld [smem:$0x3FAE];
	_ =	sdelay $0x3  }
0x33: {  	p0 =	seq.s32 s10, $0x1;
	s10 =	sld [smem:$0x3FB0];
	_ =	sdelay $0x3  }
0x34: {  	[smem:$0x3FB0] =	sst s10  }
0x35: {  	s10 =	sld [smem:$0x3FAF];
	_ =	sdelay $0x3  }
0x36: {  	p1 =	seq.s32 s10, $0x1;
	s10 =	sld [smem:$0x3FB0];
	_ =	sdelay $0x3  }
0x37: {  	[smem:$0x3FB0] =	sst s10  }
0x38: {  	s10 =	sld [smem:$0x3FB1]  }
0x39: {  	_ = 	snop;
	(pc) =	sbr.ind lr, $3  }
0x3a: {  	_ = 	snop  }
0x3b: {  	_ = 	snop  }
0x3c: {  	p2 =	seq.s32 s10, $0x1;
	s10 =	sld [smem:$0x3FB0]  }
0x3d: {  	_ =	shalt  }
0x3e: {  	_ =	shalt  }
0x3f: {  	_ =	shalt  }
0x40: {  	_ =	shalt  }
0x41: {  	_ =	shalt  }
0x42: {  	_ =	shalt  }
0x43: {  	_ =	shalt  }
0x44: {  	_ =	shalt  }
0x45: {  	_ =	shalt  }
0x46: {  	_ =	shalt  }
0x47: {  	_ =	shalt  }
0x48: {  	_ =	shalt  }
0x49: {  	_ =	shalt  }
0x4a: {  	_ =	shalt  }
0x4b: {  	_ =	shalt  }
0x4c: {  	_ =	shalt  }
0x4d: {  	_ =	shalt  }
0x4e: {  	_ =	shalt  }
0x4f: {  	_ =	shalt  }
0x50: {  	_ =	shalt  }
0x51: {  	_ =	shalt  }
0x52: {  	_ =	shalt  }
0x53: {  	_ =	shalt  }
0x54: {  	_ =	shalt  }
0x55: {  	_ =	shalt  }
0x56: {  	_ =	shalt  }
0x57: {  	_ =	shalt  }
0x58: {  	_ =	shalt  }
0x59: {  	_ =	shalt  }
0x5a: {  	_ =	shalt  }
0x5b: {  	_ =	shalt  }
0x5c: {  	_ =	shalt  }
0x5d: {  	_ =	shalt  }
0x5e: {  	_ =	shalt  }
0x5f: {  	_ =	shalt  }
0x60: {  	_ =	shalt  }
0x61: {  	_ =	shalt  }
0x62: {  	_ =	shalt  }
0x63: {  	_ =	shalt  }
0x64: {  	_ =	shalt  }
0x65: {  	_ =	shalt  }
0x66: {  	_ =	shalt  }
0x67: {  	_ =	shalt  }
0x68: {  	_ =	shalt  }
0x69: {  	_ =	shalt  }
0x6a: {  	_ =	shalt  }
0x6b: {  	_ =	shalt  }
0x6c: {  	_ =	shalt  }
0x6d: {  	_ =	shalt  }
0x6e: {  	_ =	shalt  }
0x6f: {  	_ =	shalt  }
0x70: {  	_ =	shalt  }
0x71: {  	_ =	shalt  }
0x72: {  	_ =	shalt  }
0x73: {  	_ =	shalt  }
0x74: {  	_ =	shalt  }
0x75: {  	_ =	shalt  }
0x76: {  	_ =	shalt  }
0x77: {  	_ =	shalt  }
0x78: {  	_ =	shalt  }
0x79: {  	_ =	shalt  }
0x7a: {  	_ =	shalt  }
0x7b: {  	_ =	shalt  }
0x7c: {  	_ =	shalt  }
0x7d: {  	_ =	shalt  }
0x7e: {  	_ =	shalt  }
0x7f: {  	_ =	shalt  }
0x80: {  	_ =	shalt  }
0x81: {  	_ =	shalt  }
0x82: {  	_ =	shalt  }
0x83: {  	_ =	shalt  }
0x84: {  	_ =	shalt  }
0x85: {  	_ =	shalt  }
0x86: {  	_ =	shalt  }
0x87: {  	_ =	shalt  }
.Lfunc_end0:
.L_simem_size_0:
called_computation.1_lowered:
.L_overlay_start_0:
0x88: {  	s2 =	sld [smem:$0x3FD9]  }
0x89: {  	s3 =	sld [smem:$0x3FFE];
	_ =	sdelay $0x1  }
0x8a: {  	s1 =	srdreg.scid  }
0x8b: {  	s0 =	sand.u32 $0x1, s1  }
0x8c: {  	s16 =	sshll.u32 s0, $0xA;
	s2 =	sadd.s32 s3, s2  }
0x8d: {  	s2 =	sadd.s32 s2, s16  }
0x8e: {  	[smem:$0x3FBC] =	sst s2  }
0x8f: {  	_ = 	snop  }
0x90: {  	(tm) =	ssettm $0x1  }
0x91: {  	s17 =	sld [smem:$0x3FFB];
	_ =	sdelay $0x3  }
0x92: {  	_ =	strace s17  }
0x93: {  	s2 =	sld [smem:$0x3FFC];
	_ =	sdelay $0x3  }
0x94: {  	_ =	strace s2  }
0x95: {  	s2 =	sld [smem:$0x3FFD];
	_ =	sdelay $0x3  }
0x96: {  	_ =	strace s2  }
0x97: {  	_ =	strace $0x8FFFFFFF  }
0x98: {  	s18 =	sld [smem:$0x3FDB];
	_ =	sdelay $0x1  }
0x99: {  	s19 =	simm.s32 $_scs_section_size  }
0x9a: {  	s4 =	simm.s32 $_size__tile_overlayer_lowered;
	s5 =	simm.s32 $_tile_overlayer_lowered  }
0x9b: {  	s22 =	simm.s32 $0x1BFF;
	s21 =	sshll.u32 s5, $0x1;
	s2 =	sadd.s32 s19, s18  }
0x9c: {  	s6 =	simm.s32 $0x0;
	s20 =	sshll.u32 s4, $0x1;
	s4 =	sadd.s32 s21, s2  }
0x9d: {  	[timem:s6], [sflag:s22] =	dma.local [hbm:s4], s20  }
0x9e: {  	_ =	swait.ge [sflag:s22], s20  }
0x9f: {  	s3 =	ssub.s32 $0x0, s20;
	[sflag:s22] =	ssyncset.done $0x0  }
0xa0: {  	[sflag:s22] =	ssyncadd.s32 s3;
	_ =	sdelay $0x1  }
0xa1: {  	s23 =	simm.s32 $0x1B8B  }
0xa2: {  	_ =	swait.ge [sflag:s23], $0x1  }
0xa3: {  	[sflag:s23] =	ssyncset.done $0x0  }
0xa4: {  	s25 =	simm.s32 $0x1B8E;
	s24 =	sld [smem:$0x3FFE];
	[sflag:s23] =	ssyncadd.s32 $0xFFFFFFFF  }
0xa5: {  	s26 =	simm.s32 $execute0_lowered;
	[smem:$0x3FD2] =	sst s25  }
0xa6: {  	s4 =	sshll.u32 s26, $0x1;
	_ =	strace $0x80000049;
	[dreg:$0x1] =	wrdreg $0xFFFFFFFF  }
0xa7: {  	s28 =	simm.s32 $_size_execute0_lowered;
	s2 =	sadd.s32 s2, s4;
	[dreg:$0x0] =	wrdreg $0x0  }
0xa8: {  	s4 =	sshll.u32 s28, $0x1;
	[dreg:$0x2] =	wrdreg s2  }
0xa9: {  	[dreg:$0x3] =	wrdreg s4  }
0xaa: {  	[dreg:$0x4] =	wrdreg $0xC0  }
0xab: {  	_ =	task [dreg:s6], $0x5FFFF  }
0xac: {  	[dreg:$0x1] =	wrdreg $0xFFFFFFFF  }
0xad: {  	[dreg:$0x0] =	wrdreg $0x60  }
0xae: {  	[dreg:$0x2] =	wrdreg s24  }
0xaf: {  	[dreg:$0x3] =	wrdreg $0x9  }
0xb0: {  	_ =	task.clear_ibuf [dreg:s6], $0x4FFFF;
	_ =	strace $0x90000049  }
0xb1: {  	s29 =	simm.s32 $0x9;
	_ =	strace $0x8000004B  }
0xb2: {  	_ =	swait.ge [sflag:s29], $0x1  }
0xb3: {  	[sflag:s29] =	ssyncadd.s32 $0xFFFFFFFF  }
0xb4: {  	_ =	strace $0x9000004B  }
0xb5: {  	_ =	sfence  }
0xb6: {  	s30 =	sld [smem:$0x0];
	_ =	sdelay $0x2  }
0xb7: {  	s31 =	sshll.u32 s1, $0xD;
	s1 =	sshrl.u32 s1, $0x2  }
0xb8: {  	s3 =	sand.u32 $0x4000, s31;
	s1 =	sadd.s32 s1, s30  }
0xb9: {  	s0 =	sor.u32 s3, s0;
	s1 =	sshll.u32 s1, $0x11  }
0xba: {  	s0 =	sor.u32 s1, s0  }
0xbb: {  	s0 =	sadd.s32 $0x8F2B, s0  }
0xbc: {  	[sflag:s0] =	ssyncadd.remote.s32 $0x1  }
0xbd: {  	_ =	sfence.sel $0xFFFF  }
0xbe: {  	[dreg:$0x0] =	wrdreg $0xFFFFFFFF;
	(pc) =	sbr.abs _section_cstart, $3  }
0xbf: {  	[dreg:$0x1] =	wrdreg $0xFFFFFFFF  }
0xc0: {  	_ =	task.clear_ibuf [dreg:s6], $0x2FFFF;
	_ =	strace $0x9FFFFFFF  }
0xc1: {  	(tm) =	ssettm $0x7FFFFFFF  }
tec
execute0_lowered:
.L_overlay_start_1:
0x0: {  	(tag) =	ssettag $0x1  }
0x1: {  	s1 =	srdreg.scid  }
0x2: {  	s0 =	stileid.u32;
	s4 =	rddreg [dreg:$0x0]  }
0x3: {  	s20 =	simm.s32 $0x1800;
	s21 =	simm.s32 $0x100;
	s23 =	simm.s32 $0x2800  }
0x4: {  	s24 =	simm.s32 $0x180;
	s25 =	simm.s32 $0x3800;
	s26 =	simm.s32 $0x200  }
0x5: {  	s7 =	simm.s32 $0x80;
	s11 =	simm.s32 $0x300;
	s12 =	simm.s32 $0x6800  }
0x6: {  	s13 =	simm.s32 $0x380;
	s14 =	simm.s32 $0x7800;
	s15 =	simm.s32 $0x400  }
0x7: {  	s16 =	simm.s32 $0x8800;
	s17 =	simm.s32 $0x480;
	s18 =	simm.s32 $0x9800  }
0x8: {  	s19 =	simm.s32 $0x500;
	p0 =	por $0x0, $0x0;
	s28 =	simm.s32 $0x700  }
0x9: {  	s29 =	simm.s32 $0xE800;
	s30 =	simm.s32 $0x780;
	s1 =	sand.u32 $0x1, s1  }
0xa: {  	s31 =	simm.s32 $0xF800;
	s2 =	sshll.u32 s0, $0xC;
	s3 =	sshll.u32 s1, $0xB  }
0xb: {  	s1 =	ssub.s32 $0x2, s1;
	s3 =	sor.u32 s3, s2;
	s2 =	simm.s32 $0x0  }
0xc: {  	s6 =	sadd.s32 $0x4400, s4;
	s22 =	sshrl.u32 s1, $0x1;
	[smem:$0x7FF] =	sst s2  }
0xd: {  	s5 =	sshrl.u32 s3, $0x3;
	_ =	strace $0x8000004A;
	[dreg:$0x4] =	wrdreg s20  }
0xe: {  	s3 =	sshll.u32 s3, $0x2;
	s1 =	ssub.s32 s1, s22;
	[dreg:$0x5] =	wrdreg s21  }
0xf: {  	s22 =	simm.s32 $0xB800;
	s5 =	sadd.s32 s5, s4;
	[dreg:$0x6] =	wrdreg s23  }
0x10: {  	s3 =	sadd.s32 s3, s4;
	s1 =	smax.u32 s1, $0x1;
	[dreg:$0x7] =	wrdreg s24  }
0x11: {  	[dreg:$0x8] =	wrdreg s25;
	s4 =	simm.s32 $0x800;
	p1 =	sne.s32 s1, $0x1  }
.Ltmp0:
0x12: {  	[dreg:$0x9] =	wrdreg s26;
	s20 =	simm.s32 $0xA800;
	(pc) =	sbr.rel @!p1 .LBB2_3-.Ltmp0, $4  }
0x13: {  	s21 =	simm.s32 $0x580;
	s23 =	simm.s32 $0x600;
	s24 =	simm.s32 $0xC800  }
0x14: {  	s25 =	simm.s32 $0x680;
	s26 =	simm.s32 $0xD800;
	s5 =	sadd.s32 $0x2400, s5  }
0x15: {  	s3 =	sadd.s32 $0x8400, s3;
	s8 =	sadd.s32 $0xFFFFFFFF, s1;
	[dreg:$0x2] =	wrdreg s5  }
0x16: {  	[dreg:$0x3] =	wrdreg s3;
	s3 =	simm.s32 $0x2;
	s5 =	simm.s32 $0x1  }
0x17: {  	s0 =	rddreg [dreg:$0x2]  }
0x18: {  	[tilespmem:s2], [sflag:$0x2] =	stream.linear.gather [hbm4b:s0+s2], $0x800, $0x38;
	[tilespmem:$0x10800] =	vst v63  }
0x19: {  	_ =	swait.ge [sflag:s3], $0x800  }
0x1a: {  	s10 =	rddreg [dreg:$0x5]  }
0x1b: {  	s1 =	rddreg [dreg:$0x4]  }
0x1c: {  	s0 =	rddreg [dreg:$0x6]  }
0x1d: {  	[sflag:s3] =	ssyncset.done $0x0;
	[dreg:$0xa] =	wrdreg s10  }
0x1e: {  	[sflag:s3] =	ssyncadd.s32 $0xFFFFF800;
	s10 =	rddreg [dreg:$0x8]  }
0x1f: {  	[tilespmem:s4], [sflag:$0x1] =	stream.indirect.gather [hbm4b:s6+s7], $0x20, s2, s7, $0xb8;
	[tilespmem:$0x10800] =	vst v63  }
0x20: {  	[dreg:$0xb] =	wrdreg s10  }
0x21: {  	s10 =	rddreg [dreg:$0xa]  }
0x22: {  	[tilespmem:s1], [sflag:$0x1] =	stream.indirect.gather [hbm4b:s6+s7], $0x20, s7, s7, $0xb8;
	[tilespmem:$0x10800] =	vst v63  }
0x23: {  	s1 =	rddreg [dreg:$0x7]  }
0x24: {  	[tilespmem:s0], [sflag:$0x1] =	stream.indirect.gather [hbm4b:s6+s7], $0x20, s10, s7, $0xb8;
	[tilespmem:$0x10800] =	vst v63  }
0x25: {  	s10 =	rddreg [dreg:$0xb]  }
0x26: {  	[tilespmem:s10], [sflag:$0x1] =	stream.indirect.gather [hbm4b:s6+s7], $0x20, s1, s7, $0xb8;
	[tilespmem:$0x10800] =	vst v63  }
0x27: {  	s9 =	simm.s32 $0x4800;
	s0 =	rddreg [dreg:$0x9]  }
0x28: {  	[tilespmem:s9], [sflag:$0x1] =	stream.indirect.gather [hbm4b:s6+s7], $0x20, s0, s7, $0xb8;
	[tilespmem:$0x10800] =	vst v63  }
0x29: {  	s1 =	simm.s32 $0x280;
	s9 =	simm.s32 $0x5800  }
0x2a: {  	[tilespmem:s9], [sflag:$0x1] =	stream.indirect.gather [hbm4b:s6+s7], $0x20, s1, s7, $0xb8;
	[tilespmem:$0x10800] =	vst v63  }
0x2b: {  	_ = 	snop  }
0x2c: {  	[tilespmem:s12], [sflag:$0x1] =	stream.indirect.gather [hbm4b:s6+s7], $0x20, s11, s7, $0xb8;
	[tilespmem:$0x10800] =	vst v63  }
0x2d: {  	_ = 	snop  }
0x2e: {  	[tilespmem:s14], [sflag:$0x1] =	stream.indirect.gather [hbm4b:s6+s7], $0x20, s13, s7, $0xb8;
	[tilespmem:$0x10800] =	vst v63  }
0x2f: {  	_ = 	snop  }
0x30: {  	[tilespmem:s16], [sflag:$0x1] =	stream.indirect.gather [hbm4b:s6+s7], $0x20, s15, s7, $0xb8;
	[tilespmem:$0x10800] =	vst v63  }
0x31: {  	_ = 	snop  }
0x32: {  	[tilespmem:s18], [sflag:$0x1] =	stream.indirect.gather [hbm4b:s6+s7], $0x20, s17, s7, $0xb8;
	[tilespmem:$0x10800] =	vst v63  }
0x33: {  	_ = 	snop  }
0x34: {  	[tilespmem:s20], [sflag:$0x1] =	stream.indirect.gather [hbm4b:s6+s7], $0x20, s19, s7, $0xb8;
	[tilespmem:$0x10800] =	vst v63  }
0x35: {  	_ = 	snop  }
0x36: {  	[tilespmem:s22], [sflag:$0x1] =	stream.indirect.gather [hbm4b:s6+s7], $0x20, s21, s7, $0xb8;
	[tilespmem:$0x10800] =	vst v63  }
0x37: {  	_ = 	snop  }
0x38: {  	[tilespmem:s24], [sflag:$0x1] =	stream.indirect.gather [hbm4b:s6+s7], $0x20, s23, s7, $0xb8;
	[tilespmem:$0x10800] =	vst v63  }
0x39: {  	_ = 	snop  }
0x3a: {  	[tilespmem:s26], [sflag:$0x1] =	stream.indirect.gather [hbm4b:s6+s7], $0x20, s25, s7, $0xb8;
	[tilespmem:$0x10800] =	vst v63  }
0x3b: {  	_ = 	snop  }
0x3c: {  	[tilespmem:s29], [sflag:$0x1] =	stream.indirect.gather [hbm4b:s6+s7], $0x20, s28, s7, $0xb8;
	[tilespmem:$0x10800] =	vst v63  }
0x3d: {  	_ = 	snop  }
0x3e: {  	[tilespmem:s31], [sflag:$0x1] =	stream.indirect.gather [hbm4b:s6+s7], $0x20, s30, s7, $0xb8;
	[tilespmem:$0x10800] =	vst v63  }
0x3f: {  	_ =	swait.ge [sflag:s5], $0x1000  }
0x40: {  	[sflag:s5] =	ssyncset.done $0x0  }
0x41: {  	[sflag:s5] =	ssyncadd.s32 $0xFFFFF000  }
0x42: {  	_ =	swait.ge [sflag:s5], $0x1000  }
0x43: {  	[sflag:s5] =	ssyncset.done $0x0  }
0x44: {  	[sflag:s5] =	ssyncadd.s32 $0xFFFFF000  }
0x45: {  	_ =	swait.ge [sflag:s5], $0x1000  }
0x46: {  	[sflag:s5] =	ssyncset.done $0x0  }
0x47: {  	[sflag:s5] =	ssyncadd.s32 $0xFFFFF000  }
0x48: {  	_ =	swait.ge [sflag:s5], $0x1000  }
0x49: {  	[sflag:s5] =	ssyncset.done $0x0  }
0x4a: {  	[sflag:s5] =	ssyncadd.s32 $0xFFFFF000  }
0x4b: {  	_ =	swait.ge [sflag:s5], $0x1000  }
0x4c: {  	[sflag:s5] =	ssyncset.done $0x0  }
0x4d: {  	[sflag:s5] =	ssyncadd.s32 $0xFFFFF000  }
0x4e: {  	_ =	swait.ge [sflag:s5], $0x1000  }
0x4f: {  	[sflag:s5] =	ssyncset.done $0x0  }
0x50: {  	[sflag:s5] =	ssyncadd.s32 $0xFFFFF000  }
0x51: {  	_ =	swait.ge [sflag:s5], $0x1000  }
0x52: {  	[sflag:s5] =	ssyncset.done $0x0  }
0x53: {  	[sflag:s5] =	ssyncadd.s32 $0xFFFFF000  }
0x54: {  	_ =	swait.ge [sflag:s5], $0x1000  }
0x55: {  	[sflag:s5] =	ssyncset.done $0x0  }
0x56: {  	[sflag:s5] =	ssyncadd.s32 $0xFFFFF000  }
0x57: {  	_ =	swait.ge [sflag:s5], $0x1000  }
0x58: {  	[sflag:s5] =	ssyncset.done $0x0  }
0x59: {  	[sflag:s5] =	ssyncadd.s32 $0xFFFFF000  }
0x5a: {  	_ =	swait.ge [sflag:s5], $0x1000  }
0x5b: {  	[sflag:s5] =	ssyncset.done $0x0  }
0x5c: {  	[sflag:s5] =	ssyncadd.s32 $0xFFFFF000  }
0x5d: {  	_ =	swait.ge [sflag:s5], $0x1000  }
0x5e: {  	[sflag:s5] =	ssyncset.done $0x0  }
0x5f: {  	[sflag:s5] =	ssyncadd.s32 $0xFFFFF000  }
0x60: {  	_ =	swait.ge [sflag:s5], $0x1000  }
0x61: {  	[sflag:s5] =	ssyncset.done $0x0  }
0x62: {  	[sflag:s5] =	ssyncadd.s32 $0xFFFFF000  }
0x63: {  	_ =	swait.ge [sflag:s5], $0x1000  }
0x64: {  	[sflag:s5] =	ssyncset.done $0x0  }
0x65: {  	[sflag:s5] =	ssyncadd.s32 $0xFFFFF000  }
0x66: {  	_ =	swait.ge [sflag:s5], $0x1000  }
0x67: {  	[sflag:s5] =	ssyncset.done $0x0  }
0x68: {  	[sflag:s5] =	ssyncadd.s32 $0xFFFFF000  }
0x69: {  	_ =	swait.ge [sflag:s5], $0x1000  }
0x6a: {  	p1 =	sne.s32 s8, $0x1;
	[sflag:s5] =	ssyncset.done $0x0  }
.Ltmp1:
0x6b: {  	[sflag:s5] =	ssyncadd.s32 $0xFFFFF000;
	(pc) =	sbr.rel @!p1 .LBB2_3-.Ltmp1, $4  }
0x6c: {  	_ =	swait.ge [sflag:s5], $0x1000  }
0x6d: {  	p0 =	por $0x1, $0x1;
	[sflag:s5] =	ssyncset.done $0x0  }
0x6e: {  	s1 =	sadd.s32 $0xFFFFFFFF, s8;
	s10 =	rddreg [dreg:$0x3];
	[sflag:s5] =	ssyncadd.s32 $0xFFFFF000  }
0x6f: {  	[hbm4b:s10+s2] =	stream.linear.scatter [tilespmem:s4], [sflag:$0x2], $0x10000, $0x38;
	[tilespmem:$0x10800] =	vst v63  }
.LBB2_2:
0x70: {  	_ =	swait.ge [sflag:s3], $0x10000  }
0x71: {  	[sflag:s3] =	ssyncset.done $0x0  }
0x72: {  	s0 =	rddreg [dreg:$0x2];
	[sflag:s3] =	ssyncadd.s32 $0xFFFF0000  }
0x73: {  	[tilespmem:s2], [sflag:$0x2] =	stream.linear.gather [hbm4b:s0+s2], $0x800, $0x38;
	[tilespmem:$0x10800] =	vst v63  }
0x74: {  	_ =	swait.ge [sflag:s3], $0x800  }
0x75: {  	s0 =	rddreg [dreg:$0x5];
	[sflag:s3] =	ssyncset.done $0x0  }
0x76: {  	s8 =	rddreg [dreg:$0x4];
	[sflag:s3] =	ssyncadd.s32 $0xFFFFF800  }
0x77: {  	[tilespmem:s4], [sflag:$0x1] =	stream.indirect.gather [hbm4b:s6+s7], $0x20, s2, s7, $0xb8;
	[tilespmem:$0x10800] =	vst v63  }
0x78: {  	s9 =	rddreg [dreg:$0x6]  }
0x79: {  	[tilespmem:s8], [sflag:$0x1] =	stream.indirect.gather [hbm4b:s6+s7], $0x20, s7, s7, $0xb8;
	[tilespmem:$0x10800] =	vst v63  }
0x7a: {  	s10 =	rddreg [dreg:$0x8]  }
0x7b: {  	[tilespmem:s9], [sflag:$0x1] =	stream.indirect.gather [hbm4b:s6+s7], $0x20, s0, s7, $0xb8;
	[tilespmem:$0x10800] =	vst v63  }
0x7c: {  	s8 =	rddreg [dreg:$0x7]  }
0x7d: {  	[tilespmem:s10], [sflag:$0x1] =	stream.indirect.gather [hbm4b:s6+s7], $0x20, s8, s7, $0xb8;
	[tilespmem:$0x10800] =	vst v63  }
0x7e: {  	s0 =	rddreg [dreg:$0x9];
	s8 =	simm.s32 $0x4800  }
0x7f: {  	[tilespmem:s8], [sflag:$0x1] =	stream.indirect.gather [hbm4b:s6+s7], $0x20, s0, s7, $0xb8;
	[tilespmem:$0x10800] =	vst v63  }
0x80: {  	s9 =	simm.s32 $0x280;
	s10 =	simm.s32 $0x5800  }
0x81: {  	[tilespmem:s10], [sflag:$0x1] =	stream.indirect.gather [hbm4b:s6+s7], $0x20, s9, s7, $0xb8;
	[tilespmem:$0x10800] =	vst v63  }
0x82: {  	_ = 	snop  }
0x83: {  	[tilespmem:s12], [sflag:$0x1] =	stream.indirect.gather [hbm4b:s6+s7], $0x20, s11, s7, $0xb8;
	[tilespmem:$0x10800] =	vst v63  }
0x84: {  	_ = 	snop  }
0x85: {  	[tilespmem:s14], [sflag:$0x1] =	stream.indirect.gather [hbm4b:s6+s7], $0x20, s13, s7, $0xb8;
	[tilespmem:$0x10800] =	vst v63  }
0x86: {  	_ = 	snop  }
0x87: {  	[tilespmem:s16], [sflag:$0x1] =	stream.indirect.gather [hbm4b:s6+s7], $0x20, s15, s7, $0xb8;
	[tilespmem:$0x10800] =	vst v63  }
0x88: {  	_ = 	snop  }
0x89: {  	[tilespmem:s18], [sflag:$0x1] =	stream.indirect.gather [hbm4b:s6+s7], $0x20, s17, s7, $0xb8;
	[tilespmem:$0x10800] =	vst v63  }
0x8a: {  	_ = 	snop  }
0x8b: {  	[tilespmem:s20], [sflag:$0x1] =	stream.indirect.gather [hbm4b:s6+s7], $0x20, s19, s7, $0xb8;
	[tilespmem:$0x10800] =	vst v63  }
0x8c: {  	_ = 	snop  }
0x8d: {  	[tilespmem:s22], [sflag:$0x1] =	stream.indirect.gather [hbm4b:s6+s7], $0x20, s21, s7, $0xb8;
	[tilespmem:$0x10800] =	vst v63  }
0x8e: {  	_ = 	snop  }
0x8f: {  	[tilespmem:s24], [sflag:$0x1] =	stream.indirect.gather [hbm4b:s6+s7], $0x20, s23, s7, $0xb8;
	[tilespmem:$0x10800] =	vst v63  }
0x90: {  	_ = 	snop  }
0x91: {  	[tilespmem:s26], [sflag:$0x1] =	stream.indirect.gather [hbm4b:s6+s7], $0x20, s25, s7, $0xb8;
	[tilespmem:$0x10800] =	vst v63  }
0x92: {  	_ = 	snop  }
0x93: {  	[tilespmem:s29], [sflag:$0x1] =	stream.indirect.gather [hbm4b:s6+s7], $0x20, s28, s7, $0xb8;
	[tilespmem:$0x10800] =	vst v63  }
0x94: {  	_ = 	snop  }
0x95: {  	[tilespmem:s31], [sflag:$0x1] =	stream.indirect.gather [hbm4b:s6+s7], $0x20, s30, s7, $0xb8;
	[tilespmem:$0x10800] =	vst v63  }
0x96: {  	_ =	swait.ge [sflag:s5], $0x1000  }
0x97: {  	[sflag:s5] =	ssyncset.done $0x0  }
0x98: {  	[sflag:s5] =	ssyncadd.s32 $0xFFFFF000  }
0x99: {  	_ =	swait.ge [sflag:s5], $0x1000  }
0x9a: {  	[sflag:s5] =	ssyncset.done $0x0  }
0x9b: {  	[sflag:s5] =	ssyncadd.s32 $0xFFFFF000  }
0x9c: {  	_ =	swait.ge [sflag:s5], $0x1000  }
0x9d: {  	[sflag:s5] =	ssyncset.done $0x0  }
0x9e: {  	[sflag:s5] =	ssyncadd.s32 $0xFFFFF000  }
0x9f: {  	_ =	swait.ge [sflag:s5], $0x1000  }
0xa0: {  	[sflag:s5] =	ssyncset.done $0x0  }
0xa1: {  	[sflag:s5] =	ssyncadd.s32 $0xFFFFF000  }
0xa2: {  	_ =	swait.ge [sflag:s5], $0x1000  }
0xa3: {  	[sflag:s5] =	ssyncset.done $0x0  }
0xa4: {  	[sflag:s5] =	ssyncadd.s32 $0xFFFFF000  }
0xa5: {  	_ =	swait.ge [sflag:s5], $0x1000  }
0xa6: {  	[sflag:s5] =	ssyncset.done $0x0  }
0xa7: {  	[sflag:s5] =	ssyncadd.s32 $0xFFFFF000  }
0xa8: {  	_ =	swait.ge [sflag:s5], $0x1000  }
0xa9: {  	[sflag:s5] =	ssyncset.done $0x0  }
0xaa: {  	[sflag:s5] =	ssyncadd.s32 $0xFFFFF000  }
0xab: {  	_ =	swait.ge [sflag:s5], $0x1000  }
0xac: {  	[sflag:s5] =	ssyncset.done $0x0  }
0xad: {  	[sflag:s5] =	ssyncadd.s32 $0xFFFFF000  }
0xae: {  	_ =	swait.ge [sflag:s5], $0x1000  }
0xaf: {  	[sflag:s5] =	ssyncset.done $0x0  }
0xb0: {  	[sflag:s5] =	ssyncadd.s32 $0xFFFFF000  }
0xb1: {  	_ =	swait.ge [sflag:s5], $0x1000  }
0xb2: {  	[sflag:s5] =	ssyncset.done $0x0  }
0xb3: {  	[sflag:s5] =	ssyncadd.s32 $0xFFFFF000  }
0xb4: {  	_ =	swait.ge [sflag:s5], $0x1000  }
0xb5: {  	[sflag:s5] =	ssyncset.done $0x0  }
0xb6: {  	[sflag:s5] =	ssyncadd.s32 $0xFFFFF000  }
0xb7: {  	_ =	swait.ge [sflag:s5], $0x1000  }
0xb8: {  	[sflag:s5] =	ssyncset.done $0x0  }
0xb9: {  	[sflag:s5] =	ssyncadd.s32 $0xFFFFF000  }
0xba: {  	_ =	swait.ge [sflag:s5], $0x1000  }
0xbb: {  	[sflag:s5] =	ssyncset.done $0x0  }
0xbc: {  	[sflag:s5] =	ssyncadd.s32 $0xFFFFF000  }
0xbd: {  	_ =	swait.ge [sflag:s5], $0x1000  }
0xbe: {  	[sflag:s5] =	ssyncset.done $0x0  }
0xbf: {  	[sflag:s5] =	ssyncadd.s32 $0xFFFFF000  }
0xc0: {  	_ =	swait.ge [sflag:s5], $0x1000  }
0xc1: {  	p1 =	sne.s32 s1, $0x1;
	[sflag:s5] =	ssyncset.done $0x0  }
.Ltmp2:
0xc2: {  	[sflag:s5] =	ssyncadd.s32 $0xFFFFF000;
	(pc) =	sbr.rel @p1 .LBB2_2-.Ltmp2, $4  }
0xc3: {  	_ =	swait.ge [sflag:s5], $0x1000  }
0xc4: {  	[sflag:s5] =	ssyncset.done $0x0  }
0xc5: {  	s1 =	sadd.s32 $0xFFFFFFFF, s1;
	s10 =	rddreg [dreg:$0x3];
	[sflag:s5] =	ssyncadd.s32 $0xFFFFF000  }
0xc6: {  	[hbm4b:s10+s2] =	stream.linear.scatter [tilespmem:s4], [sflag:$0x2], $0x10000, $0x38;
	[tilespmem:$0x10800] =	vst v63  }
.LBB2_3:
0xc7: {  	_ =	swait.ge @p0 [sflag:s3], $0x10000  }
0xc8: {  	[sflag:s3] =	ssyncset.done @p0 $0x0  }
0xc9: {  	s0 =	rddreg [dreg:$0x2];
	[sflag:s3] =	ssyncadd.s32 @p0 $0xFFFF0000  }
0xca: {  	[tilespmem:s2], [sflag:$0x2] =	stream.linear.gather [hbm4b:s0+s2], $0x800, $0x38;
	[tilespmem:$0x10800] =	vst v63  }
0xcb: {  	_ =	swait.ge [sflag:s3], $0x800  }
0xcc: {  	[sflag:s3] =	ssyncset.done $0x0;
	s10 =	rddreg [dreg:$0x4]  }
0xcd: {  	s0 =	rddreg [dreg:$0x5];
	[sflag:s3] =	ssyncadd.s32 $0xFFFFF800  }
0xce: {  	[tilespmem:s4], [sflag:$0x1] =	stream.indirect.gather [hbm4b:s6+s7], $0x20, s2, s7, $0xb8;
	[tilespmem:$0x10800] =	vst v63  }
0xcf: {  	s1 =	rddreg [dreg:$0x6]  }
0xd0: {  	[tilespmem:s10], [sflag:$0x1] =	stream.indirect.gather [hbm4b:s6+s7], $0x20, s7, s7, $0xb8;
	[tilespmem:$0x10800] =	vst v63  }
0xd1: {  	s8 =	rddreg [dreg:$0x8]  }
0xd2: {  	[tilespmem:s1], [sflag:$0x1] =	stream.indirect.gather [hbm4b:s6+s7], $0x20, s0, s7, $0xb8;
	[tilespmem:$0x10800] =	vst v63  }
0xd3: {  	s9 =	rddreg [dreg:$0x7]  }
0xd4: {  	[tilespmem:s8], [sflag:$0x1] =	stream.indirect.gather [hbm4b:s6+s7], $0x20, s9, s7, $0xb8;
	[tilespmem:$0x10800] =	vst v63  }
0xd5: {  	s10 =	simm.s32 $0x4800;
	s1 =	rddreg [dreg:$0x9]  }
0xd6: {  	[tilespmem:s10], [sflag:$0x1] =	stream.indirect.gather [hbm4b:s6+s7], $0x20, s1, s7, $0xb8;
	[tilespmem:$0x10800] =	vst v63  }
0xd7: {  	s9 =	simm.s32 $0x5800;
	s10 =	simm.s32 $0x280  }
0xd8: {  	[tilespmem:s9], [sflag:$0x1] =	stream.indirect.gather [hbm4b:s6+s7], $0x20, s10, s7, $0xb8;
	[tilespmem:$0x10800] =	vst v63  }
0xd9: {  	_ = 	snop  }
0xda: {  	[tilespmem:s12], [sflag:$0x1] =	stream.indirect.gather [hbm4b:s6+s7], $0x20, s11, s7, $0xb8;
	[tilespmem:$0x10800] =	vst v63  }
0xdb: {  	_ = 	snop  }
0xdc: {  	[tilespmem:s14], [sflag:$0x1] =	stream.indirect.gather [hbm4b:s6+s7], $0x20, s13, s7, $0xb8;
	[tilespmem:$0x10800] =	vst v63  }
0xdd: {  	_ = 	snop  }
0xde: {  	[tilespmem:s16], [sflag:$0x1] =	stream.indirect.gather [hbm4b:s6+s7], $0x20, s15, s7, $0xb8;
	[tilespmem:$0x10800] =	vst v63  }
0xdf: {  	_ = 	snop  }
0xe0: {  	[tilespmem:s18], [sflag:$0x1] =	stream.indirect.gather [hbm4b:s6+s7], $0x20, s17, s7, $0xb8;
	[tilespmem:$0x10800] =	vst v63  }
0xe1: {  	_ = 	snop  }
0xe2: {  	[tilespmem:s20], [sflag:$0x1] =	stream.indirect.gather [hbm4b:s6+s7], $0x20, s19, s7, $0xb8;
	[tilespmem:$0x10800] =	vst v63  }
0xe3: {  	_ = 	snop  }
0xe4: {  	[tilespmem:s22], [sflag:$0x1] =	stream.indirect.gather [hbm4b:s6+s7], $0x20, s21, s7, $0xb8;
	[tilespmem:$0x10800] =	vst v63  }
0xe5: {  	_ = 	snop  }
0xe6: {  	[tilespmem:s24], [sflag:$0x1] =	stream.indirect.gather [hbm4b:s6+s7], $0x20, s23, s7, $0xb8;
	[tilespmem:$0x10800] =	vst v63  }
0xe7: {  	_ = 	snop  }
0xe8: {  	[tilespmem:s26], [sflag:$0x1] =	stream.indirect.gather [hbm4b:s6+s7], $0x20, s25, s7, $0xb8;
	[tilespmem:$0x10800] =	vst v63  }
0xe9: {  	_ = 	snop  }
0xea: {  	[tilespmem:s29], [sflag:$0x1] =	stream.indirect.gather [hbm4b:s6+s7], $0x20, s28, s7, $0xb8;
	[tilespmem:$0x10800] =	vst v63  }
0xeb: {  	_ = 	snop  }
0xec: {  	[tilespmem:s31], [sflag:$0x1] =	stream.indirect.gather [hbm4b:s6+s7], $0x20, s30, s7, $0xb8;
	[tilespmem:$0x10800] =	vst v63  }
0xed: {  	_ =	swait.ge [sflag:s5], $0x1000  }
0xee: {  	[sflag:s5] =	ssyncset.done $0x0  }
0xef: {  	[sflag:s5] =	ssyncadd.s32 $0xFFFFF000  }
0xf0: {  	_ =	swait.ge [sflag:s5], $0x1000  }
0xf1: {  	[sflag:s5] =	ssyncset.done $0x0  }
0xf2: {  	[sflag:s5] =	ssyncadd.s32 $0xFFFFF000  }
0xf3: {  	_ =	swait.ge [sflag:s5], $0x1000  }
0xf4: {  	[sflag:s5] =	ssyncset.done $0x0  }
0xf5: {  	[sflag:s5] =	ssyncadd.s32 $0xFFFFF000  }
0xf6: {  	_ =	swait.ge [sflag:s5], $0x1000  }
0xf7: {  	[sflag:s5] =	ssyncset.done $0x0  }
0xf8: {  	[sflag:s5] =	ssyncadd.s32 $0xFFFFF000  }
0xf9: {  	_ =	swait.ge [sflag:s5], $0x1000  }
0xfa: {  	[sflag:s5] =	ssyncset.done $0x0  }
0xfb: {  	[sflag:s5] =	ssyncadd.s32 $0xFFFFF000  }
0xfc: {  	_ =	swait.ge [sflag:s5], $0x1000  }
0xfd: {  	[sflag:s5] =	ssyncset.done $0x0  }
0xfe: {  	[sflag:s5] =	ssyncadd.s32 $0xFFFFF000  }
0xff: {  	_ =	swait.ge [sflag:s5], $0x1000  }
0x100: {  	[sflag:s5] =	ssyncset.done $0x0  }
0x101: {  	[sflag:s5] =	ssyncadd.s32 $0xFFFFF000  }
0x102: {  	_ =	swait.ge [sflag:s5], $0x1000  }
0x103: {  	[sflag:s5] =	ssyncset.done $0x0  }
0x104: {  	[sflag:s5] =	ssyncadd.s32 $0xFFFFF000  }
0x105: {  	_ =	swait.ge [sflag:s5], $0x1000  }
0x106: {  	[sflag:s5] =	ssyncset.done $0x0  }
0x107: {  	[sflag:s5] =	ssyncadd.s32 $0xFFFFF000  }
0x108: {  	_ =	swait.ge [sflag:s5], $0x1000  }
0x109: {  	[sflag:s5] =	ssyncset.done $0x0  }
0x10a: {  	[sflag:s5] =	ssyncadd.s32 $0xFFFFF000  }
0x10b: {  	_ =	swait.ge [sflag:s5], $0x1000  }
0x10c: {  	[sflag:s5] =	ssyncset.done $0x0  }
0x10d: {  	[sflag:s5] =	ssyncadd.s32 $0xFFFFF000  }
0x10e: {  	_ =	swait.ge [sflag:s5], $0x1000  }
0x10f: {  	[sflag:s5] =	ssyncset.done $0x0  }
0x110: {  	[sflag:s5] =	ssyncadd.s32 $0xFFFFF000  }
0x111: {  	_ =	swait.ge [sflag:s5], $0x1000  }
0x112: {  	[sflag:s5] =	ssyncset.done $0x0  }
0x113: {  	[sflag:s5] =	ssyncadd.s32 $0xFFFFF000  }
0x114: {  	_ =	swait.ge [sflag:s5], $0x1000  }
0x115: {  	[sflag:s5] =	ssyncset.done $0x0  }
0x116: {  	[sflag:s5] =	ssyncadd.s32 $0xFFFFF000  }
0x117: {  	_ =	swait.ge [sflag:s5], $0x1000  }
0x118: {  	[sflag:s5] =	ssyncset.done $0x0  }
0x119: {  	[sflag:s5] =	ssyncadd.s32 $0xFFFFF000  }
0x11a: {  	_ =	swait.ge [sflag:s5], $0x1000  }
0x11b: {  	[sflag:s5] =	ssyncset.done $0x0  }
0x11c: {  	s30 =	rddreg [dreg:$0x3];
	[sflag:s5] =	ssyncadd.s32 $0xFFFFF000  }
0x11d: {  	[hbm4b:s30+s2] =	stream.linear.scatter [tilespmem:s4], [sflag:$0x2], $0x10000, $0x38;
	[tilespmem:$0x10800] =	vst v63  }
0x11e: {  	_ =	swait.ge [sflag:s3], $0x10000  }
0x11f: {  	[sflag:s3] =	ssyncset.done $0x0  }
0x120: {  	[sflag:s3] =	ssyncadd.s32 $0xFFFF0000  }
0x121: {  	_ =	sfence.sel $0x180000  }
0x122: {  	[bflag:$0x0] =	sbarrier.arrive $0xFFFF  }
0x123: {  	_ =	strace $0x9000004A  }
0x124: {  	s31 =	stileid.u32;
	[bflag:$0x2] =	sbarrier.arrive $0xFFFF  }
0x125: {  	p0 =	sne.s32 s31, $0x0;
	s0 =	rddreg [dreg:$0x1]  }
0x126: {  	s0 =	sadd.s32 @!p0 $0x100000, s0  }
0x127: {  	[sflag:s0] =	ssyncadd.tile.s32 @!p0 $0x1;
	_ =	shalt  }
.Lfunc_end2:
_tile_overlayer_lowered:
.L_overlay_start_2:
0x128: {  	(tag) =	ssettag $0x2  }
0x129: {  	s0 =	rddreg [dreg:$0x0];
	s2 =	stileid.u32  }
0x12a: {  	s1 =	rddreg [dreg:$0x1];
	p0 =	sne.s32 s2, $0x0  }
0x12b: {  	s3 =	rddreg [dreg:$0x2];
	[bflag:$0x3] =	sbarrier.arrive $0xFFFF;
	s2 =	simm.s32 @!p0 $0x1C02  }
0x12c: {  	[timem:s3], [sflag:s2] =	dma.local @!p0 [hbm:s0], s1  }
0x12d: {  	s0 =	simm.s32 @!p0 $0x2  }
0x12e: {  	_ =	swait.ge @!p0 [sflag:s0], s1  }
0x12f: {  	s1 =	ssub.s32 @!p0 $0x0, s1;
	[sflag:s0] =	ssyncset.done @!p0 $0x0  }
0x130: {  	[sflag:s0] =	ssyncadd.s32 @!p0 s1  }
0x131: {  	[bflag:$0x3] =	sbarrier.arrive $0xFFFF  }
0x132: {  	_ =	shalt  }

// kernel: kernel.9.cloned.1.call-start
scs
__scs_entry_jumppad:
0x0: {  	(pc) =	sbr.rel $0x88, $3  }
0x1: {  	(tag) =	ssettag $0x0;
	lr =	simm.s32 $0x1  }
0x2: {  	[smem:$0x3F95] =	sst lr;
	_ =	strace $0xD0000000  }
0x3: {  	_ = 	snop  }
0x4: {  	_ = 	snop  }
0x5: {  	_ = 	snop  }
0x6: {  	_ = 	snop  }
0x7: {  	_ = 	snop  }
__scs_overlays_trampoline_lowered:
0x8: {  	[smem:$0x3FA4] =	sst s0  }
0x9: {  	[smem:$0x3FA5] =	sst s1  }
0xa: {  	[smem:$0x3FA6] =	sst s2  }
0xb: {  	[smem:$0x3FA7] =	sst s3  }
0xc: {  	[smem:$0x3FA8] =	sst s4  }
0xd: {  	[smem:$0x3FA9] =	sst s5  }
0xe: {  	[smem:$0x3FAA] =	sst s6  }
0xf: {  	[smem:$0x3FAB] =	sst s7  }
0x10: {  	[smem:$0x3FAC] =	sst s8  }
0x11: {  	[smem:$0x3FAD] =	sst s9;
	s0 =	simm.s32 @!p0 $0x0  }
0x12: {  	s1 =	sld [smem:$0x3F93];
	s0 =	simm.s32 @p0 $0x1  }
0x13: {  	[smem:$0x3FAE] =	sst s0;
	s0 =	simm.s32 @!p1 $0x0  }
0x14: {  	s2 =	sld [smem:$0x3F92];
	s0 =	simm.s32 @p1 $0x1  }
0x15: {  	[smem:$0x3FAF] =	sst s0;
	s0 =	simm.s32 @!p2 $0x0  }
0x16: {  	s3 =	sld [smem:$0x3FDB];
	s0 =	simm.s32 @p2 $0x1  }
0x17: {  	s4 =	simm.s32 $0x1BF5;
	[smem:$0x3FB1] =	sst s0  }
0x18: {  	s0 =	sld [smem:$0x3F94];
	_ =	swait.ge [sflag:s4], $0x0  }
0x19: {  	s7 =	sld [smem:$0x3F95]  }
0x1a: {  	s8 =	sadd.s32 $0xFFFFE003, lr  }
0x1b: {  	s9 =	sadd.s32 $0xFFFFFEF7, lr;
	s5 =	simm.s32 $0xFFFFFFFF;
	p2 =	slt.u32 s8, $0xFFFFF086  }
0x1c: {  	p1 =	slt.u32 s9, $0xF7A;
	s5 =	simm.s32 @!p2 $0x0  }
0x1d: {  	s5 =	simm.s32 @p1 $0x1;
	p0 =	seq.s32 s7, s2  }
0x1e: {  	s7 =	smul.u32 @!p0 $0xF7A, s2;
	p2 =	seq.s32 @!p0 s5, $0x0  }
0x1f: {  	s9 =	smul.u32 $0xF7A, s1;
	s8 =	simm.s32 @!p0 $0x1BF5;
	p2 =	por !p2, p0  }
0x20: {  	[sflag:s8] =	ssyncset.s32 @!p0 $0xFFFFF086;
	s6 =	sadd.s32 @!p0 s3, s7;
	s7 =	simm.s32 @!p0 $0x108  }
0x21: {  	s3 =	sadd.s32 s3, s9;
	s6 =	sadd.s32 @!p0 $0x88, s6;
	s7 =	simm.s32 @p2 $0x1082  }
0x22: {  	[simem:s7], [sflag:s8] =	dma.local @!p0 [hbm:s6], $0xF7A  }
0x23: {  	s9 =	sor.u32 $0xD0000000, s2;
	s6 =	simm.s32 $0x108;
	_ =	swait.ge @!p0 [sflag:s8], $0x0  }
0x24: {  	s3 =	sadd.s32 $0x88, s3;
	s6 =	simm.s32 @!p1 $0x1082;
	[sflag:s4] =	ssyncset.s32 $0xFFFFF086  }
0x25: {  	[simem:s6], [sflag:s4] =	dma.local [hbm:s3], $0xF7A  }
0x26: {  	[smem:$0x3F95] =	sst s1;
	(tag) =	ssettag s2;
	_ =	strace s9  }
0x27: {  	s1 =	sld [smem:$0x3FA5]  }
0x28: {  	s2 =	sld [smem:$0x3FA6]  }
0x29: {  	s4 =	sld [smem:$0x3FA8]  }
0x2a: {  	p0 =	seq.s32 s5, $0x0;
	s5 =	sld [smem:$0x3FA9]  }
0x2b: {  	s6 =	sld [smem:$0x3FAA]  }
0x2c: {  	s7 =	sld [smem:$0x3FAB]  }
0x2d: {  	s3 =	simm.s32 $0x108;
	s8 =	sld [smem:$0x3FAC]  }
0x2e: {  	s3 =	simm.s32 @!p0 $0x1082;
	s9 =	sld [smem:$0x3FAD]  }
0x2f: {  	lr =	sadd.s32 s0, s3;
	s0 =	sld [smem:$0x3FA4]  }
0x30: {  	s3 =	sld [smem:$0x3FA7]  }
0x31: {  	[smem:$0x3FB0] =	sst s10  }
0x32: {  	s10 =	sld [smem:$0x3FAE];
	_ =	sdelay $0x3  }
0x33: {  	p0 =	seq.s32 s10, $0x1;
	s10 =	sld [smem:$0x3FB0];
	_ =	sdelay $0x3  }
0x34: {  	[smem:$0x3FB0] =	sst s10  }
0x35: {  	s10 =	sld [smem:$0x3FAF];
	_ =	sdelay $0x3  }
0x36: {  	p1 =	seq.s32 s10, $0x1;
	s10 =	sld [smem:$0x3FB0];
	_ =	sdelay $0x3  }
0x37: {  	[smem:$0x3FB0] =	sst s10  }
0x38: {  	s10 =	sld [smem:$0x3FB1]  }
0x39: {  	_ = 	snop;
	(pc) =	sbr.ind lr, $3  }
0x3a: {  	_ = 	snop  }
0x3b: {  	_ = 	snop  }
0x3c: {  	p2 =	seq.s32 s10, $0x1;
	s10 =	sld [smem:$0x3FB0]  }
0x3d: {  	_ =	shalt  }
0x3e: {  	_ =	shalt  }
0x3f: {  	_ =	shalt  }
0x40: {  	_ =	shalt  }
0x41: {  	_ =	shalt  }
0x42: {  	_ =	shalt  }
0x43: {  	_ =	shalt  }
0x44: {  	_ =	shalt  }
0x45: {  	_ =	shalt  }
0x46: {  	_ =	shalt  }
0x47: {  	_ =	shalt  }
0x48: {  	_ =	shalt  }
0x49: {  	_ =	shalt  }
0x4a: {  	_ =	shalt  }
0x4b: {  	_ =	shalt  }
0x4c: {  	_ =	shalt  }
0x4d: {  	_ =	shalt  }
0x4e: {  	_ =	shalt  }
0x4f: {  	_ =	shalt  }
0x50: {  	_ =	shalt  }
0x51: {  	_ =	shalt  }
0x52: {  	_ =	shalt  }
0x53: {  	_ =	shalt  }
0x54: {  	_ =	shalt  }
0x55: {  	_ =	shalt  }
0x56: {  	_ =	shalt  }
0x57: {  	_ =	shalt  }
0x58: {  	_ =	shalt  }
0x59: {  	_ =	shalt  }
0x5a: {  	_ =	shalt  }
0x5b: {  	_ =	shalt  }
0x5c: {  	_ =	shalt  }
0x5d: {  	_ =	shalt  }
0x5e: {  	_ =	shalt  }
0x5f: {  	_ =	shalt  }
0x60: {  	_ =	shalt  }
0x61: {  	_ =	shalt  }
0x62: {  	_ =	shalt  }
0x63: {  	_ =	shalt  }
0x64: {  	_ =	shalt  }
0x65: {  	_ =	shalt  }
0x66: {  	_ =	shalt  }
0x67: {  	_ =	shalt  }
0x68: {  	_ =	shalt  }
0x69: {  	_ =	shalt  }
0x6a: {  	_ =	shalt  }
0x6b: {  	_ =	shalt  }
0x6c: {  	_ =	shalt  }
0x6d: {  	_ =	shalt  }
0x6e: {  	_ =	shalt  }
0x6f: {  	_ =	shalt  }
0x70: {  	_ =	shalt  }
0x71: {  	_ =	shalt  }
0x72: {  	_ =	shalt  }
0x73: {  	_ =	shalt  }
0x74: {  	_ =	shalt  }
0x75: {  	_ =	shalt  }
0x76: {  	_ =	shalt  }
0x77: {  	_ =	shalt  }
0x78: {  	_ =	shalt  }
0x79: {  	_ =	shalt  }
0x7a: {  	_ =	shalt  }
0x7b: {  	_ =	shalt  }
0x7c: {  	_ =	shalt  }
0x7d: {  	_ =	shalt  }
0x7e: {  	_ =	shalt  }
0x7f: {  	_ =	shalt  }
0x80: {  	_ =	shalt  }
0x81: {  	_ =	shalt  }
0x82: {  	_ =	shalt  }
0x83: {  	_ =	shalt  }
0x84: {  	_ =	shalt  }
0x85: {  	_ =	shalt  }
0x86: {  	_ =	shalt  }
0x87: {  	_ =	shalt  }
.Lfunc_end0:
.L_simem_size_0:
called_computation_lowered:
.L_overlay_start_0:
0x88: {  	s2 =	sld [smem:$0x3FD9]  }
0x89: {  	s3 =	sld [smem:$0x3FFE];
	_ =	sdelay $0x1  }
0x8a: {  	s1 =	srdreg.scid  }
0x8b: {  	s0 =	sand.u32 $0x1, s1  }
0x8c: {  	s16 =	sshll.u32 s0, $0xA;
	s2 =	sadd.s32 s3, s2  }
0x8d: {  	s2 =	sadd.s32 s2, s16  }
0x8e: {  	[smem:$0x3FBC] =	sst s2  }
0x8f: {  	_ = 	snop  }
0x90: {  	(tm) =	ssettm $0x1  }
0x91: {  	s17 =	sld [smem:$0x3FFB];
	_ =	sdelay $0x3  }
0x92: {  	_ =	strace s17  }
0x93: {  	s2 =	sld [smem:$0x3FFC];
	_ =	sdelay $0x3  }
0x94: {  	_ =	strace s2  }
0x95: {  	s2 =	sld [smem:$0x3FFD];
	_ =	sdelay $0x3  }
0x96: {  	_ =	strace s2  }
0x97: {  	_ =	strace $0x8FFFFFFF  }
0x98: {  	s18 =	sld [smem:$0x3FDB];
	_ =	sdelay $0x1  }
0x99: {  	s19 =	simm.s32 $_scs_section_size  }
0x9a: {  	s4 =	simm.s32 $_size__tile_overlayer_lowered;
	s5 =	simm.s32 $_tile_overlayer_lowered  }
0x9b: {  	s22 =	simm.s32 $0x1BFF;
	s21 =	sshll.u32 s5, $0x1;
	s2 =	sadd.s32 s19, s18  }
0x9c: {  	s6 =	simm.s32 $0x0;
	s20 =	sshll.u32 s4, $0x1;
	s4 =	sadd.s32 s21, s2  }
0x9d: {  	[timem:s6], [sflag:s22] =	dma.local [hbm:s4], s20  }
0x9e: {  	_ =	swait.ge [sflag:s22], s20  }
0x9f: {  	s3 =	ssub.s32 $0x0, s20;
	[sflag:s22] =	ssyncset.done $0x0  }
0xa0: {  	[sflag:s22] =	ssyncadd.s32 s3;
	_ =	sdelay $0x1  }
0xa1: {  	s23 =	simm.s32 $0x1B8B  }
0xa2: {  	_ =	swait.ge [sflag:s23], $0x1  }
0xa3: {  	[sflag:s23] =	ssyncset.done $0x0  }
0xa4: {  	s25 =	simm.s32 $0x1B8E;
	s24 =	sld [smem:$0x3FFE];
	[sflag:s23] =	ssyncadd.s32 $0xFFFFFFFF  }
0xa5: {  	s26 =	simm.s32 $execute0_lowered;
	[smem:$0x3FD2] =	sst s25  }
0xa6: {  	s4 =	sshll.u32 s26, $0x1;
	_ =	strace $0x80000046;
	[dreg:$0x1] =	wrdreg $0xFFFFFFFF  }
0xa7: {  	s28 =	simm.s32 $_size_execute0_lowered;
	s2 =	sadd.s32 s2, s4;
	[dreg:$0x0] =	wrdreg $0x0  }
0xa8: {  	s4 =	sshll.u32 s28, $0x1;
	[dreg:$0x2] =	wrdreg s2  }
0xa9: {  	[dreg:$0x3] =	wrdreg s4  }
0xaa: {  	[dreg:$0x4] =	wrdreg $0xC0  }
0xab: {  	_ =	task [dreg:s6], $0x5FFFF  }
0xac: {  	[dreg:$0x1] =	wrdreg $0xFFFFFFFF  }
0xad: {  	[dreg:$0x0] =	wrdreg $0x60  }
0xae: {  	[dreg:$0x2] =	wrdreg s24  }
0xaf: {  	[dreg:$0x3] =	wrdreg $0x9  }
0xb0: {  	_ =	task.clear_ibuf [dreg:s6], $0x4FFFF;
	_ =	strace $0x90000046  }
0xb1: {  	s29 =	simm.s32 $0x9;
	_ =	strace $0x80000048  }
0xb2: {  	_ =	swait.ge [sflag:s29], $0x1  }
0xb3: {  	[sflag:s29] =	ssyncadd.s32 $0xFFFFFFFF  }
0xb4: {  	_ =	strace $0x90000048  }
0xb5: {  	_ =	sfence  }
0xb6: {  	s30 =	sld [smem:$0x0];
	_ =	sdelay $0x2  }
0xb7: {  	s31 =	sshll.u32 s1, $0xD;
	s1 =	sshrl.u32 s1, $0x2  }
0xb8: {  	s3 =	sand.u32 $0x4000, s31;
	s1 =	sadd.s32 s1, s30  }
0xb9: {  	s0 =	sor.u32 s3, s0;
	s1 =	sshll.u32 s1, $0x11  }
0xba: {  	s0 =	sor.u32 s1, s0  }
0xbb: {  	s0 =	sadd.s32 $0x8F2B, s0  }
0xbc: {  	[sflag:s0] =	ssyncadd.remote.s32 $0x1  }
0xbd: {  	_ =	sfence.sel $0xFFFF  }
0xbe: {  	[dreg:$0x0] =	wrdreg $0xFFFFFFFF;
	(pc) =	sbr.abs _section_cstart, $3  }
0xbf: {  	[dreg:$0x1] =	wrdreg $0xFFFFFFFF  }
0xc0: {  	_ =	task.clear_ibuf [dreg:s6], $0x2FFFF;
	_ =	strace $0x9FFFFFFF  }
0xc1: {  	(tm) =	ssettm $0x7FFFFFFF  }
tec
execute0_lowered:
.L_overlay_start_1:
0x0: {  	(tag) =	ssettag $0x1  }
0x1: {  	s1 =	srdreg.scid  }
0x2: {  	s0 =	stileid.u32;
	s4 =	rddreg [dreg:$0x0]  }
0x3: {  	s20 =	simm.s32 $0x1800;
	s21 =	simm.s32 $0x100;
	s23 =	simm.s32 $0x2800  }
0x4: {  	s24 =	simm.s32 $0x180;
	s25 =	simm.s32 $0x3800;
	s26 =	simm.s32 $0x200  }
0x5: {  	s7 =	simm.s32 $0x80;
	s11 =	simm.s32 $0x300;
	s12 =	simm.s32 $0x6800  }
0x6: {  	s13 =	simm.s32 $0x380;
	s14 =	simm.s32 $0x7800;
	s15 =	simm.s32 $0x400  }
0x7: {  	s16 =	simm.s32 $0x8800;
	s17 =	simm.s32 $0x480;
	s18 =	simm.s32 $0x9800  }
0x8: {  	s19 =	simm.s32 $0x500;
	p0 =	por $0x0, $0x0;
	s28 =	simm.s32 $0x700  }
0x9: {  	s29 =	simm.s32 $0xE800;
	s30 =	simm.s32 $0x780;
	s1 =	sand.u32 $0x1, s1  }
0xa: {  	s31 =	simm.s32 $0xF800;
	s2 =	sshll.u32 s0, $0xC;
	s3 =	sshll.u32 s1, $0xB  }
0xb: {  	s1 =	ssub.s32 $0x2, s1;
	s3 =	sor.u32 s3, s2;
	s2 =	simm.s32 $0x0  }
0xc: {  	s6 =	sadd.s32 $0x4400, s4;
	s22 =	sshrl.u32 s1, $0x1;
	[smem:$0x7FF] =	sst s2  }
0xd: {  	s5 =	sshrl.u32 s3, $0x3;
	_ =	strace $0x80000047;
	[dreg:$0x4] =	wrdreg s20  }
0xe: {  	s3 =	sshll.u32 s3, $0x2;
	s1 =	ssub.s32 s1, s22;
	[dreg:$0x5] =	wrdreg s21  }
0xf: {  	s22 =	simm.s32 $0xB800;
	s5 =	sadd.s32 s5, s4;
	[dreg:$0x6] =	wrdreg s23  }
0x10: {  	s3 =	sadd.s32 s3, s4;
	s1 =	smax.u32 s1, $0x1;
	[dreg:$0x7] =	wrdreg s24  }
0x11: {  	[dreg:$0x8] =	wrdreg s25;
	s4 =	simm.s32 $0x800;
	p1 =	sne.s32 s1, $0x1  }
.Ltmp0:
0x12: {  	[dreg:$0x9] =	wrdreg s26;
	s20 =	simm.s32 $0xA800;
	(pc) =	sbr.rel @!p1 .LBB2_3-.Ltmp0, $4  }
0x13: {  	s21 =	simm.s32 $0x580;
	s23 =	simm.s32 $0x600;
	s24 =	simm.s32 $0xC800  }
0x14: {  	s25 =	simm.s32 $0x680;
	s26 =	simm.s32 $0xD800;
	s5 =	sadd.s32 $0x2400, s5  }
0x15: {  	s3 =	sadd.s32 $0x8400, s3;
	s8 =	sadd.s32 $0xFFFFFFFF, s1;
	[dreg:$0x2] =	wrdreg s5  }
0x16: {  	[dreg:$0x3] =	wrdreg s3;
	s3 =	simm.s32 $0x2;
	s5 =	simm.s32 $0x1  }
0x17: {  	s0 =	rddreg [dreg:$0x2]  }
0x18: {  	[tilespmem:s2], [sflag:$0x2] =	stream.linear.gather [hbm4b:s0+s2], $0x800, $0x38;
	[tilespmem:$0x10800] =	vst v63  }
0x19: {  	_ =	swait.ge [sflag:s3], $0x800  }
0x1a: {  	s10 =	rddreg [dreg:$0x5]  }
0x1b: {  	s1 =	rddreg [dreg:$0x4]  }
0x1c: {  	s0 =	rddreg [dreg:$0x6]  }
0x1d: {  	[sflag:s3] =	ssyncset.done $0x0;
	[dreg:$0xa] =	wrdreg s10  }
0x1e: {  	[sflag:s3] =	ssyncadd.s32 $0xFFFFF800;
	s10 =	rddreg [dreg:$0x8]  }
0x1f: {  	[tilespmem:s4], [sflag:$0x1] =	stream.indirect.gather [hbm4b:s6+s7], $0x20, s2, s7, $0xb8;
	[tilespmem:$0x10800] =	vst v63  }
0x20: {  	[dreg:$0xb] =	wrdreg s10  }
0x21: {  	s10 =	rddreg [dreg:$0xa]  }
0x22: {  	[tilespmem:s1], [sflag:$0x1] =	stream.indirect.gather [hbm4b:s6+s7], $0x20, s7, s7, $0xb8;
	[tilespmem:$0x10800] =	vst v63  }
0x23: {  	s1 =	rddreg [dreg:$0x7]  }
0x24: {  	[tilespmem:s0], [sflag:$0x1] =	stream.indirect.gather [hbm4b:s6+s7], $0x20, s10, s7, $0xb8;
	[tilespmem:$0x10800] =	vst v63  }
0x25: {  	s10 =	rddreg [dreg:$0xb]  }
0x26: {  	[tilespmem:s10], [sflag:$0x1] =	stream.indirect.gather [hbm4b:s6+s7], $0x20, s1, s7, $0xb8;
	[tilespmem:$0x10800] =	vst v63  }
0x27: {  	s9 =	simm.s32 $0x4800;
	s0 =	rddreg [dreg:$0x9]  }
0x28: {  	[tilespmem:s9], [sflag:$0x1] =	stream.indirect.gather [hbm4b:s6+s7], $0x20, s0, s7, $0xb8;
	[tilespmem:$0x10800] =	vst v63  }
0x29: {  	s1 =	simm.s32 $0x280;
	s9 =	simm.s32 $0x5800  }
0x2a: {  	[tilespmem:s9], [sflag:$0x1] =	stream.indirect.gather [hbm4b:s6+s7], $0x20, s1, s7, $0xb8;
	[tilespmem:$0x10800] =	vst v63  }
0x2b: {  	_ = 	snop  }
0x2c: {  	[tilespmem:s12], [sflag:$0x1] =	stream.indirect.gather [hbm4b:s6+s7], $0x20, s11, s7, $0xb8;
	[tilespmem:$0x10800] =	vst v63  }
0x2d: {  	_ = 	snop  }
0x2e: {  	[tilespmem:s14], [sflag:$0x1] =	stream.indirect.gather [hbm4b:s6+s7], $0x20, s13, s7, $0xb8;
	[tilespmem:$0x10800] =	vst v63  }
0x2f: {  	_ = 	snop  }
0x30: {  	[tilespmem:s16], [sflag:$0x1] =	stream.indirect.gather [hbm4b:s6+s7], $0x20, s15, s7, $0xb8;
	[tilespmem:$0x10800] =	vst v63  }
0x31: {  	_ = 	snop  }
0x32: {  	[tilespmem:s18], [sflag:$0x1] =	stream.indirect.gather [hbm4b:s6+s7], $0x20, s17, s7, $0xb8;
	[tilespmem:$0x10800] =	vst v63  }
0x33: {  	_ = 	snop  }
0x34: {  	[tilespmem:s20], [sflag:$0x1] =	stream.indirect.gather [hbm4b:s6+s7], $0x20, s19, s7, $0xb8;
	[tilespmem:$0x10800] =	vst v63  }
0x35: {  	_ = 	snop  }
0x36: {  	[tilespmem:s22], [sflag:$0x1] =	stream.indirect.gather [hbm4b:s6+s7], $0x20, s21, s7, $0xb8;
	[tilespmem:$0x10800] =	vst v63  }
0x37: {  	_ = 	snop  }
0x38: {  	[tilespmem:s24], [sflag:$0x1] =	stream.indirect.gather [hbm4b:s6+s7], $0x20, s23, s7, $0xb8;
	[tilespmem:$0x10800] =	vst v63  }
0x39: {  	_ = 	snop  }
0x3a: {  	[tilespmem:s26], [sflag:$0x1] =	stream.indirect.gather [hbm4b:s6+s7], $0x20, s25, s7, $0xb8;
	[tilespmem:$0x10800] =	vst v63  }
0x3b: {  	_ = 	snop  }
0x3c: {  	[tilespmem:s29], [sflag:$0x1] =	stream.indirect.gather [hbm4b:s6+s7], $0x20, s28, s7, $0xb8;
	[tilespmem:$0x10800] =	vst v63  }
0x3d: {  	_ = 	snop  }
0x3e: {  	[tilespmem:s31], [sflag:$0x1] =	stream.indirect.gather [hbm4b:s6+s7], $0x20, s30, s7, $0xb8;
	[tilespmem:$0x10800] =	vst v63  }
0x3f: {  	_ =	swait.ge [sflag:s5], $0x1000  }
0x40: {  	[sflag:s5] =	ssyncset.done $0x0  }
0x41: {  	[sflag:s5] =	ssyncadd.s32 $0xFFFFF000  }
0x42: {  	_ =	swait.ge [sflag:s5], $0x1000  }
0x43: {  	[sflag:s5] =	ssyncset.done $0x0  }
0x44: {  	[sflag:s5] =	ssyncadd.s32 $0xFFFFF000  }
0x45: {  	_ =	swait.ge [sflag:s5], $0x1000  }
0x46: {  	[sflag:s5] =	ssyncset.done $0x0  }
0x47: {  	[sflag:s5] =	ssyncadd.s32 $0xFFFFF000  }
0x48: {  	_ =	swait.ge [sflag:s5], $0x1000  }
0x49: {  	[sflag:s5] =	ssyncset.done $0x0  }
0x4a: {  	[sflag:s5] =	ssyncadd.s32 $0xFFFFF000  }
0x4b: {  	_ =	swait.ge [sflag:s5], $0x1000  }
0x4c: {  	[sflag:s5] =	ssyncset.done $0x0  }
0x4d: {  	[sflag:s5] =	ssyncadd.s32 $0xFFFFF000  }
0x4e: {  	_ =	swait.ge [sflag:s5], $0x1000  }
0x4f: {  	[sflag:s5] =	ssyncset.done $0x0  }
0x50: {  	[sflag:s5] =	ssyncadd.s32 $0xFFFFF000  }
0x51: {  	_ =	swait.ge [sflag:s5], $0x1000  }
0x52: {  	[sflag:s5] =	ssyncset.done $0x0  }
0x53: {  	[sflag:s5] =	ssyncadd.s32 $0xFFFFF000  }
0x54: {  	_ =	swait.ge [sflag:s5], $0x1000  }
0x55: {  	[sflag:s5] =	ssyncset.done $0x0  }
0x56: {  	[sflag:s5] =	ssyncadd.s32 $0xFFFFF000  }
0x57: {  	_ =	swait.ge [sflag:s5], $0x1000  }
0x58: {  	[sflag:s5] =	ssyncset.done $0x0  }
0x59: {  	[sflag:s5] =	ssyncadd.s32 $0xFFFFF000  }
0x5a: {  	_ =	swait.ge [sflag:s5], $0x1000  }
0x5b: {  	[sflag:s5] =	ssyncset.done $0x0  }
0x5c: {  	[sflag:s5] =	ssyncadd.s32 $0xFFFFF000  }
0x5d: {  	_ =	swait.ge [sflag:s5], $0x1000  }
0x5e: {  	[sflag:s5] =	ssyncset.done $0x0  }
0x5f: {  	[sflag:s5] =	ssyncadd.s32 $0xFFFFF000  }
0x60: {  	_ =	swait.ge [sflag:s5], $0x1000  }
0x61: {  	[sflag:s5] =	ssyncset.done $0x0  }
0x62: {  	[sflag:s5] =	ssyncadd.s32 $0xFFFFF000  }
0x63: {  	_ =	swait.ge [sflag:s5], $0x1000  }
0x64: {  	[sflag:s5] =	ssyncset.done $0x0  }
0x65: {  	[sflag:s5] =	ssyncadd.s32 $0xFFFFF000  }
0x66: {  	_ =	swait.ge [sflag:s5], $0x1000  }
0x67: {  	[sflag:s5] =	ssyncset.done $0x0  }
0x68: {  	[sflag:s5] =	ssyncadd.s32 $0xFFFFF000  }
0x69: {  	_ =	swait.ge [sflag:s5], $0x1000  }
0x6a: {  	p1 =	sne.s32 s8, $0x1;
	[sflag:s5] =	ssyncset.done $0x0  }
.Ltmp1:
0x6b: {  	[sflag:s5] =	ssyncadd.s32 $0xFFFFF000;
	(pc) =	sbr.rel @!p1 .LBB2_3-.Ltmp1, $4  }
0x6c: {  	_ =	swait.ge [sflag:s5], $0x1000  }
0x6d: {  	p0 =	por $0x1, $0x1;
	[sflag:s5] =	ssyncset.done $0x0  }
0x6e: {  	s1 =	sadd.s32 $0xFFFFFFFF, s8;
	s10 =	rddreg [dreg:$0x3];
	[sflag:s5] =	ssyncadd.s32 $0xFFFFF000  }
0x6f: {  	[hbm4b:s10+s2] =	stream.linear.scatter [tilespmem:s4], [sflag:$0x2], $0x10000, $0x38;
	[tilespmem:$0x10800] =	vst v63  }
.LBB2_2:
0x70: {  	_ =	swait.ge [sflag:s3], $0x10000  }
0x71: {  	[sflag:s3] =	ssyncset.done $0x0  }
0x72: {  	s0 =	rddreg [dreg:$0x2];
	[sflag:s3] =	ssyncadd.s32 $0xFFFF0000  }
0x73: {  	[tilespmem:s2], [sflag:$0x2] =	stream.linear.gather [hbm4b:s0+s2], $0x800, $0x38;
	[tilespmem:$0x10800] =	vst v63  }
0x74: {  	_ =	swait.ge [sflag:s3], $0x800  }
0x75: {  	s0 =	rddreg [dreg:$0x5];
	[sflag:s3] =	ssyncset.done $0x0  }
0x76: {  	s8 =	rddreg [dreg:$0x4];
	[sflag:s3] =	ssyncadd.s32 $0xFFFFF800  }
0x77: {  	[tilespmem:s4], [sflag:$0x1] =	stream.indirect.gather [hbm4b:s6+s7], $0x20, s2, s7, $0xb8;
	[tilespmem:$0x10800] =	vst v63  }
0x78: {  	s9 =	rddreg [dreg:$0x6]  }
0x79: {  	[tilespmem:s8], [sflag:$0x1] =	stream.indirect.gather [hbm4b:s6+s7], $0x20, s7, s7, $0xb8;
	[tilespmem:$0x10800] =	vst v63  }
0x7a: {  	s10 =	rddreg [dreg:$0x8]  }
0x7b: {  	[tilespmem:s9], [sflag:$0x1] =	stream.indirect.gather [hbm4b:s6+s7], $0x20, s0, s7, $0xb8;
	[tilespmem:$0x10800] =	vst v63  }
0x7c: {  	s8 =	rddreg [dreg:$0x7]  }
0x7d: {  	[tilespmem:s10], [sflag:$0x1] =	stream.indirect.gather [hbm4b:s6+s7], $0x20, s8, s7, $0xb8;
	[tilespmem:$0x10800] =	vst v63  }
0x7e: {  	s0 =	rddreg [dreg:$0x9];
	s8 =	simm.s32 $0x4800  }
0x7f: {  	[tilespmem:s8], [sflag:$0x1] =	stream.indirect.gather [hbm4b:s6+s7], $0x20, s0, s7, $0xb8;
	[tilespmem:$0x10800] =	vst v63  }
0x80: {  	s9 =	simm.s32 $0x280;
	s10 =	simm.s32 $0x5800  }
0x81: {  	[tilespmem:s10], [sflag:$0x1] =	stream.indirect.gather [hbm4b:s6+s7], $0x20, s9, s7, $0xb8;
	[tilespmem:$0x10800] =	vst v63  }
0x82: {  	_ = 	snop  }
0x83: {  	[tilespmem:s12], [sflag:$0x1] =	stream.indirect.gather [hbm4b:s6+s7], $0x20, s11, s7, $0xb8;
	[tilespmem:$0x10800] =	vst v63  }
0x84: {  	_ = 	snop  }
0x85: {  	[tilespmem:s14], [sflag:$0x1] =	stream.indirect.gather [hbm4b:s6+s7], $0x20, s13, s7, $0xb8;
	[tilespmem:$0x10800] =	vst v63  }
0x86: {  	_ = 	snop  }
0x87: {  	[tilespmem:s16], [sflag:$0x1] =	stream.indirect.gather [hbm4b:s6+s7], $0x20, s15, s7, $0xb8;
	[tilespmem:$0x10800] =	vst v63  }
0x88: {  	_ = 	snop  }
0x89: {  	[tilespmem:s18], [sflag:$0x1] =	stream.indirect.gather [hbm4b:s6+s7], $0x20, s17, s7, $0xb8;
	[tilespmem:$0x10800] =	vst v63  }
0x8a: {  	_ = 	snop  }
0x8b: {  	[tilespmem:s20], [sflag:$0x1] =	stream.indirect.gather [hbm4b:s6+s7], $0x20, s19, s7, $0xb8;
	[tilespmem:$0x10800] =	vst v63  }
0x8c: {  	_ = 	snop  }
0x8d: {  	[tilespmem:s22], [sflag:$0x1] =	stream.indirect.gather [hbm4b:s6+s7], $0x20, s21, s7, $0xb8;
	[tilespmem:$0x10800] =	vst v63  }
0x8e: {  	_ = 	snop  }
0x8f: {  	[tilespmem:s24], [sflag:$0x1] =	stream.indirect.gather [hbm4b:s6+s7], $0x20, s23, s7, $0xb8;
	[tilespmem:$0x10800] =	vst v63  }
0x90: {  	_ = 	snop  }
0x91: {  	[tilespmem:s26], [sflag:$0x1] =	stream.indirect.gather [hbm4b:s6+s7], $0x20, s25, s7, $0xb8;
	[tilespmem:$0x10800] =	vst v63  }
0x92: {  	_ = 	snop  }
0x93: {  	[tilespmem:s29], [sflag:$0x1] =	stream.indirect.gather [hbm4b:s6+s7], $0x20, s28, s7, $0xb8;
	[tilespmem:$0x10800] =	vst v63  }
0x94: {  	_ = 	snop  }
0x95: {  	[tilespmem:s31], [sflag:$0x1] =	stream.indirect.gather [hbm4b:s6+s7], $0x20, s30, s7, $0xb8;
	[tilespmem:$0x10800] =	vst v63  }
0x96: {  	_ =	swait.ge [sflag:s5], $0x1000  }
0x97: {  	[sflag:s5] =	ssyncset.done $0x0  }
0x98: {  	[sflag:s5] =	ssyncadd.s32 $0xFFFFF000  }
0x99: {  	_ =	swait.ge [sflag:s5], $0x1000  }
0x9a: {  	[sflag:s5] =	ssyncset.done $0x0  }
0x9b: {  	[sflag:s5] =	ssyncadd.s32 $0xFFFFF000  }
0x9c: {  	_ =	swait.ge [sflag:s5], $0x1000  }
0x9d: {  	[sflag:s5] =	ssyncset.done $0x0  }
0x9e: {  	[sflag:s5] =	ssyncadd.s32 $0xFFFFF000  }
0x9f: {  	_ =	swait.ge [sflag:s5], $0x1000  }
0xa0: {  	[sflag:s5] =	ssyncset.done $0x0  }
0xa1: {  	[sflag:s5] =	ssyncadd.s32 $0xFFFFF000  }
0xa2: {  	_ =	swait.ge [sflag:s5], $0x1000  }
0xa3: {  	[sflag:s5] =	ssyncset.done $0x0  }
0xa4: {  	[sflag:s5] =	ssyncadd.s32 $0xFFFFF000  }
0xa5: {  	_ =	swait.ge [sflag:s5], $0x1000  }
0xa6: {  	[sflag:s5] =	ssyncset.done $0x0  }
0xa7: {  	[sflag:s5] =	ssyncadd.s32 $0xFFFFF000  }
0xa8: {  	_ =	swait.ge [sflag:s5], $0x1000  }
0xa9: {  	[sflag:s5] =	ssyncset.done $0x0  }
0xaa: {  	[sflag:s5] =	ssyncadd.s32 $0xFFFFF000  }
0xab: {  	_ =	swait.ge [sflag:s5], $0x1000  }
0xac: {  	[sflag:s5] =	ssyncset.done $0x0  }
0xad: {  	[sflag:s5] =	ssyncadd.s32 $0xFFFFF000  }
0xae: {  	_ =	swait.ge [sflag:s5], $0x1000  }
0xaf: {  	[sflag:s5] =	ssyncset.done $0x0  }
0xb0: {  	[sflag:s5] =	ssyncadd.s32 $0xFFFFF000  }
0xb1: {  	_ =	swait.ge [sflag:s5], $0x1000  }
0xb2: {  	[sflag:s5] =	ssyncset.done $0x0  }
0xb3: {  	[sflag:s5] =	ssyncadd.s32 $0xFFFFF000  }
0xb4: {  	_ =	swait.ge [sflag:s5], $0x1000  }
0xb5: {  	[sflag:s5] =	ssyncset.done $0x0  }
0xb6: {  	[sflag:s5] =	ssyncadd.s32 $0xFFFFF000  }
0xb7: {  	_ =	swait.ge [sflag:s5], $0x1000  }
0xb8: {  	[sflag:s5] =	ssyncset.done $0x0  }
0xb9: {  	[sflag:s5] =	ssyncadd.s32 $0xFFFFF000  }
0xba: {  	_ =	swait.ge [sflag:s5], $0x1000  }
0xbb: {  	[sflag:s5] =	ssyncset.done $0x0  }
0xbc: {  	[sflag:s5] =	ssyncadd.s32 $0xFFFFF000  }
0xbd: {  	_ =	swait.ge [sflag:s5], $0x1000  }
0xbe: {  	[sflag:s5] =	ssyncset.done $0x0  }
0xbf: {  	[sflag:s5] =	ssyncadd.s32 $0xFFFFF000  }
0xc0: {  	_ =	swait.ge [sflag:s5], $0x1000  }
0xc1: {  	p1 =	sne.s32 s1, $0x1;
	[sflag:s5] =	ssyncset.done $0x0  }
.Ltmp2:
0xc2: {  	[sflag:s5] =	ssyncadd.s32 $0xFFFFF000;
	(pc) =	sbr.rel @p1 .LBB2_2-.Ltmp2, $4  }
0xc3: {  	_ =	swait.ge [sflag:s5], $0x1000  }
0xc4: {  	[sflag:s5] =	ssyncset.done $0x0  }
0xc5: {  	s1 =	sadd.s32 $0xFFFFFFFF, s1;
	s10 =	rddreg [dreg:$0x3];
	[sflag:s5] =	ssyncadd.s32 $0xFFFFF000  }
0xc6: {  	[hbm4b:s10+s2] =	stream.linear.scatter [tilespmem:s4], [sflag:$0x2], $0x10000, $0x38;
	[tilespmem:$0x10800] =	vst v63  }
.LBB2_3:
0xc7: {  	_ =	swait.ge @p0 [sflag:s3], $0x10000  }
0xc8: {  	[sflag:s3] =	ssyncset.done @p0 $0x0  }
0xc9: {  	s0 =	rddreg [dreg:$0x2];
	[sflag:s3] =	ssyncadd.s32 @p0 $0xFFFF0000  }
0xca: {  	[tilespmem:s2], [sflag:$0x2] =	stream.linear.gather [hbm4b:s0+s2], $0x800, $0x38;
	[tilespmem:$0x10800] =	vst v63  }
0xcb: {  	_ =	swait.ge [sflag:s3], $0x800  }
0xcc: {  	[sflag:s3] =	ssyncset.done $0x0;
	s10 =	rddreg [dreg:$0x4]  }
0xcd: {  	s0 =	rddreg [dreg:$0x5];
	[sflag:s3] =	ssyncadd.s32 $0xFFFFF800  }
0xce: {  	[tilespmem:s4], [sflag:$0x1] =	stream.indirect.gather [hbm4b:s6+s7], $0x20, s2, s7, $0xb8;
	[tilespmem:$0x10800] =	vst v63  }
0xcf: {  	s1 =	rddreg [dreg:$0x6]  }
0xd0: {  	[tilespmem:s10], [sflag:$0x1] =	stream.indirect.gather [hbm4b:s6+s7], $0x20, s7, s7, $0xb8;
	[tilespmem:$0x10800] =	vst v63  }
0xd1: {  	s8 =	rddreg [dreg:$0x8]  }
0xd2: {  	[tilespmem:s1], [sflag:$0x1] =	stream.indirect.gather [hbm4b:s6+s7], $0x20, s0, s7, $0xb8;
	[tilespmem:$0x10800] =	vst v63  }
0xd3: {  	s9 =	rddreg [dreg:$0x7]  }
0xd4: {  	[tilespmem:s8], [sflag:$0x1] =	stream.indirect.gather [hbm4b:s6+s7], $0x20, s9, s7, $0xb8;
	[tilespmem:$0x10800] =	vst v63  }
0xd5: {  	s10 =	simm.s32 $0x4800;
	s1 =	rddreg [dreg:$0x9]  }
0xd6: {  	[tilespmem:s10], [sflag:$0x1] =	stream.indirect.gather [hbm4b:s6+s7], $0x20, s1, s7, $0xb8;
	[tilespmem:$0x10800] =	vst v63  }
0xd7: {  	s9 =	simm.s32 $0x5800;
	s10 =	simm.s32 $0x280  }
0xd8: {  	[tilespmem:s9], [sflag:$0x1] =	stream.indirect.gather [hbm4b:s6+s7], $0x20, s10, s7, $0xb8;
	[tilespmem:$0x10800] =	vst v63  }
0xd9: {  	_ = 	snop  }
0xda: {  	[tilespmem:s12], [sflag:$0x1] =	stream.indirect.gather [hbm4b:s6+s7], $0x20, s11, s7, $0xb8;
	[tilespmem:$0x10800] =	vst v63  }
0xdb: {  	_ = 	snop  }
0xdc: {  	[tilespmem:s14], [sflag:$0x1] =	stream.indirect.gather [hbm4b:s6+s7], $0x20, s13, s7, $0xb8;
	[tilespmem:$0x10800] =	vst v63  }
0xdd: {  	_ = 	snop  }
0xde: {  	[tilespmem:s16], [sflag:$0x1] =	stream.indirect.gather [hbm4b:s6+s7], $0x20, s15, s7, $0xb8;
	[tilespmem:$0x10800] =	vst v63  }
0xdf: {  	_ = 	snop  }
0xe0: {  	[tilespmem:s18], [sflag:$0x1] =	stream.indirect.gather [hbm4b:s6+s7], $0x20, s17, s7, $0xb8;
	[tilespmem:$0x10800] =	vst v63  }
0xe1: {  	_ = 	snop  }
0xe2: {  	[tilespmem:s20], [sflag:$0x1] =	stream.indirect.gather [hbm4b:s6+s7], $0x20, s19, s7, $0xb8;
	[tilespmem:$0x10800] =	vst v63  }
0xe3: {  	_ = 	snop  }
0xe4: {  	[tilespmem:s22], [sflag:$0x1] =	stream.indirect.gather [hbm4b:s6+s7], $0x20, s21, s7, $0xb8;
	[tilespmem:$0x10800] =	vst v63  }
0xe5: {  	_ = 	snop  }
0xe6: {  	[tilespmem:s24], [sflag:$0x1] =	stream.indirect.gather [hbm4b:s6+s7], $0x20, s23, s7, $0xb8;
	[tilespmem:$0x10800] =	vst v63  }
0xe7: {  	_ = 	snop  }
0xe8: {  	[tilespmem:s26], [sflag:$0x1] =	stream.indirect.gather [hbm4b:s6+s7], $0x20, s25, s7, $0xb8;
	[tilespmem:$0x10800] =	vst v63  }
0xe9: {  	_ = 	snop  }
0xea: {  	[tilespmem:s29], [sflag:$0x1] =	stream.indirect.gather [hbm4b:s6+s7], $0x20, s28, s7, $0xb8;
	[tilespmem:$0x10800] =	vst v63  }
0xeb: {  	_ = 	snop  }
0xec: {  	[tilespmem:s31], [sflag:$0x1] =	stream.indirect.gather [hbm4b:s6+s7], $0x20, s30, s7, $0xb8;
	[tilespmem:$0x10800] =	vst v63  }
0xed: {  	_ =	swait.ge [sflag:s5], $0x1000  }
0xee: {  	[sflag:s5] =	ssyncset.done $0x0  }
0xef: {  	[sflag:s5] =	ssyncadd.s32 $0xFFFFF000  }
0xf0: {  	_ =	swait.ge [sflag:s5], $0x1000  }
0xf1: {  	[sflag:s5] =	ssyncset.done $0x0  }
0xf2: {  	[sflag:s5] =	ssyncadd.s32 $0xFFFFF000  }
0xf3: {  	_ =	swait.ge [sflag:s5], $0x1000  }
0xf4: {  	[sflag:s5] =	ssyncset.done $0x0  }
0xf5: {  	[sflag:s5] =	ssyncadd.s32 $0xFFFFF000  }
0xf6: {  	_ =	swait.ge [sflag:s5], $0x1000  }
0xf7: {  	[sflag:s5] =	ssyncset.done $0x0  }
0xf8: {  	[sflag:s5] =	ssyncadd.s32 $0xFFFFF000  }
0xf9: {  	_ =	swait.ge [sflag:s5], $0x1000  }
0xfa: {  	[sflag:s5] =	ssyncset.done $0x0  }
0xfb: {  	[sflag:s5] =	ssyncadd.s32 $0xFFFFF000  }
0xfc: {  	_ =	swait.ge [sflag:s5], $0x1000  }
0xfd: {  	[sflag:s5] =	ssyncset.done $0x0  }
0xfe: {  	[sflag:s5] =	ssyncadd.s32 $0xFFFFF000  }
0xff: {  	_ =	swait.ge [sflag:s5], $0x1000  }
0x100: {  	[sflag:s5] =	ssyncset.done $0x0  }
0x101: {  	[sflag:s5] =	ssyncadd.s32 $0xFFFFF000  }
0x102: {  	_ =	swait.ge [sflag:s5], $0x1000  }
0x103: {  	[sflag:s5] =	ssyncset.done $0x0  }
0x104: {  	[sflag:s5] =	ssyncadd.s32 $0xFFFFF000  }
0x105: {  	_ =	swait.ge [sflag:s5], $0x1000  }
0x106: {  	[sflag:s5] =	ssyncset.done $0x0  }
0x107: {  	[sflag:s5] =	ssyncadd.s32 $0xFFFFF000  }
0x108: {  	_ =	swait.ge [sflag:s5], $0x1000  }
0x109: {  	[sflag:s5] =	ssyncset.done $0x0  }
0x10a: {  	[sflag:s5] =	ssyncadd.s32 $0xFFFFF000  }
0x10b: {  	_ =	swait.ge [sflag:s5], $0x1000  }
0x10c: {  	[sflag:s5] =	ssyncset.done $0x0  }
0x10d: {  	[sflag:s5] =	ssyncadd.s32 $0xFFFFF000  }
0x10e: {  	_ =	swait.ge [sflag:s5], $0x1000  }
0x10f: {  	[sflag:s5] =	ssyncset.done $0x0  }
0x110: {  	[sflag:s5] =	ssyncadd.s32 $0xFFFFF000  }
0x111: {  	_ =	swait.ge [sflag:s5], $0x1000  }
0x112: {  	[sflag:s5] =	ssyncset.done $0x0  }
0x113: {  	[sflag:s5] =	ssyncadd.s32 $0xFFFFF000  }
0x114: {  	_ =	swait.ge [sflag:s5], $0x1000  }
0x115: {  	[sflag:s5] =	ssyncset.done $0x0  }
0x116: {  	[sflag:s5] =	ssyncadd.s32 $0xFFFFF000  }
0x117: {  	_ =	swait.ge [sflag:s5], $0x1000  }
0x118: {  	[sflag:s5] =	ssyncset.done $0x0  }
0x119: {  	[sflag:s5] =	ssyncadd.s32 $0xFFFFF000  }
0x11a: {  	_ =	swait.ge [sflag:s5], $0x1000  }
0x11b: {  	[sflag:s5] =	ssyncset.done $0x0  }
0x11c: {  	s30 =	rddreg [dreg:$0x3];
	[sflag:s5] =	ssyncadd.s32 $0xFFFFF000  }
0x11d: {  	[hbm4b:s30+s2] =	stream.linear.scatter [tilespmem:s4], [sflag:$0x2], $0x10000, $0x38;
	[tilespmem:$0x10800] =	vst v63  }
0x11e: {  	_ =	swait.ge [sflag:s3], $0x10000  }
0x11f: {  	[sflag:s3] =	ssyncset.done $0x0  }
0x120: {  	[sflag:s3] =	ssyncadd.s32 $0xFFFF0000  }
0x121: {  	_ =	sfence.sel $0x180000  }
0x122: {  	[bflag:$0x0] =	sbarrier.arrive $0xFFFF  }
0x123: {  	_ =	strace $0x90000047  }
0x124: {  	s31 =	stileid.u32;
	[bflag:$0x2] =	sbarrier.arrive $0xFFFF  }
0x125: {  	p0 =	sne.s32 s31, $0x0;
	s0 =	rddreg [dreg:$0x1]  }
0x126: {  	s0 =	sadd.s32 @!p0 $0x100000, s0  }
0x127: {  	[sflag:s0] =	ssyncadd.tile.s32 @!p0 $0x1;
	_ =	shalt  }
.Lfunc_end2:
_tile_overlayer_lowered:
.L_overlay_start_2:
0x128: {  	(tag) =	ssettag $0x2  }
0x129: {  	s0 =	rddreg [dreg:$0x0];
	s2 =	stileid.u32  }
0x12a: {  	s1 =	rddreg [dreg:$0x1];
	p0 =	sne.s32 s2, $0x0  }
0x12b: {  	s3 =	rddreg [dreg:$0x2];
	[bflag:$0x3] =	sbarrier.arrive $0xFFFF;
	s2 =	simm.s32 @!p0 $0x1C02  }
0x12c: {  	[timem:s3], [sflag:s2] =	dma.local @!p0 [hbm:s0], s1  }
0x12d: {  	s0 =	simm.s32 @!p0 $0x2  }
0x12e: {  	_ =	swait.ge @!p0 [sflag:s0], s1  }
0x12f: {  	s1 =	ssub.s32 @!p0 $0x0, s1;
	[sflag:s0] =	ssyncset.done @!p0 $0x0  }
0x130: {  	[sflag:s0] =	ssyncadd.s32 @!p0 s1  }
0x131: {  	[bflag:$0x3] =	sbarrier.arrive $0xFFFF  }
0x132: {  	_ =	shalt  }

</sc_bundles>
